<compile_context>
chip_gen: v7x
topology: tpu7x:2x2x1
jax: 0.10.2.dev20260603
libtpu: 0.0.44.dev20260713+nightly
codegen_flags: <defaults>
</compile_context>

<pallas_src>
import functools

import jax
import jax.numpy as jnp
from jax import lax
from jax.experimental import pallas as pl
from jax.experimental.pallas import tpu as pltpu
from jax.experimental.pallas import tpu_sc as plsc

N = 10000
E = 320000
D = 128
H = 8
DH = 16

NC = 2
NS = 16
NW = NC * NS
EPW = E // NW
BS = 80
NCHUNK = EPW // BS
ZB = 80
NZCH = N // ZB

_f32 = jnp.float32
BN = 1000
BE = 2000



def _qkvs_body(x_ref, wq_ref, wk_ref, wv_ref, ws_ref,
               bq_ref, bk_ref, bv_ref, bs_ref,
               q_ref, kv_ref, s_ref):
    x = x_ref[...]
    q_ref[...] = jnp.dot(x, wq_ref[...], preferred_element_type=_f32) + bq_ref[...]
    k = jnp.dot(x, wk_ref[...], preferred_element_type=_f32) + bk_ref[...]
    v = jnp.dot(x, wv_ref[...], preferred_element_type=_f32) + bv_ref[...]
    kv_ref[...] = jnp.concatenate([k, v], axis=1)
    s_ref[...] = jnp.dot(x, ws_ref[...], preferred_element_type=_f32) + bs_ref[...]


_W_SPEC = pl.BlockSpec((D, D), lambda i: (0, 0))
_B_SPEC = pl.BlockSpec((1, D), lambda i: (0, 0))

_tc_qkvs = pl.pallas_call(
    _qkvs_body,
    grid=(N // BN,),
    in_specs=[pl.BlockSpec((BN, D), lambda i: (i, 0)),
              _W_SPEC, _W_SPEC, _W_SPEC, _W_SPEC,
              _B_SPEC, _B_SPEC, _B_SPEC, _B_SPEC],
    out_specs=[pl.BlockSpec((BN, D), lambda i: (i, 0)),
               pl.BlockSpec((BN, 2 * D), lambda i: (i, 0)),
               pl.BlockSpec((BN, D), lambda i: (i, 0))],
    out_shape=[jax.ShapeDtypeStruct((N, D), _f32),
               jax.ShapeDtypeStruct((N, 2 * D), _f32),
               jax.ShapeDtypeStruct((N, D), _f32)],
)



def _gather_body(q_hbm, kv_hbm, src_hbm, dst_hbm, qe_out, kve_out,
                 dsti, srci, qbuf, kvbuf):
    c = lax.axis_index("c")
    s = lax.axis_index("s")
    base = (c * NS + s) * EPW

    def body(j, carry):
        off = base + j * BS
        pltpu.sync_copy(dst_hbm.at[pl.ds(off, BS)], dsti)
        pltpu.sync_copy(src_hbm.at[pl.ds(off, BS)], srci)
        pltpu.sync_copy(q_hbm.at[dsti], qbuf)
        pltpu.sync_copy(kv_hbm.at[srci], kvbuf)
        pltpu.sync_copy(qbuf, qe_out.at[pl.ds(off, BS)])
        pltpu.sync_copy(kvbuf, kve_out.at[pl.ds(off, BS)])
        return carry

    lax.fori_loop(0, NCHUNK, body, 0)


_sc_gather = functools.partial(
    pl.kernel,
    mesh=plsc.VectorSubcoreMesh(core_axis_name="c", subcore_axis_name="s"),
    out_type=[jax.ShapeDtypeStruct((E, D), _f32),
              jax.ShapeDtypeStruct((E, 2 * D), _f32)],
    scratch_types=[pltpu.VMEM((BS,), jnp.int32),
                   pltpu.VMEM((BS,), jnp.int32),
                   pltpu.VMEM((BS, D), _f32),
                   pltpu.VMEM((BS, 2 * D), _f32)],
)(_gather_body)



def _msg_body(qe_ref, kve_ref, msg_ref, wpad_ref):
    q = qe_ref[...]
    k = kve_ref[:, :D]
    v = kve_ref[:, D:]
    p = q * k
    r = lax.broadcasted_iota(jnp.int32, (D, H), 0) // DH
    cc = lax.broadcasted_iota(jnp.int32, (D, H), 1)
    m = jnp.where(r == cc, 0.25, 0.0).astype(_f32)
    alpha = jnp.dot(p, m, preferred_element_type=_f32)
    w = jnp.exp(alpha)
    rb = lax.broadcasted_iota(jnp.int32, (H, D), 0)
    cb = lax.broadcasted_iota(jnp.int32, (H, D), 1) // DH
    bmat = jnp.where(rb == cb, 1.0, 0.0).astype(_f32)
    wb = jnp.dot(w, bmat, preferred_element_type=_f32)
    msg_ref[...] = v * wb
    rp = lax.broadcasted_iota(jnp.int32, (H, DH), 0)
    cp = lax.broadcasted_iota(jnp.int32, (H, DH), 1)
    pmat = jnp.where(rp == cp, 1.0, 0.0).astype(_f32)
    wpad_ref[...] = jnp.dot(w, pmat, preferred_element_type=_f32)


_tc_msg = pl.pallas_call(
    _msg_body,
    grid=(E // BE,),
    in_specs=[pl.BlockSpec((BE, D), lambda i: (i, 0)),
              pl.BlockSpec((BE, 2 * D), lambda i: (i, 0))],
    out_specs=[pl.BlockSpec((BE, D), lambda i: (i, 0)),
               pl.BlockSpec((BE, DH), lambda i: (i, 0))],
    out_shape=[jax.ShapeDtypeStruct((E, D), _f32),
               jax.ShapeDtypeStruct((E, DH), _f32)],
)



def _make_scatter(width):

    def _body(rows_hbm, dst_hbm, acc_out, dsti, rbuf, zbuf, accs):
        c = lax.axis_index("c")
        s = lax.axis_index("s")

        def zrow(i, carry):
            for j in range(width // 16):
                zbuf[i, pl.ds(j * 16, 16)] = jnp.zeros((16,), _f32)
            return carry

        lax.fori_loop(0, ZB, zrow, 0)

        def zchunk(i, carry):
            ch = s + NS * i

            @pl.when(ch < NZCH)
            def _():
                pltpu.sync_copy(zbuf, accs.at[pl.ds(ch * ZB, ZB)])

            return carry

        lax.fori_loop(0, (NZCH + NS - 1) // NS, zchunk, 0)
        plsc.subcore_barrier()

        base = (c * NS + s) * EPW

        def body(j, carry):
            off = base + j * BS
            pltpu.sync_copy(dst_hbm.at[pl.ds(off, BS)], dsti)
            pltpu.sync_copy(rows_hbm.at[pl.ds(off, BS)], rbuf)
            pltpu.sync_copy(rbuf, accs.at[dsti], add=True)
            return carry

        lax.fori_loop(0, NCHUNK, body, 0)
        plsc.subcore_barrier()

        def ochunk(i, carry):
            ch = s + NS * i

            @pl.when(ch < NZCH)
            def _():
                pltpu.sync_copy(accs.at[pl.ds(ch * ZB, ZB)],
                                acc_out.at[c].at[pl.ds(ch * ZB, ZB)])

            return carry

        lax.fori_loop(0, (NZCH + NS - 1) // NS, ochunk, 0)

    return functools.partial(
        pl.kernel,
        mesh=plsc.VectorSubcoreMesh(core_axis_name="c", subcore_axis_name="s"),
        out_type=jax.ShapeDtypeStruct((NC, N, width), _f32),
        scratch_types=[pltpu.VMEM((BS,), jnp.int32),
                       pltpu.VMEM((BS, width), _f32),
                       pltpu.VMEM((ZB, width), _f32),
                       pltpu.VMEM_SHARED((N, width), _f32)],
    )(_body)


_sc_scatter_msg = _make_scatter(D)
_sc_scatter_den = _make_scatter(DH)



def _final_body(acc_ref, den_ref, s_ref, x_ref, a_ref, o_ref, *, residual):
    acc = acc_ref[0] + acc_ref[1]
    den = den_ref[0] + den_ref[1]
    rp = lax.broadcasted_iota(jnp.int32, (DH, D), 0)
    cp = lax.broadcasted_iota(jnp.int32, (DH, D), 1) // DH
    pb = jnp.where(rp == cp, 1.0, 0.0).astype(_f32)
    denb = jnp.dot(den, pb, preferred_element_type=_f32)
    out = acc / (denb + 1e-16) + s_ref[...]
    if residual:
        out = out + x_ref[...]
    a = a_ref[0, 0]
    o_ref[...] = jnp.where(out >= 0, out, a * out)


def _make_final(residual):
    return pl.pallas_call(
        functools.partial(_final_body, residual=residual),
        grid=(N // BN,),
        in_specs=[pl.BlockSpec((NC, BN, D), lambda i: (0, i, 0)),
                  pl.BlockSpec((NC, BN, DH), lambda i: (0, i, 0)),
                  pl.BlockSpec((BN, D), lambda i: (i, 0)),
                  pl.BlockSpec((BN, D), lambda i: (i, 0)),
                  pl.BlockSpec((1, 1), lambda i: (0, 0))],
        out_specs=pl.BlockSpec((BN, D), lambda i: (i, 0)),
        out_shape=jax.ShapeDtypeStruct((N, D), _f32),
    )


_tc_final_plain = _make_final(False)
_tc_final_resid = _make_final(True)



def _layer(xin, src, dst, wq, bq, wk, bk, wv, bv, ws, bs, a2, xres):
    q, kv, sk = _tc_qkvs(xin, wq, wk, wv, ws,
                         bq.reshape(1, D), bk.reshape(1, D),
                         bv.reshape(1, D), bs.reshape(1, D))
    qe, kve = _sc_gather(q, kv, src, dst)
    msg, wpad = _tc_msg(qe, kve)
    accs = _sc_scatter_msg(msg, dst)
    dens = _sc_scatter_den(wpad, dst)
    if xres is None:
        return _tc_final_plain(accs, dens, sk, xin, a2)
    return _tc_final_resid(accs, dens, sk, xres, a2)


def kernel(x, edge_index, Wq1, bq1, Wk1, bk1, Wv1, bv1, Ws1, bs1,
           Wq2, bq2, Wk2, bk2, Wv2, bv2, Ws2, bs2, a):
    src = edge_index[0].astype(jnp.int32)
    dst = edge_index[1].astype(jnp.int32)
    a2 = jnp.asarray(a, _f32).reshape(1, 1)
    x1 = _layer(x, src, dst, Wq1, bq1, Wk1, bk1, Wv1, bv1, Ws1, bs1, a2, None)
    return _layer(x1, src, dst, Wq2, bq2, Wk2, bk2, Wv2, bv2, Ws2, bs2, a2, x)

# --- scband reference (transcript-rebuilt; emitter-appended) ---
"""Pipeline reference for scband-graph-structural-layer-3633542332533 (READ-ONLY COPY).

The authoritative reference and input builder live on the scoring server;
editing this copy changes nothing except your own understanding.
"""

import jax, jax.numpy as jnp
import numpy as np

N = 10000
E = 320000
D = 128
H = 8
DH = D // H  # 16


def setup_inputs(seed: int = 0) -> dict:
    key = jax.random.key(seed)
    ks = jax.random.split(key, 20)
    x = jax.random.normal(ks[0], (N, D), dtype=jnp.float32)
    edge_index = jax.random.randint(ks[1], (2, E), 0, N, dtype=jnp.int64)
    # Linear weights stored as [in, out] (y = x @ W + b), kaiming-normal style init, zero bias
    s = float(np.sqrt(2.0 / D))
    def lin(k):
        return jax.random.normal(k, (D, D), dtype=jnp.float32) * s
    inp = {
        "x": x,
        "edge_index": edge_index,
        "Wq1": lin(ks[2]), "bq1": jnp.zeros((D,), jnp.float32),
        "Wk1": lin(ks[3]), "bk1": jnp.zeros((D,), jnp.float32),
        "Wv1": lin(ks[4]), "bv1": jnp.zeros((D,), jnp.float32),
        "Ws1": lin(ks[5]), "bs1": jnp.zeros((D,), jnp.float32),
        "Wq2": lin(ks[6]), "bq2": jnp.zeros((D,), jnp.float32),
        "Wk2": lin(ks[7]), "bk2": jnp.zeros((D,), jnp.float32),
        "Wv2": lin(ks[8]), "bv2": jnp.zeros((D,), jnp.float32),
        "Ws2": lin(ks[9]), "bs2": jnp.zeros((D,), jnp.float32),
        "a": jnp.asarray(0.25, dtype=jnp.float32),  # PReLU (shared, num_parameters=1)
    }
    return inp


def _segment_softmax(scores, seg, num_segments):
    m = jax.ops.segment_max(scores, seg, num_segments=num_segments)
    m = jnp.where(jnp.isfinite(m), m, 0.0)
    ex = jnp.exp(scores - m[seg])
    denom = jax.ops.segment_sum(ex, seg, num_segments=num_segments)
    return ex / (denom[seg] + 1e-16)


def _transformer_conv(x, src, dst, Wq, bq, Wk, bk, Wv, bv, Ws, bs):
    # PyG TransformerConv, concat=True, root_weight=True, dropout inactive (eval)
    q = (x @ Wq + bq).reshape(-1, H, DH)
    k = (x @ Wk + bk).reshape(-1, H, DH)
    v = (x @ Wv + bv).reshape(-1, H, DH)
    q_e = q[dst]          # [E, H, DH] query at destination
    k_e = k[src]          # [E, H, DH] key at source
    v_e = v[src]          # [E, H, DH]
    alpha = (q_e * k_e).sum(-1) / jnp.sqrt(float(DH))  # [E, H]
    attn = _segment_softmax(alpha, dst, N)             # softmax over incoming edges per dst
    msg = v_e * attn[:, :, None]                       # [E, H, DH]
    out = jax.ops.segment_sum(msg, dst, num_segments=N)  # [N, H, DH]
    out = out.reshape(-1, H * DH)
    out = out + (x @ Ws + bs)  # root/skip connection
    return out


def _prelu(x, a):
    return jnp.where(x >= 0, x, a * x)


def reference(x, edge_index, Wq1, bq1, Wk1, bk1, Wv1, bv1, Ws1, bs1,
              Wq2, bq2, Wk2, bk2, Wv2, bv2, Ws2, bs2, a):
    src = edge_index[0]
    dst = edge_index[1]
    out1 = _transformer_conv(x, src, dst, Wq1, bq1, Wk1, bk1, Wv1, bv1, Ws1, bs1)
    out1 = _prelu(out1, a)
    out1 = _transformer_conv(out1, src, dst, Wq2, bq2, Wk2, bk2, Wv2, bv2, Ws2, bs2)
    out1 = out1 + x
    out1 = _prelu(out1, a)
    return out1

if __name__ == "__main__":
    import jax
    _d = setup_inputs()
    print(jax.jit(kernel)(*tuple(_d.values())))

</pallas_src>

<mosaic_0001>
#map = affine_map<(d0, d1) -> (0, 0)>
#map1 = affine_map<(d0, d1) -> (0)>
module attributes {stable_mosaic.version = 14 : i64} {
  func.func @_gather_body(%arg0: i32, %arg1: i32, %arg2: memref<10000x128xf32, #tpu.memory_space<hbm>>, %arg3: memref<10000x256xf32, #tpu.memory_space<hbm>>, %arg4: memref<320000xi32, #tpu.memory_space<hbm>>, %arg5: memref<320000xi32, #tpu.memory_space<hbm>>, %arg6: memref<320000x128xf32, #tpu.memory_space<hbm>>, %arg7: memref<320000x256xf32, #tpu.memory_space<hbm>>, %arg8: memref<80xi32, #tpu.memory_space<vmem>>, %arg9: memref<80xi32, #tpu.memory_space<vmem>>, %arg10: memref<80x128xf32, #tpu.memory_space<vmem>>, %arg11: memref<80x256xf32, #tpu.memory_space<vmem>>) attributes {dimension_semantics = [#tpu.dimension_semantics<core_parallel>, #tpu.dimension_semantics<subcore_parallel>], iteration_bounds = array<i64: 2, 16>, scalar_prefetch = 0 : i64, scratch_operands = 4 : i64, tpu.core_type = #tpu.core_type<sc_vector_subcore>, window_params = [{transform_indices = #map}, {transform_indices = #map}, {transform_indices = #map1}, {transform_indices = #map1}, {transform_indices = #map}, {transform_indices = #map}]} {
    %mul3A = arith.constant 16 : i32
    %mul3A_0 = arith.muli %arg0, %mul3A : i32
    %add3A = arith.addi %mul3A_0, %arg1 : i32
    %mul3A_1 = arith.constant 10000 : i32
    %mul3A_2 = arith.muli %add3A, %mul3A_1 : i32
    %scan3A = arith.constant 0 : i32
    %scan3A_3 = arith.constant 0 : i32
    %scan3A_4 = arith.constant 125 : i32
    %scan3A_5 = arith.addi %scan3A_3, %scan3A_4 : i32
    %scan3A_6 = arith.constant 1 : i32
    scf.for %scan3A_8 = %scan3A_3 to %scan3A_5 step %scan3A_6  : i32 {
      %mul3A_9 = arith.constant 80 : i32
      %mul3A_10 = arith.muli %scan3A_8, %mul3A_9 : i32
      %add3A_11 = arith.addi %mul3A_2, %mul3A_10 : i32
      "tpu.region"() ({
        %run_scoped3A = tpu.sem_alloc : memref<!tpu.dma_semaphore, #tpu.memory_space<semaphore_mem>>
        %dma_start3A = tpu.memref_slice %arg5[%add3A_11] : memref<320000xi32, #tpu.memory_space<hbm>> -> memref<80xi32, #tpu.memory_space<hbm>>
        %dma_start3A_12 = tpu.memref_slice %arg5[%add3A_11] : memref<320000xi32, #tpu.memory_space<hbm>> -> memref<80xi32, #tpu.memory_space<hbm>>
        tpu.enqueue_dma source(%dma_start3A_12 : memref<80xi32, #tpu.memory_space<hbm>>) target(%arg8 : memref<80xi32, #tpu.memory_space<vmem>>) target_semaphore(%run_scoped3A : memref<!tpu.dma_semaphore, #tpu.memory_space<semaphore_mem>>)
        %dma_wait3A = tpu.memref_slice %arg5[%add3A_11] : memref<320000xi32, #tpu.memory_space<hbm>> -> memref<80xi32, #tpu.memory_space<hbm>>
        %dma_wait3A_13 = tpu.memref_slice %arg5[%add3A_11] : memref<320000xi32, #tpu.memory_space<hbm>> -> memref<80xi32, #tpu.memory_space<hbm>>
        tpu.wait_dma2 semaphore(%run_scoped3A : memref<!tpu.dma_semaphore, #tpu.memory_space<semaphore_mem>>) src(%dma_wait3A_13 : memref<80xi32, #tpu.memory_space<hbm>>) dst(%arg8 : memref<80xi32, #tpu.memory_space<vmem>>)
        tpu.yield
      }) : () -> ()
      "tpu.region"() ({
        %run_scoped3A = tpu.sem_alloc : memref<!tpu.dma_semaphore, #tpu.memory_space<semaphore_mem>>
        %dma_start3A = tpu.memref_slice %arg4[%add3A_11] : memref<320000xi32, #tpu.memory_space<hbm>> -> memref<80xi32, #tpu.memory_space<hbm>>
        %dma_start3A_12 = tpu.memref_slice %arg4[%add3A_11] : memref<320000xi32, #tpu.memory_space<hbm>> -> memref<80xi32, #tpu.memory_space<hbm>>
        tpu.enqueue_dma source(%dma_start3A_12 : memref<80xi32, #tpu.memory_space<hbm>>) target(%arg9 : memref<80xi32, #tpu.memory_space<vmem>>) target_semaphore(%run_scoped3A : memref<!tpu.dma_semaphore, #tpu.memory_space<semaphore_mem>>)
        %dma_wait3A = tpu.memref_slice %arg4[%add3A_11] : memref<320000xi32, #tpu.memory_space<hbm>> -> memref<80xi32, #tpu.memory_space<hbm>>
        %dma_wait3A_13 = tpu.memref_slice %arg4[%add3A_11] : memref<320000xi32, #tpu.memory_space<hbm>> -> memref<80xi32, #tpu.memory_space<hbm>>
        tpu.wait_dma2 semaphore(%run_scoped3A : memref<!tpu.dma_semaphore, #tpu.memory_space<semaphore_mem>>) src(%dma_wait3A_13 : memref<80xi32, #tpu.memory_space<hbm>>) dst(%arg9 : memref<80xi32, #tpu.memory_space<vmem>>)
        tpu.yield
      }) : () -> ()
      "tpu.region"() ({
        %run_scoped3A = tpu.sem_alloc : memref<!tpu.dma_semaphore, #tpu.memory_space<semaphore_mem>>
        %dma_start3A = arith.constant 0 : i32
        %dma_start3A_12 = arith.constant 0 : i32
        %dma_start3A_13 = tpu.memref_slice %arg2[%dma_start3A, %dma_start3A_12] : memref<10000x128xf32, #tpu.memory_space<hbm>> -> memref<10000x128xf32, #tpu.memory_space<hbm>>
        tpu.enqueue_indirect_dma source(%dma_start3A_13 : memref<10000x128xf32, #tpu.memory_space<hbm>>) target(%arg10 : memref<80x128xf32, #tpu.memory_space<vmem>>) offsets(%arg8 : memref<80xi32, #tpu.memory_space<vmem>>) semaphore(%run_scoped3A : memref<!tpu.dma_semaphore, #tpu.memory_space<semaphore_mem>>)
        %dma_wait3A = arith.constant 0 : i32
        %dma_wait3A_14 = arith.constant 0 : i32
        %dma_wait3A_15 = tpu.memref_slice %arg2[%dma_wait3A, %dma_wait3A_14] : memref<10000x128xf32, #tpu.memory_space<hbm>> -> memref<10000x128xf32, #tpu.memory_space<hbm>>
        tpu.wait_indirect_dma semaphore(%run_scoped3A : memref<!tpu.dma_semaphore, #tpu.memory_space<semaphore_mem>>) src(%dma_wait3A_15 : memref<10000x128xf32, #tpu.memory_space<hbm>>) dst(%arg10 : memref<80x128xf32, #tpu.memory_space<vmem>>)
        tpu.yield
      }) : () -> ()
      "tpu.region"() ({
        %run_scoped3A = tpu.sem_alloc : memref<!tpu.dma_semaphore, #tpu.memory_space<semaphore_mem>>
        %dma_start3A = arith.constant 0 : i32
        %dma_start3A_12 = arith.constant 0 : i32
        %dma_start3A_13 = tpu.memref_slice %arg3[%dma_start3A, %dma_start3A_12] : memref<10000x256xf32, #tpu.memory_space<hbm>> -> memref<10000x256xf32, #tpu.memory_space<hbm>>
        tpu.enqueue_indirect_dma source(%dma_start3A_13 : memref<10000x256xf32, #tpu.memory_space<hbm>>) target(%arg11 : memref<80x256xf32, #tpu.memory_space<vmem>>) offsets(%arg9 : memref<80xi32, #tpu.memory_space<vmem>>) semaphore(%run_scoped3A : memref<!tpu.dma_semaphore, #tpu.memory_space<semaphore_mem>>)
        %dma_wait3A = arith.constant 0 : i32
        %dma_wait3A_14 = arith.constant 0 : i32
        %dma_wait3A_15 = tpu.memref_slice %arg3[%dma_wait3A, %dma_wait3A_14] : memref<10000x256xf32, #tpu.memory_space<hbm>> -> memref<10000x256xf32, #tpu.memory_space<hbm>>
        tpu.wait_indirect_dma semaphore(%run_scoped3A : memref<!tpu.dma_semaphore, #tpu.memory_space<semaphore_mem>>) src(%dma_wait3A_15 : memref<10000x256xf32, #tpu.memory_space<hbm>>) dst(%arg11 : memref<80x256xf32, #tpu.memory_space<vmem>>)
        tpu.yield
      }) : () -> ()
      "tpu.region"() ({
        %run_scoped3A = tpu.sem_alloc : memref<!tpu.dma_semaphore, #tpu.memory_space<semaphore_mem>>
        %dma_start3A = arith.constant 0 : i32
        %dma_start3A_12 = tpu.memref_slice %arg6[%add3A_11, %dma_start3A] : memref<320000x128xf32, #tpu.memory_space<hbm>> -> memref<80x128xf32, #tpu.memory_space<hbm>>
        %dma_start3A_13 = arith.constant 0 : i32
        %dma_start3A_14 = tpu.memref_slice %arg6[%add3A_11, %dma_start3A_13] : memref<320000x128xf32, #tpu.memory_space<hbm>> -> memref<80x128xf32, #tpu.memory_space<hbm>>
        tpu.enqueue_dma source(%arg10 : memref<80x128xf32, #tpu.memory_space<vmem>>) target(%dma_start3A_14 : memref<80x128xf32, #tpu.memory_space<hbm>>) target_semaphore(%run_scoped3A : memref<!tpu.dma_semaphore, #tpu.memory_space<semaphore_mem>>)
        %dma_wait3A = arith.constant 0 : i32
        %dma_wait3A_15 = tpu.memref_slice %arg6[%add3A_11, %dma_wait3A] : memref<320000x128xf32, #tpu.memory_space<hbm>> -> memref<80x128xf32, #tpu.memory_space<hbm>>
        %dma_wait3A_16 = arith.constant 0 : i32
        %dma_wait3A_17 = tpu.memref_slice %arg6[%add3A_11, %dma_wait3A_16] : memref<320000x128xf32, #tpu.memory_space<hbm>> -> memref<80x128xf32, #tpu.memory_space<hbm>>
        tpu.wait_dma2 semaphore(%run_scoped3A : memref<!tpu.dma_semaphore, #tpu.memory_space<semaphore_mem>>) src(%arg10 : memref<80x128xf32, #tpu.memory_space<vmem>>) dst(%dma_wait3A_17 : memref<80x128xf32, #tpu.memory_space<hbm>>)
        tpu.yield
      }) : () -> ()
      "tpu.region"() ({
        %run_scoped3A = tpu.sem_alloc : memref<!tpu.dma_semaphore, #tpu.memory_space<semaphore_mem>>
        %dma_start3A = arith.constant 0 : i32
        %dma_start3A_12 = tpu.memref_slice %arg7[%add3A_11, %dma_start3A] : memref<320000x256xf32, #tpu.memory_space<hbm>> -> memref<80x256xf32, #tpu.memory_space<hbm>>
        %dma_start3A_13 = arith.constant 0 : i32
        %dma_start3A_14 = tpu.memref_slice %arg7[%add3A_11, %dma_start3A_13] : memref<320000x256xf32, #tpu.memory_space<hbm>> -> memref<80x256xf32, #tpu.memory_space<hbm>>
        tpu.enqueue_dma source(%arg11 : memref<80x256xf32, #tpu.memory_space<vmem>>) target(%dma_start3A_14 : memref<80x256xf32, #tpu.memory_space<hbm>>) target_semaphore(%run_scoped3A : memref<!tpu.dma_semaphore, #tpu.memory_space<semaphore_mem>>)
        %dma_wait3A = arith.constant 0 : i32
        %dma_wait3A_15 = tpu.memref_slice %arg7[%add3A_11, %dma_wait3A] : memref<320000x256xf32, #tpu.memory_space<hbm>> -> memref<80x256xf32, #tpu.memory_space<hbm>>
        %dma_wait3A_16 = arith.constant 0 : i32
        %dma_wait3A_17 = tpu.memref_slice %arg7[%add3A_11, %dma_wait3A_16] : memref<320000x256xf32, #tpu.memory_space<hbm>> -> memref<80x256xf32, #tpu.memory_space<hbm>>
        tpu.wait_dma2 semaphore(%run_scoped3A : memref<!tpu.dma_semaphore, #tpu.memory_space<semaphore_mem>>) src(%arg11 : memref<80x256xf32, #tpu.memory_space<vmem>>) dst(%dma_wait3A_17 : memref<80x256xf32, #tpu.memory_space<hbm>>)
        tpu.yield
      }) : () -> ()
    }
    %scan3A_7 = arith.constant 125 : i32
    return
  }
}

#map = affine_map<(d0, d1) -> (0, 0)>
#map1 = affine_map<(d0, d1) -> (0)>
module attributes {stable_mosaic.version = 14 : i64} {
  func.func @_gather_body(%arg0: i32, %arg1: i32, %arg2: memref<10000x128xf32, #tpu.memory_space<hbm>>, %arg3: memref<10000x256xf32, #tpu.memory_space<hbm>>, %arg4: memref<320000xi32, #tpu.memory_space<hbm>>, %arg5: memref<320000xi32, #tpu.memory_space<hbm>>, %arg6: memref<320000x128xf32, #tpu.memory_space<hbm>>, %arg7: memref<320000x256xf32, #tpu.memory_space<hbm>>, %arg8: memref<80xi32, #tpu.memory_space<vmem>>, %arg9: memref<80xi32, #tpu.memory_space<vmem>>, %arg10: memref<80x128xf32, #tpu.memory_space<vmem>>, %arg11: memref<80x256xf32, #tpu.memory_space<vmem>>) attributes {dimension_semantics = [#tpu.dimension_semantics<core_parallel>, #tpu.dimension_semantics<subcore_parallel>], iteration_bounds = array<i64: 2, 16>, scalar_prefetch = 0 : i64, scratch_operands = 4 : i64, tpu.core_type = #tpu.core_type<sc_vector_subcore>, window_params = [{transform_indices = #map}, {transform_indices = #map}, {transform_indices = #map1}, {transform_indices = #map1}, {transform_indices = #map}, {transform_indices = #map}]} {
    %mul3A = arith.constant 16 : i32
    %mul3A_0 = arith.muli %arg0, %mul3A : i32
    %add3A = arith.addi %mul3A_0, %arg1 : i32
    %mul3A_1 = arith.constant 10000 : i32
    %mul3A_2 = arith.muli %add3A, %mul3A_1 : i32
    %scan3A = arith.constant 0 : i32
    %scan3A_3 = arith.constant 0 : i32
    %scan3A_4 = arith.constant 125 : i32
    %scan3A_5 = arith.addi %scan3A_3, %scan3A_4 : i32
    %scan3A_6 = arith.constant 1 : i32
    scf.for %scan3A_8 = %scan3A_3 to %scan3A_5 step %scan3A_6  : i32 {
      %mul3A_9 = arith.constant 80 : i32
      %mul3A_10 = arith.muli %scan3A_8, %mul3A_9 : i32
      %add3A_11 = arith.addi %mul3A_2, %mul3A_10 : i32
      "tpu.region"() ({
        %run_scoped3A = tpu.sem_alloc : memref<!tpu.dma_semaphore, #tpu.memory_space<semaphore_mem>>
        %dma_start3A = tpu.memref_slice %arg5[%add3A_11] : memref<320000xi32, #tpu.memory_space<hbm>> -> memref<80xi32, #tpu.memory_space<hbm>>
        %dma_start3A_12 = tpu.memref_slice %arg5[%add3A_11] : memref<320000xi32, #tpu.memory_space<hbm>> -> memref<80xi32, #tpu.memory_space<hbm>>
        tpu.enqueue_dma source(%dma_start3A_12 : memref<80xi32, #tpu.memory_space<hbm>>) target(%arg8 : memref<80xi32, #tpu.memory_space<vmem>>) target_semaphore(%run_scoped3A : memref<!tpu.dma_semaphore, #tpu.memory_space<semaphore_mem>>)
        %dma_wait3A = tpu.memref_slice %arg5[%add3A_11] : memref<320000xi32, #tpu.memory_space<hbm>> -> memref<80xi32, #tpu.memory_space<hbm>>
        %dma_wait3A_13 = tpu.memref_slice %arg5[%add3A_11] : memref<320000xi32, #tpu.memory_space<hbm>> -> memref<80xi32, #tpu.memory_space<hbm>>
        tpu.wait_dma2 semaphore(%run_scoped3A : memref<!tpu.dma_semaphore, #tpu.memory_space<semaphore_mem>>) src(%dma_wait3A_13 : memref<80xi32, #tpu.memory_space<hbm>>) dst(%arg8 : memref<80xi32, #tpu.memory_space<vmem>>)
        tpu.yield
      }) : () -> ()
      "tpu.region"() ({
        %run_scoped3A = tpu.sem_alloc : memref<!tpu.dma_semaphore, #tpu.memory_space<semaphore_mem>>
        %dma_start3A = tpu.memref_slice %arg4[%add3A_11] : memref<320000xi32, #tpu.memory_space<hbm>> -> memref<80xi32, #tpu.memory_space<hbm>>
        %dma_start3A_12 = tpu.memref_slice %arg4[%add3A_11] : memref<320000xi32, #tpu.memory_space<hbm>> -> memref<80xi32, #tpu.memory_space<hbm>>
        tpu.enqueue_dma source(%dma_start3A_12 : memref<80xi32, #tpu.memory_space<hbm>>) target(%arg9 : memref<80xi32, #tpu.memory_space<vmem>>) target_semaphore(%run_scoped3A : memref<!tpu.dma_semaphore, #tpu.memory_space<semaphore_mem>>)
        %dma_wait3A = tpu.memref_slice %arg4[%add3A_11] : memref<320000xi32, #tpu.memory_space<hbm>> -> memref<80xi32, #tpu.memory_space<hbm>>
        %dma_wait3A_13 = tpu.memref_slice %arg4[%add3A_11] : memref<320000xi32, #tpu.memory_space<hbm>> -> memref<80xi32, #tpu.memory_space<hbm>>
        tpu.wait_dma2 semaphore(%run_scoped3A : memref<!tpu.dma_semaphore, #tpu.memory_space<semaphore_mem>>) src(%dma_wait3A_13 : memref<80xi32, #tpu.memory_space<hbm>>) dst(%arg9 : memref<80xi32, #tpu.memory_space<vmem>>)
        tpu.yield
      }) : () -> ()
      "tpu.region"() ({
        %run_scoped3A = tpu.sem_alloc : memref<!tpu.dma_semaphore, #tpu.memory_space<semaphore_mem>>
        %dma_start3A = arith.constant 0 : i32
        %dma_start3A_12 = arith.constant 0 : i32
        %dma_start3A_13 = tpu.memref_slice %arg2[%dma_start3A, %dma_start3A_12] : memref<10000x128xf32, #tpu.memory_space<hbm>> -> memref<10000x128xf32, #tpu.memory_space<hbm>>
        tpu.enqueue_indirect_dma source(%dma_start3A_13 : memref<10000x128xf32, #tpu.memory_space<hbm>>) target(%arg10 : memref<80x128xf32, #tpu.memory_space<vmem>>) offsets(%arg8 : memref<80xi32, #tpu.memory_space<vmem>>) semaphore(%run_scoped3A : memref<!tpu.dma_semaphore, #tpu.memory_space<semaphore_mem>>)
        %dma_wait3A = arith.constant 0 : i32
        %dma_wait3A_14 = arith.constant 0 : i32
        %dma_wait3A_15 = tpu.memref_slice %arg2[%dma_wait3A, %dma_wait3A_14] : memref<10000x128xf32, #tpu.memory_space<hbm>> -> memref<10000x128xf32, #tpu.memory_space<hbm>>
        tpu.wait_indirect_dma semaphore(%run_scoped3A : memref<!tpu.dma_semaphore, #tpu.memory_space<semaphore_mem>>) src(%dma_wait3A_15 : memref<10000x128xf32, #tpu.memory_space<hbm>>) dst(%arg10 : memref<80x128xf32, #tpu.memory_space<vmem>>)
        tpu.yield
      }) : () -> ()
      "tpu.region"() ({
        %run_scoped3A = tpu.sem_alloc : memref<!tpu.dma_semaphore, #tpu.memory_space<semaphore_mem>>
        %dma_start3A = arith.constant 0 : i32
        %dma_start3A_12 = arith.constant 0 : i32
        %dma_start3A_13 = tpu.memref_slice %arg3[%dma_start3A, %dma_start3A_12] : memref<10000x256xf32, #tpu.memory_space<hbm>> -> memref<10000x256xf32, #tpu.memory_space<hbm>>
        tpu.enqueue_indirect_dma source(%dma_start3A_13 : memref<10000x256xf32, #tpu.memory_space<hbm>>) target(%arg11 : memref<80x256xf32, #tpu.memory_space<vmem>>) offsets(%arg9 : memref<80xi32, #tpu.memory_space<vmem>>) semaphore(%run_scoped3A : memref<!tpu.dma_semaphore, #tpu.memory_space<semaphore_mem>>)
        %dma_wait3A = arith.constant 0 : i32
        %dma_wait3A_14 = arith.constant 0 : i32
        %dma_wait3A_15 = tpu.memref_slice %arg3[%dma_wait3A, %dma_wait3A_14] : memref<10000x256xf32, #tpu.memory_space<hbm>> -> memref<10000x256xf32, #tpu.memory_space<hbm>>
        tpu.wait_indirect_dma semaphore(%run_scoped3A : memref<!tpu.dma_semaphore, #tpu.memory_space<semaphore_mem>>) src(%dma_wait3A_15 : memref<10000x256xf32, #tpu.memory_space<hbm>>) dst(%arg11 : memref<80x256xf32, #tpu.memory_space<vmem>>)
        tpu.yield
      }) : () -> ()
      "tpu.region"() ({
        %run_scoped3A = tpu.sem_alloc : memref<!tpu.dma_semaphore, #tpu.memory_space<semaphore_mem>>
        %dma_start3A = arith.constant 0 : i32
        %dma_start3A_12 = tpu.memref_slice %arg6[%add3A_11, %dma_start3A] : memref<320000x128xf32, #tpu.memory_space<hbm>> -> memref<80x128xf32, #tpu.memory_space<hbm>>
        %dma_start3A_13 = arith.constant 0 : i32
        %dma_start3A_14 = tpu.memref_slice %arg6[%add3A_11, %dma_start3A_13] : memref<320000x128xf32, #tpu.memory_space<hbm>> -> memref<80x128xf32, #tpu.memory_space<hbm>>
        tpu.enqueue_dma source(%arg10 : memref<80x128xf32, #tpu.memory_space<vmem>>) target(%dma_start3A_14 : memref<80x128xf32, #tpu.memory_space<hbm>>) target_semaphore(%run_scoped3A : memref<!tpu.dma_semaphore, #tpu.memory_space<semaphore_mem>>)
        %dma_wait3A = arith.constant 0 : i32
        %dma_wait3A_15 = tpu.memref_slice %arg6[%add3A_11, %dma_wait3A] : memref<320000x128xf32, #tpu.memory_space<hbm>> -> memref<80x128xf32, #tpu.memory_space<hbm>>
        %dma_wait3A_16 = arith.constant 0 : i32
        %dma_wait3A_17 = tpu.memref_slice %arg6[%add3A_11, %dma_wait3A_16] : memref<320000x128xf32, #tpu.memory_space<hbm>> -> memref<80x128xf32, #tpu.memory_space<hbm>>
        tpu.wait_dma2 semaphore(%run_scoped3A : memref<!tpu.dma_semaphore, #tpu.memory_space<semaphore_mem>>) src(%arg10 : memref<80x128xf32, #tpu.memory_space<vmem>>) dst(%dma_wait3A_17 : memref<80x128xf32, #tpu.memory_space<hbm>>)
        tpu.yield
      }) : () -> ()
      "tpu.region"() ({
        %run_scoped3A = tpu.sem_alloc : memref<!tpu.dma_semaphore, #tpu.memory_space<semaphore_mem>>
        %dma_start3A = arith.constant 0 : i32
        %dma_start3A_12 = tpu.memref_slice %arg7[%add3A_11, %dma_start3A] : memref<320000x256xf32, #tpu.memory_space<hbm>> -> memref<80x256xf32, #tpu.memory_space<hbm>>
        %dma_start3A_13 = arith.constant 0 : i32
        %dma_start3A_14 = tpu.memref_slice %arg7[%add3A_11, %dma_start3A_13] : memref<320000x256xf32, #tpu.memory_space<hbm>> -> memref<80x256xf32, #tpu.memory_space<hbm>>
        tpu.enqueue_dma source(%arg11 : memref<80x256xf32, #tpu.memory_space<vmem>>) target(%dma_start3A_14 : memref<80x256xf32, #tpu.memory_space<hbm>>) target_semaphore(%run_scoped3A : memref<!tpu.dma_semaphore, #tpu.memory_space<semaphore_mem>>)
        %dma_wait3A = arith.constant 0 : i32
        %dma_wait3A_15 = tpu.memref_slice %arg7[%add3A_11, %dma_wait3A] : memref<320000x256xf32, #tpu.memory_space<hbm>> -> memref<80x256xf32, #tpu.memory_space<hbm>>
        %dma_wait3A_16 = arith.constant 0 : i32
        %dma_wait3A_17 = tpu.memref_slice %arg7[%add3A_11, %dma_wait3A_16] : memref<320000x256xf32, #tpu.memory_space<hbm>> -> memref<80x256xf32, #tpu.memory_space<hbm>>
        tpu.wait_dma2 semaphore(%run_scoped3A : memref<!tpu.dma_semaphore, #tpu.memory_space<semaphore_mem>>) src(%arg11 : memref<80x256xf32, #tpu.memory_space<vmem>>) dst(%dma_wait3A_17 : memref<80x256xf32, #tpu.memory_space<hbm>>)
        tpu.yield
      }) : () -> ()
    }
    %scan3A_7 = arith.constant 125 : i32
    return
  }
}

#map = affine_map<(d0, d1) -> (0, 0)>
#map1 = affine_map<(d0, d1) -> (0)>
#map2 = affine_map<(d0, d1) -> (0, 0, 0)>
module attributes {stable_mosaic.version = 14 : i64} {
  func.func @_body(%arg0: i32, %arg1: i32, %arg2: memref<320000x128xf32, #tpu.memory_space<hbm>>, %arg3: memref<320000xi32, #tpu.memory_space<hbm>>, %arg4: memref<2x10000x128xf32, #tpu.memory_space<hbm>>, %arg5: memref<80xi32, #tpu.memory_space<vmem>>, %arg6: memref<80x128xf32, #tpu.memory_space<vmem>>, %arg7: memref<80x128xf32, #tpu.memory_space<vmem>>, %arg8: memref<10000x128xf32, #tpu.memory_space<vmem_shared>>) attributes {dimension_semantics = [#tpu.dimension_semantics<core_parallel>, #tpu.dimension_semantics<subcore_parallel>], iteration_bounds = array<i64: 2, 16>, scalar_prefetch = 0 : i64, scratch_operands = 4 : i64, tpu.core_type = #tpu.core_type<sc_vector_subcore>, window_params = [{transform_indices = #map}, {transform_indices = #map1}, {transform_indices = #map2}]} {
    %scan3A = arith.constant 0 : i32
    %scan3A_0 = arith.constant 0 : i32
    %scan3A_1 = arith.constant 80 : i32
    %scan3A_2 = arith.addi %scan3A_0, %scan3A_1 : i32
    %scan3A_3 = arith.constant 1 : i32
    scf.for %scan3A_27 = %scan3A_0 to %scan3A_2 step %scan3A_3  : i32 {
      %broadcast_in_dim3A = arith.constant 0.000000e+00 : f32
      %broadcast_in_dim3A_28 = vector.broadcast %broadcast_in_dim3A : f32 to vector<16xf32>
      %swap3A = arith.index_cast %scan3A_27 : i32 to index
      %swap3A_29 = arith.constant 0 : index
      %swap3A_30 = tpu.vector_load %arg7[%swap3A, %swap3A_29] {strides = array<i32>} : memref<80x128xf32, #tpu.memory_space<vmem>>, vector<1x16xf32>,
      %swap3A_31 = vector.shape_cast %swap3A_30 : vector<1x16xf32> to vector<16xf32>
      %swap3A_32 = vector.shape_cast %broadcast_in_dim3A_28 : vector<16xf32> to vector<1x16xf32>
      tpu.vector_store %arg7[%swap3A, %swap3A_29], %swap3A_32 {strides = array<i32>} : memref<80x128xf32, #tpu.memory_space<vmem>>, vector<1x16xf32>,
      %broadcast_in_dim3A_33 = arith.constant 0.000000e+00 : f32
      %broadcast_in_dim3A_34 = vector.broadcast %broadcast_in_dim3A_33 : f32 to vector<16xf32>
      %swap3A_35 = arith.index_cast %scan3A_27 : i32 to index
      %swap3A_36 = arith.constant 16 : index
      %swap3A_37 = tpu.vector_load %arg7[%swap3A_35, %swap3A_36] {strides = array<i32>} : memref<80x128xf32, #tpu.memory_space<vmem>>, vector<1x16xf32>,
      %swap3A_38 = vector.shape_cast %swap3A_37 : vector<1x16xf32> to vector<16xf32>
      %swap3A_39 = vector.shape_cast %broadcast_in_dim3A_34 : vector<16xf32> to vector<1x16xf32>
      tpu.vector_store %arg7[%swap3A_35, %swap3A_36], %swap3A_39 {strides = array<i32>} : memref<80x128xf32, #tpu.memory_space<vmem>>, vector<1x16xf32>,
      %broadcast_in_dim3A_40 = arith.constant 0.000000e+00 : f32
      %broadcast_in_dim3A_41 = vector.broadcast %broadcast_in_dim3A_40 : f32 to vector<16xf32>
      %swap3A_42 = arith.index_cast %scan3A_27 : i32 to index
      %swap3A_43 = arith.constant 32 : index
      %swap3A_44 = tpu.vector_load %arg7[%swap3A_42, %swap3A_43] {strides = array<i32>} : memref<80x128xf32, #tpu.memory_space<vmem>>, vector<1x16xf32>,
      %swap3A_45 = vector.shape_cast %swap3A_44 : vector<1x16xf32> to vector<16xf32>
      %swap3A_46 = vector.shape_cast %broadcast_in_dim3A_41 : vector<16xf32> to vector<1x16xf32>
      tpu.vector_store %arg7[%swap3A_42, %swap3A_43], %swap3A_46 {strides = array<i32>} : memref<80x128xf32, #tpu.memory_space<vmem>>, vector<1x16xf32>,
      %broadcast_in_dim3A_47 = arith.constant 0.000000e+00 : f32
      %broadcast_in_dim3A_48 = vector.broadcast %broadcast_in_dim3A_47 : f32 to vector<16xf32>
      %swap3A_49 = arith.index_cast %scan3A_27 : i32 to index
      %swap3A_50 = arith.constant 48 : index
      %swap3A_51 = tpu.vector_load %arg7[%swap3A_49, %swap3A_50] {strides = array<i32>} : memref<80x128xf32, #tpu.memory_space<vmem>>, vector<1x16xf32>,
      %swap3A_52 = vector.shape_cast %swap3A_51 : vector<1x16xf32> to vector<16xf32>
      %swap3A_53 = vector.shape_cast %broadcast_in_dim3A_48 : vector<16xf32> to vector<1x16xf32>
      tpu.vector_store %arg7[%swap3A_49, %swap3A_50], %swap3A_53 {strides = array<i32>} : memref<80x128xf32, #tpu.memory_space<vmem>>, vector<1x16xf32>,
      %broadcast_in_dim3A_54 = arith.constant 0.000000e+00 : f32
      %broadcast_in_dim3A_55 = vector.broadcast %broadcast_in_dim3A_54 : f32 to vector<16xf32>
      %swap3A_56 = arith.index_cast %scan3A_27 : i32 to index
      %swap3A_57 = arith.constant 64 : index
      %swap3A_58 = tpu.vector_load %arg7[%swap3A_56, %swap3A_57] {strides = array<i32>} : memref<80x128xf32, #tpu.memory_space<vmem>>, vector<1x16xf32>,
      %swap3A_59 = vector.shape_cast %swap3A_58 : vector<1x16xf32> to vector<16xf32>
      %swap3A_60 = vector.shape_cast %broadcast_in_dim3A_55 : vector<16xf32> to vector<1x16xf32>
      tpu.vector_store %arg7[%swap3A_56, %swap3A_57], %swap3A_60 {strides = array<i32>} : memref<80x128xf32, #tpu.memory_space<vmem>>, vector<1x16xf32>,
      %broadcast_in_dim3A_61 = arith.constant 0.000000e+00 : f32
      %broadcast_in_dim3A_62 = vector.broadcast %broadcast_in_dim3A_61 : f32 to vector<16xf32>
      %swap3A_63 = arith.index_cast %scan3A_27 : i32 to index
      %swap3A_64 = arith.constant 80 : index
      %swap3A_65 = tpu.vector_load %arg7[%swap3A_63, %swap3A_64] {strides = array<i32>} : memref<80x128xf32, #tpu.memory_space<vmem>>, vector<1x16xf32>,
      %swap3A_66 = vector.shape_cast %swap3A_65 : vector<1x16xf32> to vector<16xf32>
      %swap3A_67 = vector.shape_cast %broadcast_in_dim3A_62 : vector<16xf32> to vector<1x16xf32>
      tpu.vector_store %arg7[%swap3A_63, %swap3A_64], %swap3A_67 {strides = array<i32>} : memref<80x128xf32, #tpu.memory_space<vmem>>, vector<1x16xf32>,
      %broadcast_in_dim3A_68 = arith.constant 0.000000e+00 : f32
      %broadcast_in_dim3A_69 = vector.broadcast %broadcast_in_dim3A_68 : f32 to vector<16xf32>
      %swap3A_70 = arith.index_cast %scan3A_27 : i32 to index
      %swap3A_71 = arith.constant 96 : index
      %swap3A_72 = tpu.vector_load %arg7[%swap3A_70, %swap3A_71] {strides = array<i32>} : memref<80x128xf32, #tpu.memory_space<vmem>>, vector<1x16xf32>,
      %swap3A_73 = vector.shape_cast %swap3A_72 : vector<1x16xf32> to vector<16xf32>
      %swap3A_74 = vector.shape_cast %broadcast_in_dim3A_69 : vector<16xf32> to vector<1x16xf32>
      tpu.vector_store %arg7[%swap3A_70, %swap3A_71], %swap3A_74 {strides = array<i32>} : memref<80x128xf32, #tpu.memory_space<vmem>>, vector<1x16xf32>,
      %broadcast_in_dim3A_75 = arith.constant 0.000000e+00 : f32
      %broadcast_in_dim3A_76 = vector.broadcast %broadcast_in_dim3A_75 : f32 to vector<16xf32>
      %swap3A_77 = arith.index_cast %scan3A_27 : i32 to index
      %swap3A_78 = arith.constant 112 : index
      %swap3A_79 = tpu.vector_load %arg7[%swap3A_77, %swap3A_78] {strides = array<i32>} : memref<80x128xf32, #tpu.memory_space<vmem>>, vector<1x16xf32>,
      %swap3A_80 = vector.shape_cast %swap3A_79 : vector<1x16xf32> to vector<16xf32>
      %swap3A_81 = vector.shape_cast %broadcast_in_dim3A_76 : vector<16xf32> to vector<1x16xf32>
      tpu.vector_store %arg7[%swap3A_77, %swap3A_78], %swap3A_81 {strides = array<i32>} : memref<80x128xf32, #tpu.memory_space<vmem>>, vector<1x16xf32>,
    }
    %scan3A_4 = arith.constant 80 : i32
    %scan3A_5 = arith.constant 0 : i32
    %scan3A_6 = arith.constant 0 : i32
    %scan3A_7 = arith.constant 8 : i32
    %scan3A_8 = arith.addi %scan3A_6, %scan3A_7 : i32
    %scan3A_9 = arith.constant 1 : i32
    scf.for %scan3A_27 = %scan3A_6 to %scan3A_8 step %scan3A_9  : i32 {
      %mul3A_28 = arith.constant 16 : i32
      %mul3A_29 = arith.muli %mul3A_28, %scan3A_27 : i32
      %add3A_30 = arith.addi %arg1, %mul3A_29 : i32
      %lt3A = arith.constant 125 : i32
      %lt3A_31 = arith.cmpi slt, %add3A_30, %lt3A : i32
      %convert_element_type3A = arith.extui %lt3A_31 : i1 to i32
      %cond3A = arith.constant 0 : i32
      %cond3A_32 = arith.cmpi ne, %convert_element_type3A, %cond3A : i32
      scf.if %cond3A_32 {
        %mul3A_33 = arith.constant 80 : i32
        %mul3A_34 = arith.muli %add3A_30, %mul3A_33 : i32
        "tpu.region"() ({
          %run_scoped3A = tpu.sem_alloc : memref<!tpu.dma_semaphore, #tpu.memory_space<semaphore_mem>>
          %dma_start3A = arith.constant 0 : i32
          %dma_start3A_35 = tpu.memref_slice %arg8[%mul3A_34, %dma_start3A] : memref<10000x128xf32, #tpu.memory_space<vmem_shared>> -> memref<80x128xf32, #tpu.memory_space<vmem_shared>>
          %dma_start3A_36 = arith.constant 0 : i32
          %dma_start3A_37 = tpu.memref_slice %arg8[%mul3A_34, %dma_start3A_36] : memref<10000x128xf32, #tpu.memory_space<vmem_shared>> -> memref<80x128xf32, #tpu.memory_space<vmem_shared>>
          tpu.enqueue_dma source(%arg7 : memref<80x128xf32, #tpu.memory_space<vmem>>) target(%dma_start3A_37 : memref<80x128xf32, #tpu.memory_space<vmem_shared>>) target_semaphore(%run_scoped3A : memref<!tpu.dma_semaphore, #tpu.memory_space<semaphore_mem>>)
          %dma_wait3A = arith.constant 0 : i32
          %dma_wait3A_38 = tpu.memref_slice %arg8[%mul3A_34, %dma_wait3A] : memref<10000x128xf32, #tpu.memory_space<vmem_shared>> -> memref<80x128xf32, #tpu.memory_space<vmem_shared>>
          %dma_wait3A_39 = arith.constant 0 : i32
          %dma_wait3A_40 = tpu.memref_slice %arg8[%mul3A_34, %dma_wait3A_39] : memref<10000x128xf32, #tpu.memory_space<vmem_shared>> -> memref<80x128xf32, #tpu.memory_space<vmem_shared>>
          tpu.wait_dma2 semaphore(%run_scoped3A : memref<!tpu.dma_semaphore, #tpu.memory_space<semaphore_mem>>) src(%arg7 : memref<80x128xf32, #tpu.memory_space<vmem>>) dst(%dma_wait3A_40 : memref<80x128xf32, #tpu.memory_space<vmem_shared>>)
          tpu.yield
        }) : () -> ()
      } else {
      }
    }
    %scan3A_10 = arith.constant 8 : i32
    %barrier3A = arith.constant 0 : index
    tpu.barrier barrier_id(%barrier3A)
    %mul3A = arith.constant 16 : i32
    %mul3A_11 = arith.muli %arg0, %mul3A : i32
    %add3A = arith.addi %mul3A_11, %arg1 : i32
    %mul3A_12 = arith.constant 10000 : i32
    %mul3A_13 = arith.muli %add3A, %mul3A_12 : i32
    %scan3A_14 = arith.constant 0 : i32
    %scan3A_15 = arith.constant 0 : i32
    %scan3A_16 = arith.constant 125 : i32
    %scan3A_17 = arith.addi %scan3A_15, %scan3A_16 : i32
    %scan3A_18 = arith.constant 1 : i32
    scf.for %scan3A_27 = %scan3A_15 to %scan3A_17 step %scan3A_18  : i32 {
      %mul3A_28 = arith.constant 80 : i32
      %mul3A_29 = arith.muli %scan3A_27, %mul3A_28 : i32
      %add3A_30 = arith.addi %mul3A_13, %mul3A_29 : i32
      "tpu.region"() ({
        %run_scoped3A = tpu.sem_alloc : memref<!tpu.dma_semaphore, #tpu.memory_space<semaphore_mem>>
        %dma_start3A = tpu.memref_slice %arg3[%add3A_30] : memref<320000xi32, #tpu.memory_space<hbm>> -> memref<80xi32, #tpu.memory_space<hbm>>
        %dma_start3A_31 = tpu.memref_slice %arg3[%add3A_30] : memref<320000xi32, #tpu.memory_space<hbm>> -> memref<80xi32, #tpu.memory_space<hbm>>
        tpu.enqueue_dma source(%dma_start3A_31 : memref<80xi32, #tpu.memory_space<hbm>>) target(%arg5 : memref<80xi32, #tpu.memory_space<vmem>>) target_semaphore(%run_scoped3A : memref<!tpu.dma_semaphore, #tpu.memory_space<semaphore_mem>>)
        %dma_wait3A = tpu.memref_slice %arg3[%add3A_30] : memref<320000xi32, #tpu.memory_space<hbm>> -> memref<80xi32, #tpu.memory_space<hbm>>
        %dma_wait3A_32 = tpu.memref_slice %arg3[%add3A_30] : memref<320000xi32, #tpu.memory_space<hbm>> -> memref<80xi32, #tpu.memory_space<hbm>>
        tpu.wait_dma2 semaphore(%run_scoped3A : memref<!tpu.dma_semaphore, #tpu.memory_space<semaphore_mem>>) src(%dma_wait3A_32 : memref<80xi32, #tpu.memory_space<hbm>>) dst(%arg5 : memref<80xi32, #tpu.memory_space<vmem>>)
        tpu.yield
      }) : () -> ()
      "tpu.region"() ({
        %run_scoped3A = tpu.sem_alloc : memref<!tpu.dma_semaphore, #tpu.memory_space<semaphore_mem>>
        %dma_start3A = arith.constant 0 : i32
        %dma_start3A_31 = tpu.memref_slice %arg2[%add3A_30, %dma_start3A] : memref<320000x128xf32, #tpu.memory_space<hbm>> -> memref<80x128xf32, #tpu.memory_space<hbm>>
        %dma_start3A_32 = arith.constant 0 : i32
        %dma_start3A_33 = tpu.memref_slice %arg2[%add3A_30, %dma_start3A_32] : memref<320000x128xf32, #tpu.memory_space<hbm>> -> memref<80x128xf32, #tpu.memory_space<hbm>>
        tpu.enqueue_dma source(%dma_start3A_33 : memref<80x128xf32, #tpu.memory_space<hbm>>) target(%arg6 : memref<80x128xf32, #tpu.memory_space<vmem>>) target_semaphore(%run_scoped3A : memref<!tpu.dma_semaphore, #tpu.memory_space<semaphore_mem>>)
        %dma_wait3A = arith.constant 0 : i32
        %dma_wait3A_34 = tpu.memref_slice %arg2[%add3A_30, %dma_wait3A] : memref<320000x128xf32, #tpu.memory_space<hbm>> -> memref<80x128xf32, #tpu.memory_space<hbm>>
        %dma_wait3A_35 = arith.constant 0 : i32
        %dma_wait3A_36 = tpu.memref_slice %arg2[%add3A_30, %dma_wait3A_35] : memref<320000x128xf32, #tpu.memory_space<hbm>> -> memref<80x128xf32, #tpu.memory_space<hbm>>
        tpu.wait_dma2 semaphore(%run_scoped3A : memref<!tpu.dma_semaphore, #tpu.memory_space<semaphore_mem>>) src(%dma_wait3A_36 : memref<80x128xf32, #tpu.memory_space<hbm>>) dst(%arg6 : memref<80x128xf32, #tpu.memory_space<vmem>>)
        tpu.yield
      }) : () -> ()
      "tpu.region"() ({
        %run_scoped3A = tpu.sem_alloc : memref<!tpu.dma_semaphore, #tpu.memory_space<semaphore_mem>>
        %dma_start3A = arith.constant 0 : i32
        %dma_start3A_31 = arith.constant 0 : i32
        %dma_start3A_32 = tpu.memref_slice %arg8[%dma_start3A, %dma_start3A_31] : memref<10000x128xf32, #tpu.memory_space<vmem_shared>> -> memref<10000x128xf32, #tpu.memory_space<vmem_shared>>
        tpu.enqueue_indirect_dma source(%arg6 : memref<80x128xf32, #tpu.memory_space<vmem>>) target(%dma_start3A_32 : memref<10000x128xf32, #tpu.memory_space<vmem_shared>>) offsets(%arg5 : memref<80xi32, #tpu.memory_space<vmem>>) semaphore(%run_scoped3A : memref<!tpu.dma_semaphore, #tpu.memory_space<semaphore_mem>>) {add = true}
        %dma_wait3A = arith.constant 0 : i32
        %dma_wait3A_33 = arith.constant 0 : i32
        %dma_wait3A_34 = tpu.memref_slice %arg8[%dma_wait3A, %dma_wait3A_33] : memref<10000x128xf32, #tpu.memory_space<vmem_shared>> -> memref<10000x128xf32, #tpu.memory_space<vmem_shared>>
        tpu.wait_indirect_dma semaphore(%run_scoped3A : memref<!tpu.dma_semaphore, #tpu.memory_space<semaphore_mem>>) src(%arg6 : memref<80x128xf32, #tpu.memory_space<vmem>>) dst(%dma_wait3A_34 : memref<10000x128xf32, #tpu.memory_space<vmem_shared>>)
        tpu.yield
      }) : () -> ()
    }
    %scan3A_19 = arith.constant 125 : i32
    %barrier3A_20 = arith.constant 0 : index
    tpu.barrier barrier_id(%barrier3A_20)
    %scan3A_21 = arith.constant 0 : i32
    %scan3A_22 = arith.constant 0 : i32
    %scan3A_23 = arith.constant 8 : i32
    %scan3A_24 = arith.addi %scan3A_22, %scan3A_23 : i32
    %scan3A_25 = arith.constant 1 : i32
    scf.for %scan3A_27 = %scan3A_22 to %scan3A_24 step %scan3A_25  : i32 {
      %mul3A_28 = arith.constant 16 : i32
      %mul3A_29 = arith.muli %mul3A_28, %scan3A_27 : i32
      %add3A_30 = arith.addi %arg1, %mul3A_29 : i32
      %lt3A = arith.constant 125 : i32
      %lt3A_31 = arith.cmpi slt, %add3A_30, %lt3A : i32
      %convert_element_type3A = arith.extui %lt3A_31 : i1 to i32
      %cond3A = arith.constant 0 : i32
      %cond3A_32 = arith.cmpi ne, %convert_element_type3A, %cond3A : i32
      scf.if %cond3A_32 {
        %mul3A_33 = arith.constant 80 : i32
        %mul3A_34 = arith.muli %add3A_30, %mul3A_33 : i32
        %mul3A_35 = arith.constant 80 : i32
        %mul3A_36 = arith.muli %add3A_30, %mul3A_35 : i32
        "tpu.region"() ({
          %run_scoped3A = tpu.sem_alloc : memref<!tpu.dma_semaphore, #tpu.memory_space<semaphore_mem>>
          %dma_start3A = arith.constant 0 : i32
          %dma_start3A_37 = arith.constant 0 : i32
          %dma_start3A_38 = tpu.memref_slice %arg4[%arg0, %dma_start3A, %dma_start3A_37] : memref<2x10000x128xf32, #tpu.memory_space<hbm>> -> memref<1x10000x128xf32, #tpu.memory_space<hbm>>
          %dma_start3A_39 = tpu.memref_squeeze %dma_start3A_38 : memref<1x10000x128xf32, #tpu.memory_space<hbm>> -> memref<10000x128xf32, #tpu.memory_space<hbm>>
          %dma_start3A_40 = arith.constant 0 : i32
          %dma_start3A_41 = tpu.memref_slice %dma_start3A_39[%mul3A_36, %dma_start3A_40] : memref<10000x128xf32, #tpu.memory_space<hbm>> -> memref<80x128xf32, #tpu.memory_space<hbm>>
          %dma_start3A_42 = arith.constant 0 : i32
          %dma_start3A_43 = tpu.memref_slice %arg8[%mul3A_34, %dma_start3A_42] : memref<10000x128xf32, #tpu.memory_space<vmem_shared>> -> memref<80x128xf32, #tpu.memory_space<vmem_shared>>
          tpu.enqueue_dma source(%dma_start3A_43 : memref<80x128xf32, #tpu.memory_space<vmem_shared>>) target(%dma_start3A_41 : memref<80x128xf32, #tpu.memory_space<hbm>>) target_semaphore(%run_scoped3A : memref<!tpu.dma_semaphore, #tpu.memory_space<semaphore_mem>>)
          %dma_wait3A = arith.constant 0 : i32
          %dma_wait3A_44 = arith.constant 0 : i32
          %dma_wait3A_45 = tpu.memref_slice %arg4[%arg0, %dma_wait3A, %dma_wait3A_44] : memref<2x10000x128xf32, #tpu.memory_space<hbm>> -> memref<1x10000x128xf32, #tpu.memory_space<hbm>>
          %dma_wait3A_46 = tpu.memref_squeeze %dma_wait3A_45 : memref<1x10000x128xf32, #tpu.memory_space<hbm>> -> memref<10000x128xf32, #tpu.memory_space<hbm>>
          %dma_wait3A_47 = arith.constant 0 : i32
          %dma_wait3A_48 = tpu.memref_slice %dma_wait3A_46[%mul3A_36, %dma_wait3A_47] : memref<10000x128xf32, #tpu.memory_space<hbm>> -> memref<80x128xf32, #tpu.memory_space<hbm>>
          %dma_wait3A_49 = arith.constant 0 : i32
          %dma_wait3A_50 = tpu.memref_slice %arg8[%mul3A_34, %dma_wait3A_49] : memref<10000x128xf32, #tpu.memory_space<vmem_shared>> -> memref<80x128xf32, #tpu.memory_space<vmem_shared>>
          tpu.wait_dma2 semaphore(%run_scoped3A : memref<!tpu.dma_semaphore, #tpu.memory_space<semaphore_mem>>) src(%dma_wait3A_50 : memref<80x128xf32, #tpu.memory_space<vmem_shared>>) dst(%dma_wait3A_48 : memref<80x128xf32, #tpu.memory_space<hbm>>)
          tpu.yield
        }) : () -> ()
      } else {
      }
    }
    %scan3A_26 = arith.constant 8 : i32
    return
  }
}

#map = affine_map<(d0, d1) -> (0, 0)>
#map1 = affine_map<(d0, d1) -> (0)>
#map2 = affine_map<(d0, d1) -> (0, 0, 0)>
module attributes {stable_mosaic.version = 14 : i64} {
  func.func @_body(%arg0: i32, %arg1: i32, %arg2: memref<320000x16xf32, #tpu.memory_space<hbm>>, %arg3: memref<320000xi32, #tpu.memory_space<hbm>>, %arg4: memref<2x10000x16xf32, #tpu.memory_space<hbm>>, %arg5: memref<80xi32, #tpu.memory_space<vmem>>, %arg6: memref<80x16xf32, #tpu.memory_space<vmem>>, %arg7: memref<80x16xf32, #tpu.memory_space<vmem>>, %arg8: memref<10000x16xf32, #tpu.memory_space<vmem_shared>>) attributes {dimension_semantics = [#tpu.dimension_semantics<core_parallel>, #tpu.dimension_semantics<subcore_parallel>], iteration_bounds = array<i64: 2, 16>, scalar_prefetch = 0 : i64, scratch_operands = 4 : i64, tpu.core_type = #tpu.core_type<sc_vector_subcore>, window_params = [{transform_indices = #map}, {transform_indices = #map1}, {transform_indices = #map2}]} {
    %scan3A = arith.constant 0 : i32
    %scan3A_0 = arith.constant 0 : i32
    %scan3A_1 = arith.constant 80 : i32
    %scan3A_2 = arith.addi %scan3A_0, %scan3A_1 : i32
    %scan3A_3 = arith.constant 1 : i32
    scf.for %scan3A_27 = %scan3A_0 to %scan3A_2 step %scan3A_3  : i32 {
      %broadcast_in_dim3A = arith.constant 0.000000e+00 : f32
      %broadcast_in_dim3A_28 = vector.broadcast %broadcast_in_dim3A : f32 to vector<16xf32>
      %swap3A = arith.index_cast %scan3A_27 : i32 to index
      %swap3A_29 = arith.constant 0 : index
      %swap3A_30 = tpu.vector_load %arg7[%swap3A, %swap3A_29] {strides = array<i32>} : memref<80x16xf32, #tpu.memory_space<vmem>>, vector<1x16xf32>,
      %swap3A_31 = vector.shape_cast %swap3A_30 : vector<1x16xf32> to vector<16xf32>
      %swap3A_32 = vector.shape_cast %broadcast_in_dim3A_28 : vector<16xf32> to vector<1x16xf32>
      tpu.vector_store %arg7[%swap3A, %swap3A_29], %swap3A_32 {strides = array<i32>} : memref<80x16xf32, #tpu.memory_space<vmem>>, vector<1x16xf32>,
    }
    %scan3A_4 = arith.constant 80 : i32
    %scan3A_5 = arith.constant 0 : i32
    %scan3A_6 = arith.constant 0 : i32
    %scan3A_7 = arith.constant 8 : i32
    %scan3A_8 = arith.addi %scan3A_6, %scan3A_7 : i32
    %scan3A_9 = arith.constant 1 : i32
    scf.for %scan3A_27 = %scan3A_6 to %scan3A_8 step %scan3A_9  : i32 {
      %mul3A_28 = arith.constant 16 : i32
      %mul3A_29 = arith.muli %mul3A_28, %scan3A_27 : i32
      %add3A_30 = arith.addi %arg1, %mul3A_29 : i32
      %lt3A = arith.constant 125 : i32
      %lt3A_31 = arith.cmpi slt, %add3A_30, %lt3A : i32
      %convert_element_type3A = arith.extui %lt3A_31 : i1 to i32
      %cond3A = arith.constant 0 : i32
      %cond3A_32 = arith.cmpi ne, %convert_element_type3A, %cond3A : i32
      scf.if %cond3A_32 {
        %mul3A_33 = arith.constant 80 : i32
        %mul3A_34 = arith.muli %add3A_30, %mul3A_33 : i32
        "tpu.region"() ({
          %run_scoped3A = tpu.sem_alloc : memref<!tpu.dma_semaphore, #tpu.memory_space<semaphore_mem>>
          %dma_start3A = arith.constant 0 : i32
          %dma_start3A_35 = tpu.memref_slice %arg8[%mul3A_34, %dma_start3A] : memref<10000x16xf32, #tpu.memory_space<vmem_shared>> -> memref<80x16xf32, #tpu.memory_space<vmem_shared>>
          %dma_start3A_36 = arith.constant 0 : i32
          %dma_start3A_37 = tpu.memref_slice %arg8[%mul3A_34, %dma_start3A_36] : memref<10000x16xf32, #tpu.memory_space<vmem_shared>> -> memref<80x16xf32, #tpu.memory_space<vmem_shared>>
          tpu.enqueue_dma source(%arg7 : memref<80x16xf32, #tpu.memory_space<vmem>>) target(%dma_start3A_37 : memref<80x16xf32, #tpu.memory_space<vmem_shared>>) target_semaphore(%run_scoped3A : memref<!tpu.dma_semaphore, #tpu.memory_space<semaphore_mem>>)
          %dma_wait3A = arith.constant 0 : i32
          %dma_wait3A_38 = tpu.memref_slice %arg8[%mul3A_34, %dma_wait3A] : memref<10000x16xf32, #tpu.memory_space<vmem_shared>> -> memref<80x16xf32, #tpu.memory_space<vmem_shared>>
          %dma_wait3A_39 = arith.constant 0 : i32
          %dma_wait3A_40 = tpu.memref_slice %arg8[%mul3A_34, %dma_wait3A_39] : memref<10000x16xf32, #tpu.memory_space<vmem_shared>> -> memref<80x16xf32, #tpu.memory_space<vmem_shared>>
          tpu.wait_dma2 semaphore(%run_scoped3A : memref<!tpu.dma_semaphore, #tpu.memory_space<semaphore_mem>>) src(%arg7 : memref<80x16xf32, #tpu.memory_space<vmem>>) dst(%dma_wait3A_40 : memref<80x16xf32, #tpu.memory_space<vmem_shared>>)
          tpu.yield
        }) : () -> ()
      } else {
      }
    }
    %scan3A_10 = arith.constant 8 : i32
    %barrier3A = arith.constant 0 : index
    tpu.barrier barrier_id(%barrier3A)
    %mul3A = arith.constant 16 : i32
    %mul3A_11 = arith.muli %arg0, %mul3A : i32
    %add3A = arith.addi %mul3A_11, %arg1 : i32
    %mul3A_12 = arith.constant 10000 : i32
    %mul3A_13 = arith.muli %add3A, %mul3A_12 : i32
    %scan3A_14 = arith.constant 0 : i32
    %scan3A_15 = arith.constant 0 : i32
    %scan3A_16 = arith.constant 125 : i32
    %scan3A_17 = arith.addi %scan3A_15, %scan3A_16 : i32
    %scan3A_18 = arith.constant 1 : i32
    scf.for %scan3A_27 = %scan3A_15 to %scan3A_17 step %scan3A_18  : i32 {
      %mul3A_28 = arith.constant 80 : i32
      %mul3A_29 = arith.muli %scan3A_27, %mul3A_28 : i32
      %add3A_30 = arith.addi %mul3A_13, %mul3A_29 : i32
      "tpu.region"() ({
        %run_scoped3A = tpu.sem_alloc : memref<!tpu.dma_semaphore, #tpu.memory_space<semaphore_mem>>
        %dma_start3A = tpu.memref_slice %arg3[%add3A_30] : memref<320000xi32, #tpu.memory_space<hbm>> -> memref<80xi32, #tpu.memory_space<hbm>>
        %dma_start3A_31 = tpu.memref_slice %arg3[%add3A_30] : memref<320000xi32, #tpu.memory_space<hbm>> -> memref<80xi32, #tpu.memory_space<hbm>>
        tpu.enqueue_dma source(%dma_start3A_31 : memref<80xi32, #tpu.memory_space<hbm>>) target(%arg5 : memref<80xi32, #tpu.memory_space<vmem>>) target_semaphore(%run_scoped3A : memref<!tpu.dma_semaphore, #tpu.memory_space<semaphore_mem>>)
        %dma_wait3A = tpu.memref_slice %arg3[%add3A_30] : memref<320000xi32, #tpu.memory_space<hbm>> -> memref<80xi32, #tpu.memory_space<hbm>>
        %dma_wait3A_32 = tpu.memref_slice %arg3[%add3A_30] : memref<320000xi32, #tpu.memory_space<hbm>> -> memref<80xi32, #tpu.memory_space<hbm>>
        tpu.wait_dma2 semaphore(%run_scoped3A : memref<!tpu.dma_semaphore, #tpu.memory_space<semaphore_mem>>) src(%dma_wait3A_32 : memref<80xi32, #tpu.memory_space<hbm>>) dst(%arg5 : memref<80xi32, #tpu.memory_space<vmem>>)
        tpu.yield
      }) : () -> ()
      "tpu.region"() ({
        %run_scoped3A = tpu.sem_alloc : memref<!tpu.dma_semaphore, #tpu.memory_space<semaphore_mem>>
        %dma_start3A = arith.constant 0 : i32
        %dma_start3A_31 = tpu.memref_slice %arg2[%add3A_30, %dma_start3A] : memref<320000x16xf32, #tpu.memory_space<hbm>> -> memref<80x16xf32, #tpu.memory_space<hbm>>
        %dma_start3A_32 = arith.constant 0 : i32
        %dma_start3A_33 = tpu.memref_slice %arg2[%add3A_30, %dma_start3A_32] : memref<320000x16xf32, #tpu.memory_space<hbm>> -> memref<80x16xf32, #tpu.memory_space<hbm>>
        tpu.enqueue_dma source(%dma_start3A_33 : memref<80x16xf32, #tpu.memory_space<hbm>>) target(%arg6 : memref<80x16xf32, #tpu.memory_space<vmem>>) target_semaphore(%run_scoped3A : memref<!tpu.dma_semaphore, #tpu.memory_space<semaphore_mem>>)
        %dma_wait3A = arith.constant 0 : i32
        %dma_wait3A_34 = tpu.memref_slice %arg2[%add3A_30, %dma_wait3A] : memref<320000x16xf32, #tpu.memory_space<hbm>> -> memref<80x16xf32, #tpu.memory_space<hbm>>
        %dma_wait3A_35 = arith.constant 0 : i32
        %dma_wait3A_36 = tpu.memref_slice %arg2[%add3A_30, %dma_wait3A_35] : memref<320000x16xf32, #tpu.memory_space<hbm>> -> memref<80x16xf32, #tpu.memory_space<hbm>>
        tpu.wait_dma2 semaphore(%run_scoped3A : memref<!tpu.dma_semaphore, #tpu.memory_space<semaphore_mem>>) src(%dma_wait3A_36 : memref<80x16xf32, #tpu.memory_space<hbm>>) dst(%arg6 : memref<80x16xf32, #tpu.memory_space<vmem>>)
        tpu.yield
      }) : () -> ()
      "tpu.region"() ({
        %run_scoped3A = tpu.sem_alloc : memref<!tpu.dma_semaphore, #tpu.memory_space<semaphore_mem>>
        %dma_start3A = arith.constant 0 : i32
        %dma_start3A_31 = arith.constant 0 : i32
        %dma_start3A_32 = tpu.memref_slice %arg8[%dma_start3A, %dma_start3A_31] : memref<10000x16xf32, #tpu.memory_space<vmem_shared>> -> memref<10000x16xf32, #tpu.memory_space<vmem_shared>>
        tpu.enqueue_indirect_dma source(%arg6 : memref<80x16xf32, #tpu.memory_space<vmem>>) target(%dma_start3A_32 : memref<10000x16xf32, #tpu.memory_space<vmem_shared>>) offsets(%arg5 : memref<80xi32, #tpu.memory_space<vmem>>) semaphore(%run_scoped3A : memref<!tpu.dma_semaphore, #tpu.memory_space<semaphore_mem>>) {add = true}
        %dma_wait3A = arith.constant 0 : i32
        %dma_wait3A_33 = arith.constant 0 : i32
        %dma_wait3A_34 = tpu.memref_slice %arg8[%dma_wait3A, %dma_wait3A_33] : memref<10000x16xf32, #tpu.memory_space<vmem_shared>> -> memref<10000x16xf32, #tpu.memory_space<vmem_shared>>
        tpu.wait_indirect_dma semaphore(%run_scoped3A : memref<!tpu.dma_semaphore, #tpu.memory_space<semaphore_mem>>) src(%arg6 : memref<80x16xf32, #tpu.memory_space<vmem>>) dst(%dma_wait3A_34 : memref<10000x16xf32, #tpu.memory_space<vmem_shared>>)
        tpu.yield
      }) : () -> ()
    }
    %scan3A_19 = arith.constant 125 : i32
    %barrier3A_20 = arith.constant 0 : index
    tpu.barrier barrier_id(%barrier3A_20)
    %scan3A_21 = arith.constant 0 : i32
    %scan3A_22 = arith.constant 0 : i32
    %scan3A_23 = arith.constant 8 : i32
    %scan3A_24 = arith.addi %scan3A_22, %scan3A_23 : i32
    %scan3A_25 = arith.constant 1 : i32
    scf.for %scan3A_27 = %scan3A_22 to %scan3A_24 step %scan3A_25  : i32 {
      %mul3A_28 = arith.constant 16 : i32
      %mul3A_29 = arith.muli %mul3A_28, %scan3A_27 : i32
      %add3A_30 = arith.addi %arg1, %mul3A_29 : i32
      %lt3A = arith.constant 125 : i32
      %lt3A_31 = arith.cmpi slt, %add3A_30, %lt3A : i32
      %convert_element_type3A = arith.extui %lt3A_31 : i1 to i32
      %cond3A = arith.constant 0 : i32
      %cond3A_32 = arith.cmpi ne, %convert_element_type3A, %cond3A : i32
      scf.if %cond3A_32 {
        %mul3A_33 = arith.constant 80 : i32
        %mul3A_34 = arith.muli %add3A_30, %mul3A_33 : i32
        %mul3A_35 = arith.constant 80 : i32
        %mul3A_36 = arith.muli %add3A_30, %mul3A_35 : i32
        "tpu.region"() ({
          %run_scoped3A = tpu.sem_alloc : memref<!tpu.dma_semaphore, #tpu.memory_space<semaphore_mem>>
          %dma_start3A = arith.constant 0 : i32
          %dma_start3A_37 = arith.constant 0 : i32
          %dma_start3A_38 = tpu.memref_slice %arg4[%arg0, %dma_start3A, %dma_start3A_37] : memref<2x10000x16xf32, #tpu.memory_space<hbm>> -> memref<1x10000x16xf32, #tpu.memory_space<hbm>>
          %dma_start3A_39 = tpu.memref_squeeze %dma_start3A_38 : memref<1x10000x16xf32, #tpu.memory_space<hbm>> -> memref<10000x16xf32, #tpu.memory_space<hbm>>
          %dma_start3A_40 = arith.constant 0 : i32
          %dma_start3A_41 = tpu.memref_slice %dma_start3A_39[%mul3A_36, %dma_start3A_40] : memref<10000x16xf32, #tpu.memory_space<hbm>> -> memref<80x16xf32, #tpu.memory_space<hbm>>
          %dma_start3A_42 = arith.constant 0 : i32
          %dma_start3A_43 = tpu.memref_slice %arg8[%mul3A_34, %dma_start3A_42] : memref<10000x16xf32, #tpu.memory_space<vmem_shared>> -> memref<80x16xf32, #tpu.memory_space<vmem_shared>>
          tpu.enqueue_dma source(%dma_start3A_43 : memref<80x16xf32, #tpu.memory_space<vmem_shared>>) target(%dma_start3A_41 : memref<80x16xf32, #tpu.memory_space<hbm>>) target_semaphore(%run_scoped3A : memref<!tpu.dma_semaphore, #tpu.memory_space<semaphore_mem>>)
          %dma_wait3A = arith.constant 0 : i32
          %dma_wait3A_44 = arith.constant 0 : i32
          %dma_wait3A_45 = tpu.memref_slice %arg4[%arg0, %dma_wait3A, %dma_wait3A_44] : memref<2x10000x16xf32, #tpu.memory_space<hbm>> -> memref<1x10000x16xf32, #tpu.memory_space<hbm>>
          %dma_wait3A_46 = tpu.memref_squeeze %dma_wait3A_45 : memref<1x10000x16xf32, #tpu.memory_space<hbm>> -> memref<10000x16xf32, #tpu.memory_space<hbm>>
          %dma_wait3A_47 = arith.constant 0 : i32
          %dma_wait3A_48 = tpu.memref_slice %dma_wait3A_46[%mul3A_36, %dma_wait3A_47] : memref<10000x16xf32, #tpu.memory_space<hbm>> -> memref<80x16xf32, #tpu.memory_space<hbm>>
          %dma_wait3A_49 = arith.constant 0 : i32
          %dma_wait3A_50 = tpu.memref_slice %arg8[%mul3A_34, %dma_wait3A_49] : memref<10000x16xf32, #tpu.memory_space<vmem_shared>> -> memref<80x16xf32, #tpu.memory_space<vmem_shared>>
          tpu.wait_dma2 semaphore(%run_scoped3A : memref<!tpu.dma_semaphore, #tpu.memory_space<semaphore_mem>>) src(%dma_wait3A_50 : memref<80x16xf32, #tpu.memory_space<vmem_shared>>) dst(%dma_wait3A_48 : memref<80x16xf32, #tpu.memory_space<hbm>>)
          tpu.yield
        }) : () -> ()
      } else {
      }
    }
    %scan3A_26 = arith.constant 8 : i32
    return
  }
}

#map = affine_map<(d0, d1) -> (0, 0)>
#map1 = affine_map<(d0, d1) -> (0)>
#map2 = affine_map<(d0, d1) -> (0, 0, 0)>
module attributes {stable_mosaic.version = 14 : i64} {
  func.func @_body(%arg0: i32, %arg1: i32, %arg2: memref<320000x16xf32, #tpu.memory_space<hbm>>, %arg3: memref<320000xi32, #tpu.memory_space<hbm>>, %arg4: memref<2x10000x16xf32, #tpu.memory_space<hbm>>, %arg5: memref<80xi32, #tpu.memory_space<vmem>>, %arg6: memref<80x16xf32, #tpu.memory_space<vmem>>, %arg7: memref<80x16xf32, #tpu.memory_space<vmem>>, %arg8: memref<10000x16xf32, #tpu.memory_space<vmem_shared>>) attributes {dimension_semantics = [#tpu.dimension_semantics<core_parallel>, #tpu.dimension_semantics<subcore_parallel>], iteration_bounds = array<i64: 2, 16>, scalar_prefetch = 0 : i64, scratch_operands = 4 : i64, tpu.core_type = #tpu.core_type<sc_vector_subcore>, window_params = [{transform_indices = #map}, {transform_indices = #map1}, {transform_indices = #map2}]} {
    %scan3A = arith.constant 0 : i32
    %scan3A_0 = arith.constant 0 : i32
    %scan3A_1 = arith.constant 80 : i32
    %scan3A_2 = arith.addi %scan3A_0, %scan3A_1 : i32
    %scan3A_3 = arith.constant 1 : i32
    scf.for %scan3A_27 = %scan3A_0 to %scan3A_2 step %scan3A_3  : i32 {
      %broadcast_in_dim3A = arith.constant 0.000000e+00 : f32
      %broadcast_in_dim3A_28 = vector.broadcast %broadcast_in_dim3A : f32 to vector<16xf32>
      %swap3A = arith.index_cast %scan3A_27 : i32 to index
      %swap3A_29 = arith.constant 0 : index
      %swap3A_30 = tpu.vector_load %arg7[%swap3A, %swap3A_29] {strides = array<i32>} : memref<80x16xf32, #tpu.memory_space<vmem>>, vector<1x16xf32>,
      %swap3A_31 = vector.shape_cast %swap3A_30 : vector<1x16xf32> to vector<16xf32>
      %swap3A_32 = vector.shape_cast %broadcast_in_dim3A_28 : vector<16xf32> to vector<1x16xf32>
      tpu.vector_store %arg7[%swap3A, %swap3A_29], %swap3A_32 {strides = array<i32>} : memref<80x16xf32, #tpu.memory_space<vmem>>, vector<1x16xf32>,
    }
    %scan3A_4 = arith.constant 80 : i32
    %scan3A_5 = arith.constant 0 : i32
    %scan3A_6 = arith.constant 0 : i32
    %scan3A_7 = arith.constant 8 : i32
    %scan3A_8 = arith.addi %scan3A_6, %scan3A_7 : i32
    %scan3A_9 = arith.constant 1 : i32
    scf.for %scan3A_27 = %scan3A_6 to %scan3A_8 step %scan3A_9  : i32 {
      %mul3A_28 = arith.constant 16 : i32
      %mul3A_29 = arith.muli %mul3A_28, %scan3A_27 : i32
      %add3A_30 = arith.addi %arg1, %mul3A_29 : i32
      %lt3A = arith.constant 125 : i32
      %lt3A_31 = arith.cmpi slt, %add3A_30, %lt3A : i32
      %convert_element_type3A = arith.extui %lt3A_31 : i1 to i32
      %cond3A = arith.constant 0 : i32
      %cond3A_32 = arith.cmpi ne, %convert_element_type3A, %cond3A : i32
      scf.if %cond3A_32 {
        %mul3A_33 = arith.constant 80 : i32
        %mul3A_34 = arith.muli %add3A_30, %mul3A_33 : i32
        "tpu.region"() ({
          %run_scoped3A = tpu.sem_alloc : memref<!tpu.dma_semaphore, #tpu.memory_space<semaphore_mem>>
          %dma_start3A = arith.constant 0 : i32
          %dma_start3A_35 = tpu.memref_slice %arg8[%mul3A_34, %dma_start3A] : memref<10000x16xf32, #tpu.memory_space<vmem_shared>> -> memref<80x16xf32, #tpu.memory_space<vmem_shared>>
          %dma_start3A_36 = arith.constant 0 : i32
          %dma_start3A_37 = tpu.memref_slice %arg8[%mul3A_34, %dma_start3A_36] : memref<10000x16xf32, #tpu.memory_space<vmem_shared>> -> memref<80x16xf32, #tpu.memory_space<vmem_shared>>
          tpu.enqueue_dma source(%arg7 : memref<80x16xf32, #tpu.memory_space<vmem>>) target(%dma_start3A_37 : memref<80x16xf32, #tpu.memory_space<vmem_shared>>) target_semaphore(%run_scoped3A : memref<!tpu.dma_semaphore, #tpu.memory_space<semaphore_mem>>)
          %dma_wait3A = arith.constant 0 : i32
          %dma_wait3A_38 = tpu.memref_slice %arg8[%mul3A_34, %dma_wait3A] : memref<10000x16xf32, #tpu.memory_space<vmem_shared>> -> memref<80x16xf32, #tpu.memory_space<vmem_shared>>
          %dma_wait3A_39 = arith.constant 0 : i32
          %dma_wait3A_40 = tpu.memref_slice %arg8[%mul3A_34, %dma_wait3A_39] : memref<10000x16xf32, #tpu.memory_space<vmem_shared>> -> memref<80x16xf32, #tpu.memory_space<vmem_shared>>
          tpu.wait_dma2 semaphore(%run_scoped3A : memref<!tpu.dma_semaphore, #tpu.memory_space<semaphore_mem>>) src(%arg7 : memref<80x16xf32, #tpu.memory_space<vmem>>) dst(%dma_wait3A_40 : memref<80x16xf32, #tpu.memory_space<vmem_shared>>)
          tpu.yield
        }) : () -> ()
      } else {
      }
    }
    %scan3A_10 = arith.constant 8 : i32
    %barrier3A = arith.constant 0 : index
    tpu.barrier barrier_id(%barrier3A)
    %mul3A = arith.constant 16 : i32
    %mul3A_11 = arith.muli %arg0, %mul3A : i32
    %add3A = arith.addi %mul3A_11, %arg1 : i32
    %mul3A_12 = arith.constant 10000 : i32
    %mul3A_13 = arith.muli %add3A, %mul3A_12 : i32
    %scan3A_14 = arith.constant 0 : i32
    %scan3A_15 = arith.constant 0 : i32
    %scan3A_16 = arith.constant 125 : i32
    %scan3A_17 = arith.addi %scan3A_15, %scan3A_16 : i32
    %scan3A_18 = arith.constant 1 : i32
    scf.for %scan3A_27 = %scan3A_15 to %scan3A_17 step %scan3A_18  : i32 {
      %mul3A_28 = arith.constant 80 : i32
      %mul3A_29 = arith.muli %scan3A_27, %mul3A_28 : i32
      %add3A_30 = arith.addi %mul3A_13, %mul3A_29 : i32
      "tpu.region"() ({
        %run_scoped3A = tpu.sem_alloc : memref<!tpu.dma_semaphore, #tpu.memory_space<semaphore_mem>>
        %dma_start3A = tpu.memref_slice %arg3[%add3A_30] : memref<320000xi32, #tpu.memory_space<hbm>> -> memref<80xi32, #tpu.memory_space<hbm>>
        %dma_start3A_31 = tpu.memref_slice %arg3[%add3A_30] : memref<320000xi32, #tpu.memory_space<hbm>> -> memref<80xi32, #tpu.memory_space<hbm>>
        tpu.enqueue_dma source(%dma_start3A_31 : memref<80xi32, #tpu.memory_space<hbm>>) target(%arg5 : memref<80xi32, #tpu.memory_space<vmem>>) target_semaphore(%run_scoped3A : memref<!tpu.dma_semaphore, #tpu.memory_space<semaphore_mem>>)
        %dma_wait3A = tpu.memref_slice %arg3[%add3A_30] : memref<320000xi32, #tpu.memory_space<hbm>> -> memref<80xi32, #tpu.memory_space<hbm>>
        %dma_wait3A_32 = tpu.memref_slice %arg3[%add3A_30] : memref<320000xi32, #tpu.memory_space<hbm>> -> memref<80xi32, #tpu.memory_space<hbm>>
        tpu.wait_dma2 semaphore(%run_scoped3A : memref<!tpu.dma_semaphore, #tpu.memory_space<semaphore_mem>>) src(%dma_wait3A_32 : memref<80xi32, #tpu.memory_space<hbm>>) dst(%arg5 : memref<80xi32, #tpu.memory_space<vmem>>)
        tpu.yield
      }) : () -> ()
      "tpu.region"() ({
        %run_scoped3A = tpu.sem_alloc : memref<!tpu.dma_semaphore, #tpu.memory_space<semaphore_mem>>
        %dma_start3A = arith.constant 0 : i32
        %dma_start3A_31 = tpu.memref_slice %arg2[%add3A_30, %dma_start3A] : memref<320000x16xf32, #tpu.memory_space<hbm>> -> memref<80x16xf32, #tpu.memory_space<hbm>>
        %dma_start3A_32 = arith.constant 0 : i32
        %dma_start3A_33 = tpu.memref_slice %arg2[%add3A_30, %dma_start3A_32] : memref<320000x16xf32, #tpu.memory_space<hbm>> -> memref<80x16xf32, #tpu.memory_space<hbm>>
        tpu.enqueue_dma source(%dma_start3A_33 : memref<80x16xf32, #tpu.memory_space<hbm>>) target(%arg6 : memref<80x16xf32, #tpu.memory_space<vmem>>) target_semaphore(%run_scoped3A : memref<!tpu.dma_semaphore, #tpu.memory_space<semaphore_mem>>)
        %dma_wait3A = arith.constant 0 : i32
        %dma_wait3A_34 = tpu.memref_slice %arg2[%add3A_30, %dma_wait3A] : memref<320000x16xf32, #tpu.memory_space<hbm>> -> memref<80x16xf32, #tpu.memory_space<hbm>>
        %dma_wait3A_35 = arith.constant 0 : i32
        %dma_wait3A_36 = tpu.memref_slice %arg2[%add3A_30, %dma_wait3A_35] : memref<320000x16xf32, #tpu.memory_space<hbm>> -> memref<80x16xf32, #tpu.memory_space<hbm>>
        tpu.wait_dma2 semaphore(%run_scoped3A : memref<!tpu.dma_semaphore, #tpu.memory_space<semaphore_mem>>) src(%dma_wait3A_36 : memref<80x16xf32, #tpu.memory_space<hbm>>) dst(%arg6 : memref<80x16xf32, #tpu.memory_space<vmem>>)
        tpu.yield
      }) : () -> ()
      "tpu.region"() ({
        %run_scoped3A = tpu.sem_alloc : memref<!tpu.dma_semaphore, #tpu.memory_space<semaphore_mem>>
        %dma_start3A = arith.constant 0 : i32
        %dma_start3A_31 = arith.constant 0 : i32
        %dma_start3A_32 = tpu.memref_slice %arg8[%dma_start3A, %dma_start3A_31] : memref<10000x16xf32, #tpu.memory_space<vmem_shared>> -> memref<10000x16xf32, #tpu.memory_space<vmem_shared>>
        tpu.enqueue_indirect_dma source(%arg6 : memref<80x16xf32, #tpu.memory_space<vmem>>) target(%dma_start3A_32 : memref<10000x16xf32, #tpu.memory_space<vmem_shared>>) offsets(%arg5 : memref<80xi32, #tpu.memory_space<vmem>>) semaphore(%run_scoped3A : memref<!tpu.dma_semaphore, #tpu.memory_space<semaphore_mem>>) {add = true}
        %dma_wait3A = arith.constant 0 : i32
        %dma_wait3A_33 = arith.constant 0 : i32
        %dma_wait3A_34 = tpu.memref_slice %arg8[%dma_wait3A, %dma_wait3A_33] : memref<10000x16xf32, #tpu.memory_space<vmem_shared>> -> memref<10000x16xf32, #tpu.memory_space<vmem_shared>>
        tpu.wait_indirect_dma semaphore(%run_scoped3A : memref<!tpu.dma_semaphore, #tpu.memory_space<semaphore_mem>>) src(%arg6 : memref<80x16xf32, #tpu.memory_space<vmem>>) dst(%dma_wait3A_34 : memref<10000x16xf32, #tpu.memory_space<vmem_shared>>)
        tpu.yield
      }) : () -> ()
    }
    %scan3A_19 = arith.constant 125 : i32
    %barrier3A_20 = arith.constant 0 : index
    tpu.barrier barrier_id(%barrier3A_20)
    %scan3A_21 = arith.constant 0 : i32
    %scan3A_22 = arith.constant 0 : i32
    %scan3A_23 = arith.constant 8 : i32
    %scan3A_24 = arith.addi %scan3A_22, %scan3A_23 : i32
    %scan3A_25 = arith.constant 1 : i32
    scf.for %scan3A_27 = %scan3A_22 to %scan3A_24 step %scan3A_25  : i32 {
      %mul3A_28 = arith.constant 16 : i32
      %mul3A_29 = arith.muli %mul3A_28, %scan3A_27 : i32
      %add3A_30 = arith.addi %arg1, %mul3A_29 : i32
      %lt3A = arith.constant 125 : i32
      %lt3A_31 = arith.cmpi slt, %add3A_30, %lt3A : i32
      %convert_element_type3A = arith.extui %lt3A_31 : i1 to i32
      %cond3A = arith.constant 0 : i32
      %cond3A_32 = arith.cmpi ne, %convert_element_type3A, %cond3A : i32
      scf.if %cond3A_32 {
        %mul3A_33 = arith.constant 80 : i32
        %mul3A_34 = arith.muli %add3A_30, %mul3A_33 : i32
        %mul3A_35 = arith.constant 80 : i32
        %mul3A_36 = arith.muli %add3A_30, %mul3A_35 : i32
        "tpu.region"() ({
          %run_scoped3A = tpu.sem_alloc : memref<!tpu.dma_semaphore, #tpu.memory_space<semaphore_mem>>
          %dma_start3A = arith.constant 0 : i32
          %dma_start3A_37 = arith.constant 0 : i32
          %dma_start3A_38 = tpu.memref_slice %arg4[%arg0, %dma_start3A, %dma_start3A_37] : memref<2x10000x16xf32, #tpu.memory_space<hbm>> -> memref<1x10000x16xf32, #tpu.memory_space<hbm>>
          %dma_start3A_39 = tpu.memref_squeeze %dma_start3A_38 : memref<1x10000x16xf32, #tpu.memory_space<hbm>> -> memref<10000x16xf32, #tpu.memory_space<hbm>>
          %dma_start3A_40 = arith.constant 0 : i32
          %dma_start3A_41 = tpu.memref_slice %dma_start3A_39[%mul3A_36, %dma_start3A_40] : memref<10000x16xf32, #tpu.memory_space<hbm>> -> memref<80x16xf32, #tpu.memory_space<hbm>>
          %dma_start3A_42 = arith.constant 0 : i32
          %dma_start3A_43 = tpu.memref_slice %arg8[%mul3A_34, %dma_start3A_42] : memref<10000x16xf32, #tpu.memory_space<vmem_shared>> -> memref<80x16xf32, #tpu.memory_space<vmem_shared>>
          tpu.enqueue_dma source(%dma_start3A_43 : memref<80x16xf32, #tpu.memory_space<vmem_shared>>) target(%dma_start3A_41 : memref<80x16xf32, #tpu.memory_space<hbm>>) target_semaphore(%run_scoped3A : memref<!tpu.dma_semaphore, #tpu.memory_space<semaphore_mem>>)
          %dma_wait3A = arith.constant 0 : i32
          %dma_wait3A_44 = arith.constant 0 : i32
          %dma_wait3A_45 = tpu.memref_slice %arg4[%arg0, %dma_wait3A, %dma_wait3A_44] : memref<2x10000x16xf32, #tpu.memory_space<hbm>> -> memref<1x10000x16xf32, #tpu.memory_space<hbm>>
          %dma_wait3A_46 = tpu.memref_squeeze %dma_wait3A_45 : memref<1x10000x16xf32, #tpu.memory_space<hbm>> -> memref<10000x16xf32, #tpu.memory_space<hbm>>
          %dma_wait3A_47 = arith.constant 0 : i32
          %dma_wait3A_48 = tpu.memref_slice %dma_wait3A_46[%mul3A_36, %dma_wait3A_47] : memref<10000x16xf32, #tpu.memory_space<hbm>> -> memref<80x16xf32, #tpu.memory_space<hbm>>
          %dma_wait3A_49 = arith.constant 0 : i32
          %dma_wait3A_50 = tpu.memref_slice %arg8[%mul3A_34, %dma_wait3A_49] : memref<10000x16xf32, #tpu.memory_space<vmem_shared>> -> memref<80x16xf32, #tpu.memory_space<vmem_shared>>
          tpu.wait_dma2 semaphore(%run_scoped3A : memref<!tpu.dma_semaphore, #tpu.memory_space<semaphore_mem>>) src(%dma_wait3A_50 : memref<80x16xf32, #tpu.memory_space<vmem_shared>>) dst(%dma_wait3A_48 : memref<80x16xf32, #tpu.memory_space<hbm>>)
          tpu.yield
        }) : () -> ()
      } else {
      }
    }
    %scan3A_26 = arith.constant 8 : i32
    return
  }
}

#map = affine_map<(d0, d1) -> (0, 0)>
#map1 = affine_map<(d0, d1) -> (0)>
#map2 = affine_map<(d0, d1) -> (0, 0, 0)>
module attributes {stable_mosaic.version = 14 : i64} {
  func.func @_body(%arg0: i32, %arg1: i32, %arg2: memref<320000x128xf32, #tpu.memory_space<hbm>>, %arg3: memref<320000xi32, #tpu.memory_space<hbm>>, %arg4: memref<2x10000x128xf32, #tpu.memory_space<hbm>>, %arg5: memref<80xi32, #tpu.memory_space<vmem>>, %arg6: memref<80x128xf32, #tpu.memory_space<vmem>>, %arg7: memref<80x128xf32, #tpu.memory_space<vmem>>, %arg8: memref<10000x128xf32, #tpu.memory_space<vmem_shared>>) attributes {dimension_semantics = [#tpu.dimension_semantics<core_parallel>, #tpu.dimension_semantics<subcore_parallel>], iteration_bounds = array<i64: 2, 16>, scalar_prefetch = 0 : i64, scratch_operands = 4 : i64, tpu.core_type = #tpu.core_type<sc_vector_subcore>, window_params = [{transform_indices = #map}, {transform_indices = #map1}, {transform_indices = #map2}]} {
    %scan3A = arith.constant 0 : i32
    %scan3A_0 = arith.constant 0 : i32
    %scan3A_1 = arith.constant 80 : i32
    %scan3A_2 = arith.addi %scan3A_0, %scan3A_1 : i32
    %scan3A_3 = arith.constant 1 : i32
    scf.for %scan3A_27 = %scan3A_0 to %scan3A_2 step %scan3A_3  : i32 {
      %broadcast_in_dim3A = arith.constant 0.000000e+00 : f32
      %broadcast_in_dim3A_28 = vector.broadcast %broadcast_in_dim3A : f32 to vector<16xf32>
      %swap3A = arith.index_cast %scan3A_27 : i32 to index
      %swap3A_29 = arith.constant 0 : index
      %swap3A_30 = tpu.vector_load %arg7[%swap3A, %swap3A_29] {strides = array<i32>} : memref<80x128xf32, #tpu.memory_space<vmem>>, vector<1x16xf32>,
      %swap3A_31 = vector.shape_cast %swap3A_30 : vector<1x16xf32> to vector<16xf32>
      %swap3A_32 = vector.shape_cast %broadcast_in_dim3A_28 : vector<16xf32> to vector<1x16xf32>
      tpu.vector_store %arg7[%swap3A, %swap3A_29], %swap3A_32 {strides = array<i32>} : memref<80x128xf32, #tpu.memory_space<vmem>>, vector<1x16xf32>,
      %broadcast_in_dim3A_33 = arith.constant 0.000000e+00 : f32
      %broadcast_in_dim3A_34 = vector.broadcast %broadcast_in_dim3A_33 : f32 to vector<16xf32>
      %swap3A_35 = arith.index_cast %scan3A_27 : i32 to index
      %swap3A_36 = arith.constant 16 : index
      %swap3A_37 = tpu.vector_load %arg7[%swap3A_35, %swap3A_36] {strides = array<i32>} : memref<80x128xf32, #tpu.memory_space<vmem>>, vector<1x16xf32>,
      %swap3A_38 = vector.shape_cast %swap3A_37 : vector<1x16xf32> to vector<16xf32>
      %swap3A_39 = vector.shape_cast %broadcast_in_dim3A_34 : vector<16xf32> to vector<1x16xf32>
      tpu.vector_store %arg7[%swap3A_35, %swap3A_36], %swap3A_39 {strides = array<i32>} : memref<80x128xf32, #tpu.memory_space<vmem>>, vector<1x16xf32>,
      %broadcast_in_dim3A_40 = arith.constant 0.000000e+00 : f32
      %broadcast_in_dim3A_41 = vector.broadcast %broadcast_in_dim3A_40 : f32 to vector<16xf32>
      %swap3A_42 = arith.index_cast %scan3A_27 : i32 to index
      %swap3A_43 = arith.constant 32 : index
      %swap3A_44 = tpu.vector_load %arg7[%swap3A_42, %swap3A_43] {strides = array<i32>} : memref<80x128xf32, #tpu.memory_space<vmem>>, vector<1x16xf32>,
      %swap3A_45 = vector.shape_cast %swap3A_44 : vector<1x16xf32> to vector<16xf32>
      %swap3A_46 = vector.shape_cast %broadcast_in_dim3A_41 : vector<16xf32> to vector<1x16xf32>
      tpu.vector_store %arg7[%swap3A_42, %swap3A_43], %swap3A_46 {strides = array<i32>} : memref<80x128xf32, #tpu.memory_space<vmem>>, vector<1x16xf32>,
      %broadcast_in_dim3A_47 = arith.constant 0.000000e+00 : f32
      %broadcast_in_dim3A_48 = vector.broadcast %broadcast_in_dim3A_47 : f32 to vector<16xf32>
      %swap3A_49 = arith.index_cast %scan3A_27 : i32 to index
      %swap3A_50 = arith.constant 48 : index
      %swap3A_51 = tpu.vector_load %arg7[%swap3A_49, %swap3A_50] {strides = array<i32>} : memref<80x128xf32, #tpu.memory_space<vmem>>, vector<1x16xf32>,
      %swap3A_52 = vector.shape_cast %swap3A_51 : vector<1x16xf32> to vector<16xf32>
      %swap3A_53 = vector.shape_cast %broadcast_in_dim3A_48 : vector<16xf32> to vector<1x16xf32>
      tpu.vector_store %arg7[%swap3A_49, %swap3A_50], %swap3A_53 {strides = array<i32>} : memref<80x128xf32, #tpu.memory_space<vmem>>, vector<1x16xf32>,
      %broadcast_in_dim3A_54 = arith.constant 0.000000e+00 : f32
      %broadcast_in_dim3A_55 = vector.broadcast %broadcast_in_dim3A_54 : f32 to vector<16xf32>
      %swap3A_56 = arith.index_cast %scan3A_27 : i32 to index
      %swap3A_57 = arith.constant 64 : index
      %swap3A_58 = tpu.vector_load %arg7[%swap3A_56, %swap3A_57] {strides = array<i32>} : memref<80x128xf32, #tpu.memory_space<vmem>>, vector<1x16xf32>,
      %swap3A_59 = vector.shape_cast %swap3A_58 : vector<1x16xf32> to vector<16xf32>
      %swap3A_60 = vector.shape_cast %broadcast_in_dim3A_55 : vector<16xf32> to vector<1x16xf32>
      tpu.vector_store %arg7[%swap3A_56, %swap3A_57], %swap3A_60 {strides = array<i32>} : memref<80x128xf32, #tpu.memory_space<vmem>>, vector<1x16xf32>,
      %broadcast_in_dim3A_61 = arith.constant 0.000000e+00 : f32
      %broadcast_in_dim3A_62 = vector.broadcast %broadcast_in_dim3A_61 : f32 to vector<16xf32>
      %swap3A_63 = arith.index_cast %scan3A_27 : i32 to index
      %swap3A_64 = arith.constant 80 : index
      %swap3A_65 = tpu.vector_load %arg7[%swap3A_63, %swap3A_64] {strides = array<i32>} : memref<80x128xf32, #tpu.memory_space<vmem>>, vector<1x16xf32>,
      %swap3A_66 = vector.shape_cast %swap3A_65 : vector<1x16xf32> to vector<16xf32>
      %swap3A_67 = vector.shape_cast %broadcast_in_dim3A_62 : vector<16xf32> to vector<1x16xf32>
      tpu.vector_store %arg7[%swap3A_63, %swap3A_64], %swap3A_67 {strides = array<i32>} : memref<80x128xf32, #tpu.memory_space<vmem>>, vector<1x16xf32>,
      %broadcast_in_dim3A_68 = arith.constant 0.000000e+00 : f32
      %broadcast_in_dim3A_69 = vector.broadcast %broadcast_in_dim3A_68 : f32 to vector<16xf32>
      %swap3A_70 = arith.index_cast %scan3A_27 : i32 to index
      %swap3A_71 = arith.constant 96 : index
      %swap3A_72 = tpu.vector_load %arg7[%swap3A_70, %swap3A_71] {strides = array<i32>} : memref<80x128xf32, #tpu.memory_space<vmem>>, vector<1x16xf32>,
      %swap3A_73 = vector.shape_cast %swap3A_72 : vector<1x16xf32> to vector<16xf32>
      %swap3A_74 = vector.shape_cast %broadcast_in_dim3A_69 : vector<16xf32> to vector<1x16xf32>
      tpu.vector_store %arg7[%swap3A_70, %swap3A_71], %swap3A_74 {strides = array<i32>} : memref<80x128xf32, #tpu.memory_space<vmem>>, vector<1x16xf32>,
      %broadcast_in_dim3A_75 = arith.constant 0.000000e+00 : f32
      %broadcast_in_dim3A_76 = vector.broadcast %broadcast_in_dim3A_75 : f32 to vector<16xf32>
      %swap3A_77 = arith.index_cast %scan3A_27 : i32 to index
      %swap3A_78 = arith.constant 112 : index
      %swap3A_79 = tpu.vector_load %arg7[%swap3A_77, %swap3A_78] {strides = array<i32>} : memref<80x128xf32, #tpu.memory_space<vmem>>, vector<1x16xf32>,
      %swap3A_80 = vector.shape_cast %swap3A_79 : vector<1x16xf32> to vector<16xf32>
      %swap3A_81 = vector.shape_cast %broadcast_in_dim3A_76 : vector<16xf32> to vector<1x16xf32>
      tpu.vector_store %arg7[%swap3A_77, %swap3A_78], %swap3A_81 {strides = array<i32>} : memref<80x128xf32, #tpu.memory_space<vmem>>, vector<1x16xf32>,
    }
    %scan3A_4 = arith.constant 80 : i32
    %scan3A_5 = arith.constant 0 : i32
    %scan3A_6 = arith.constant 0 : i32
    %scan3A_7 = arith.constant 8 : i32
    %scan3A_8 = arith.addi %scan3A_6, %scan3A_7 : i32
    %scan3A_9 = arith.constant 1 : i32
    scf.for %scan3A_27 = %scan3A_6 to %scan3A_8 step %scan3A_9  : i32 {
      %mul3A_28 = arith.constant 16 : i32
      %mul3A_29 = arith.muli %mul3A_28, %scan3A_27 : i32
      %add3A_30 = arith.addi %arg1, %mul3A_29 : i32
      %lt3A = arith.constant 125 : i32
      %lt3A_31 = arith.cmpi slt, %add3A_30, %lt3A : i32
      %convert_element_type3A = arith.extui %lt3A_31 : i1 to i32
      %cond3A = arith.constant 0 : i32
      %cond3A_32 = arith.cmpi ne, %convert_element_type3A, %cond3A : i32
      scf.if %cond3A_32 {
        %mul3A_33 = arith.constant 80 : i32
        %mul3A_34 = arith.muli %add3A_30, %mul3A_33 : i32
        "tpu.region"() ({
          %run_scoped3A = tpu.sem_alloc : memref<!tpu.dma_semaphore, #tpu.memory_space<semaphore_mem>>
          %dma_start3A = arith.constant 0 : i32
          %dma_start3A_35 = tpu.memref_slice %arg8[%mul3A_34, %dma_start3A] : memref<10000x128xf32, #tpu.memory_space<vmem_shared>> -> memref<80x128xf32, #tpu.memory_space<vmem_shared>>
          %dma_start3A_36 = arith.constant 0 : i32
          %dma_start3A_37 = tpu.memref_slice %arg8[%mul3A_34, %dma_start3A_36] : memref<10000x128xf32, #tpu.memory_space<vmem_shared>> -> memref<80x128xf32, #tpu.memory_space<vmem_shared>>
          tpu.enqueue_dma source(%arg7 : memref<80x128xf32, #tpu.memory_space<vmem>>) target(%dma_start3A_37 : memref<80x128xf32, #tpu.memory_space<vmem_shared>>) target_semaphore(%run_scoped3A : memref<!tpu.dma_semaphore, #tpu.memory_space<semaphore_mem>>)
          %dma_wait3A = arith.constant 0 : i32
          %dma_wait3A_38 = tpu.memref_slice %arg8[%mul3A_34, %dma_wait3A] : memref<10000x128xf32, #tpu.memory_space<vmem_shared>> -> memref<80x128xf32, #tpu.memory_space<vmem_shared>>
          %dma_wait3A_39 = arith.constant 0 : i32
          %dma_wait3A_40 = tpu.memref_slice %arg8[%mul3A_34, %dma_wait3A_39] : memref<10000x128xf32, #tpu.memory_space<vmem_shared>> -> memref<80x128xf32, #tpu.memory_space<vmem_shared>>
          tpu.wait_dma2 semaphore(%run_scoped3A : memref<!tpu.dma_semaphore, #tpu.memory_space<semaphore_mem>>) src(%arg7 : memref<80x128xf32, #tpu.memory_space<vmem>>) dst(%dma_wait3A_40 : memref<80x128xf32, #tpu.memory_space<vmem_shared>>)
          tpu.yield
        }) : () -> ()
      } else {
      }
    }
    %scan3A_10 = arith.constant 8 : i32
    %barrier3A = arith.constant 0 : index
    tpu.barrier barrier_id(%barrier3A)
    %mul3A = arith.constant 16 : i32
    %mul3A_11 = arith.muli %arg0, %mul3A : i32
    %add3A = arith.addi %mul3A_11, %arg1 : i32
    %mul3A_12 = arith.constant 10000 : i32
    %mul3A_13 = arith.muli %add3A, %mul3A_12 : i32
    %scan3A_14 = arith.constant 0 : i32
    %scan3A_15 = arith.constant 0 : i32
    %scan3A_16 = arith.constant 125 : i32
    %scan3A_17 = arith.addi %scan3A_15, %scan3A_16 : i32
    %scan3A_18 = arith.constant 1 : i32
    scf.for %scan3A_27 = %scan3A_15 to %scan3A_17 step %scan3A_18  : i32 {
      %mul3A_28 = arith.constant 80 : i32
      %mul3A_29 = arith.muli %scan3A_27, %mul3A_28 : i32
      %add3A_30 = arith.addi %mul3A_13, %mul3A_29 : i32
      "tpu.region"() ({
        %run_scoped3A = tpu.sem_alloc : memref<!tpu.dma_semaphore, #tpu.memory_space<semaphore_mem>>
        %dma_start3A = tpu.memref_slice %arg3[%add3A_30] : memref<320000xi32, #tpu.memory_space<hbm>> -> memref<80xi32, #tpu.memory_space<hbm>>
        %dma_start3A_31 = tpu.memref_slice %arg3[%add3A_30] : memref<320000xi32, #tpu.memory_space<hbm>> -> memref<80xi32, #tpu.memory_space<hbm>>
        tpu.enqueue_dma source(%dma_start3A_31 : memref<80xi32, #tpu.memory_space<hbm>>) target(%arg5 : memref<80xi32, #tpu.memory_space<vmem>>) target_semaphore(%run_scoped3A : memref<!tpu.dma_semaphore, #tpu.memory_space<semaphore_mem>>)
        %dma_wait3A = tpu.memref_slice %arg3[%add3A_30] : memref<320000xi32, #tpu.memory_space<hbm>> -> memref<80xi32, #tpu.memory_space<hbm>>
        %dma_wait3A_32 = tpu.memref_slice %arg3[%add3A_30] : memref<320000xi32, #tpu.memory_space<hbm>> -> memref<80xi32, #tpu.memory_space<hbm>>
        tpu.wait_dma2 semaphore(%run_scoped3A : memref<!tpu.dma_semaphore, #tpu.memory_space<semaphore_mem>>) src(%dma_wait3A_32 : memref<80xi32, #tpu.memory_space<hbm>>) dst(%arg5 : memref<80xi32, #tpu.memory_space<vmem>>)
        tpu.yield
      }) : () -> ()
      "tpu.region"() ({
        %run_scoped3A = tpu.sem_alloc : memref<!tpu.dma_semaphore, #tpu.memory_space<semaphore_mem>>
        %dma_start3A = arith.constant 0 : i32
        %dma_start3A_31 = tpu.memref_slice %arg2[%add3A_30, %dma_start3A] : memref<320000x128xf32, #tpu.memory_space<hbm>> -> memref<80x128xf32, #tpu.memory_space<hbm>>
        %dma_start3A_32 = arith.constant 0 : i32
        %dma_start3A_33 = tpu.memref_slice %arg2[%add3A_30, %dma_start3A_32] : memref<320000x128xf32, #tpu.memory_space<hbm>> -> memref<80x128xf32, #tpu.memory_space<hbm>>
        tpu.enqueue_dma source(%dma_start3A_33 : memref<80x128xf32, #tpu.memory_space<hbm>>) target(%arg6 : memref<80x128xf32, #tpu.memory_space<vmem>>) target_semaphore(%run_scoped3A : memref<!tpu.dma_semaphore, #tpu.memory_space<semaphore_mem>>)
        %dma_wait3A = arith.constant 0 : i32
        %dma_wait3A_34 = tpu.memref_slice %arg2[%add3A_30, %dma_wait3A] : memref<320000x128xf32, #tpu.memory_space<hbm>> -> memref<80x128xf32, #tpu.memory_space<hbm>>
        %dma_wait3A_35 = arith.constant 0 : i32
        %dma_wait3A_36 = tpu.memref_slice %arg2[%add3A_30, %dma_wait3A_35] : memref<320000x128xf32, #tpu.memory_space<hbm>> -> memref<80x128xf32, #tpu.memory_space<hbm>>
        tpu.wait_dma2 semaphore(%run_scoped3A : memref<!tpu.dma_semaphore, #tpu.memory_space<semaphore_mem>>) src(%dma_wait3A_36 : memref<80x128xf32, #tpu.memory_space<hbm>>) dst(%arg6 : memref<80x128xf32, #tpu.memory_space<vmem>>)
        tpu.yield
      }) : () -> ()
      "tpu.region"() ({
        %run_scoped3A = tpu.sem_alloc : memref<!tpu.dma_semaphore, #tpu.memory_space<semaphore_mem>>
        %dma_start3A = arith.constant 0 : i32
        %dma_start3A_31 = arith.constant 0 : i32
        %dma_start3A_32 = tpu.memref_slice %arg8[%dma_start3A, %dma_start3A_31] : memref<10000x128xf32, #tpu.memory_space<vmem_shared>> -> memref<10000x128xf32, #tpu.memory_space<vmem_shared>>
        tpu.enqueue_indirect_dma source(%arg6 : memref<80x128xf32, #tpu.memory_space<vmem>>) target(%dma_start3A_32 : memref<10000x128xf32, #tpu.memory_space<vmem_shared>>) offsets(%arg5 : memref<80xi32, #tpu.memory_space<vmem>>) semaphore(%run_scoped3A : memref<!tpu.dma_semaphore, #tpu.memory_space<semaphore_mem>>) {add = true}
        %dma_wait3A = arith.constant 0 : i32
        %dma_wait3A_33 = arith.constant 0 : i32
        %dma_wait3A_34 = tpu.memref_slice %arg8[%dma_wait3A, %dma_wait3A_33] : memref<10000x128xf32, #tpu.memory_space<vmem_shared>> -> memref<10000x128xf32, #tpu.memory_space<vmem_shared>>
        tpu.wait_indirect_dma semaphore(%run_scoped3A : memref<!tpu.dma_semaphore, #tpu.memory_space<semaphore_mem>>) src(%arg6 : memref<80x128xf32, #tpu.memory_space<vmem>>) dst(%dma_wait3A_34 : memref<10000x128xf32, #tpu.memory_space<vmem_shared>>)
        tpu.yield
      }) : () -> ()
    }
    %scan3A_19 = arith.constant 125 : i32
    %barrier3A_20 = arith.constant 0 : index
    tpu.barrier barrier_id(%barrier3A_20)
    %scan3A_21 = arith.constant 0 : i32
    %scan3A_22 = arith.constant 0 : i32
    %scan3A_23 = arith.constant 8 : i32
    %scan3A_24 = arith.addi %scan3A_22, %scan3A_23 : i32
    %scan3A_25 = arith.constant 1 : i32
    scf.for %scan3A_27 = %scan3A_22 to %scan3A_24 step %scan3A_25  : i32 {
      %mul3A_28 = arith.constant 16 : i32
      %mul3A_29 = arith.muli %mul3A_28, %scan3A_27 : i32
      %add3A_30 = arith.addi %arg1, %mul3A_29 : i32
      %lt3A = arith.constant 125 : i32
      %lt3A_31 = arith.cmpi slt, %add3A_30, %lt3A : i32
      %convert_element_type3A = arith.extui %lt3A_31 : i1 to i32
      %cond3A = arith.constant 0 : i32
      %cond3A_32 = arith.cmpi ne, %convert_element_type3A, %cond3A : i32
      scf.if %cond3A_32 {
        %mul3A_33 = arith.constant 80 : i32
        %mul3A_34 = arith.muli %add3A_30, %mul3A_33 : i32
        %mul3A_35 = arith.constant 80 : i32
        %mul3A_36 = arith.muli %add3A_30, %mul3A_35 : i32
        "tpu.region"() ({
          %run_scoped3A = tpu.sem_alloc : memref<!tpu.dma_semaphore, #tpu.memory_space<semaphore_mem>>
          %dma_start3A = arith.constant 0 : i32
          %dma_start3A_37 = arith.constant 0 : i32
          %dma_start3A_38 = tpu.memref_slice %arg4[%arg0, %dma_start3A, %dma_start3A_37] : memref<2x10000x128xf32, #tpu.memory_space<hbm>> -> memref<1x10000x128xf32, #tpu.memory_space<hbm>>
          %dma_start3A_39 = tpu.memref_squeeze %dma_start3A_38 : memref<1x10000x128xf32, #tpu.memory_space<hbm>> -> memref<10000x128xf32, #tpu.memory_space<hbm>>
          %dma_start3A_40 = arith.constant 0 : i32
          %dma_start3A_41 = tpu.memref_slice %dma_start3A_39[%mul3A_36, %dma_start3A_40] : memref<10000x128xf32, #tpu.memory_space<hbm>> -> memref<80x128xf32, #tpu.memory_space<hbm>>
          %dma_start3A_42 = arith.constant 0 : i32
          %dma_start3A_43 = tpu.memref_slice %arg8[%mul3A_34, %dma_start3A_42] : memref<10000x128xf32, #tpu.memory_space<vmem_shared>> -> memref<80x128xf32, #tpu.memory_space<vmem_shared>>
          tpu.enqueue_dma source(%dma_start3A_43 : memref<80x128xf32, #tpu.memory_space<vmem_shared>>) target(%dma_start3A_41 : memref<80x128xf32, #tpu.memory_space<hbm>>) target_semaphore(%run_scoped3A : memref<!tpu.dma_semaphore, #tpu.memory_space<semaphore_mem>>)
          %dma_wait3A = arith.constant 0 : i32
          %dma_wait3A_44 = arith.constant 0 : i32
          %dma_wait3A_45 = tpu.memref_slice %arg4[%arg0, %dma_wait3A, %dma_wait3A_44] : memref<2x10000x128xf32, #tpu.memory_space<hbm>> -> memref<1x10000x128xf32, #tpu.memory_space<hbm>>
          %dma_wait3A_46 = tpu.memref_squeeze %dma_wait3A_45 : memref<1x10000x128xf32, #tpu.memory_space<hbm>> -> memref<10000x128xf32, #tpu.memory_space<hbm>>
          %dma_wait3A_47 = arith.constant 0 : i32
          %dma_wait3A_48 = tpu.memref_slice %dma_wait3A_46[%mul3A_36, %dma_wait3A_47] : memref<10000x128xf32, #tpu.memory_space<hbm>> -> memref<80x128xf32, #tpu.memory_space<hbm>>
          %dma_wait3A_49 = arith.constant 0 : i32
          %dma_wait3A_50 = tpu.memref_slice %arg8[%mul3A_34, %dma_wait3A_49] : memref<10000x128xf32, #tpu.memory_space<vmem_shared>> -> memref<80x128xf32, #tpu.memory_space<vmem_shared>>
          tpu.wait_dma2 semaphore(%run_scoped3A : memref<!tpu.dma_semaphore, #tpu.memory_space<semaphore_mem>>) src(%dma_wait3A_50 : memref<80x128xf32, #tpu.memory_space<vmem_shared>>) dst(%dma_wait3A_48 : memref<80x128xf32, #tpu.memory_space<hbm>>)
          tpu.yield
        }) : () -> ()
      } else {
      }
    }
    %scan3A_26 = arith.constant 8 : i32
    return
  }
}

module attributes {stable_mosaic.version = 14 : i64} {
  func.func @_msg_body(%arg0: i32, %arg1: memref<2000x128xf32, #tpu.memory_space<vmem>>, %arg2: memref<2000x256xf32, #tpu.memory_space<vmem>>, %arg3: memref<2000x128xf32, #tpu.memory_space<vmem>>, %arg4: memref<2000x16xf32, #tpu.memory_space<vmem>>) attributes {dimension_semantics = [#tpu.dimension_semantics<arbitrary>], iteration_bounds = array<i64: 160>, scalar_prefetch = 0 : i64, scratch_operands = 0 : i64, tpu.core_type = #tpu.core_type<tc>, window_params = [{transform_indices = @transform_0, window_bounds = array<i64: 2000, 128>}, {transform_indices = @transform_1, window_bounds = array<i64: 2000, 256>}, {transform_indices = @transform_2, window_bounds = array<i64: 2000, 128>}, {transform_indices = @transform_3, window_bounds = array<i64: 2000, 16>}]} {
    %get3A = arith.constant 0 : index
    %get3A_0 = arith.constant 0 : index
    %get3A_1 = vector.load %arg1[%get3A, %get3A_0] : memref<2000x128xf32, #tpu.memory_space<vmem>>, vector<2000x128xf32>
    %get3A_2 = arith.constant 0 : index
    %get3A_3 = arith.constant 0 : index
    %get3A_4 = vector.load %arg2[%get3A_2, %get3A_3] : memref<2000x256xf32, #tpu.memory_space<vmem>>, vector<2000x128xf32>
    %get3A_5 = arith.constant 0 : index
    %get3A_6 = arith.constant 128 : index
    %get3A_7 = vector.load %arg2[%get3A_5, %get3A_6] : memref<2000x256xf32, #tpu.memory_space<vmem>>, vector<2000x128xf32>
    %mul3A = arith.mulf %get3A_1, %get3A_4 : vector<2000x128xf32>
    %iota3A = tpu.iota {dimensions = array<i32: 0>} : vector<128x8xi32>
    %jit3A = arith.constant 16 : i32
    %div3A = vector.broadcast %jit3A : i32 to vector<128x8xi32>
    %div3A_8 = arith.divsi %iota3A, %div3A : vector<128x8xi32>
    %sign3A = arith.constant 0 : i32
    %sign3A_9 = vector.broadcast %sign3A : i32 to vector<128x8xi32>
    %sign3A_10 = arith.cmpi sgt, %iota3A, %sign3A_9 : vector<128x8xi32>
    %sign3A_11 = arith.extui %sign3A_10 : vector<128x8xi1> to vector<128x8xi32>
    %sign3A_12 = arith.constant 0 : i32
    %sign3A_13 = vector.broadcast %sign3A_12 : i32 to vector<128x8xi32>
    %sign3A_14 = arith.cmpi slt, %iota3A, %sign3A_13 : vector<128x8xi32>
    %sign3A_15 = arith.extui %sign3A_14 : vector<128x8xi1> to vector<128x8xi32>
    %sign3A_16 = arith.subi %sign3A_11, %sign3A_15 : vector<128x8xi32>
    %sign3A_17 = arith.constant 0 : i32
    %sign3A_18 = arith.cmpi sgt, %jit3A, %sign3A_17 : i32
    %sign3A_19 = arith.extui %sign3A_18 : i1 to i32
    %sign3A_20 = arith.constant 0 : i32
    %sign3A_21 = arith.cmpi slt, %jit3A, %sign3A_20 : i32
    %sign3A_22 = arith.extui %sign3A_21 : i1 to i32
    %sign3A_23 = arith.subi %sign3A_19, %sign3A_22 : i32
    %ne3A = vector.broadcast %sign3A_23 : i32 to vector<128x8xi32>
    %ne3A_24 = arith.cmpi ne, %sign3A_16, %ne3A : vector<128x8xi32>
    %rem3A = vector.broadcast %jit3A : i32 to vector<128x8xi32>
    %rem3A_25 = arith.remsi %iota3A, %rem3A : vector<128x8xi32>
    %ne3A_26 = arith.constant 0 : i32
    %ne3A_27 = vector.broadcast %ne3A_26 : i32 to vector<128x8xi32>
    %ne3A_28 = arith.cmpi ne, %rem3A_25, %ne3A_27 : vector<128x8xi32>
    %and3A = arith.andi %ne3A_24, %ne3A_28 : vector<128x8xi1>
    %sub3A = arith.constant 1 : i32
    %sub3A_29 = vector.broadcast %sub3A : i32 to vector<128x8xi32>
    %sub3A_30 = arith.subi %div3A_8, %sub3A_29 : vector<128x8xi32>
    %select_n3A = arith.select %and3A, %sub3A_30, %div3A_8 : vector<128x8xi1>, vector<128x8xi32>
    %iota3A_31 = tpu.iota {dimensions = array<i32: 1>} : vector<128x8xi32>
    %eq3A = arith.cmpi eq, %select_n3A, %iota3A_31 : vector<128x8xi32>
    %jit3A_32 = arith.constant 2.500000e-01 : f32
    %jit3A_33 = arith.constant 0.000000e+00 : f32
    %broadcast_in_dim3A = vector.broadcast %jit3A_32 : f32 to vector<128x8xf32>
    %broadcast_in_dim3A_34 = vector.broadcast %jit3A_33 : f32 to vector<128x8xf32>
    %select_n3A_35 = arith.select %eq3A, %broadcast_in_dim3A, %broadcast_in_dim3A_34 : vector<128x8xi1>, vector<128x8xf32>
    %dot_general3A = arith.constant dense<0.000000e+00> : vector<2000x8xf32>
    %dot_general3A_36 = tpu.matmul %mul3A, %select_n3A_35, %dot_general3A {dimension_numbers = #tpu.dot_dimension_numbers<[1], [0], [0], [1], [0, 0, 1, 1], [], []>, transpose_lhs_hint = false} : vector<2000x128xf32>, vector<128x8xf32>, vector<2000x8xf32> -> vector<2000x8xf32>
    %exp3A = math.exp %dot_general3A_36 : vector<2000x8xf32>
    %iota3A_37 = tpu.iota {dimensions = array<i32: 0>} : vector<8x128xi32>
    %iota3A_38 = tpu.iota {dimensions = array<i32: 1>} : vector<8x128xi32>
    %jit3A_39 = arith.constant 16 : i32
    %div3A_40 = vector.broadcast %jit3A_39 : i32 to vector<8x128xi32>
    %div3A_41 = arith.divsi %iota3A_38, %div3A_40 : vector<8x128xi32>
    %sign3A_42 = arith.constant 0 : i32
    %sign3A_43 = vector.broadcast %sign3A_42 : i32 to vector<8x128xi32>
    %sign3A_44 = arith.cmpi sgt, %iota3A_38, %sign3A_43 : vector<8x128xi32>
    %sign3A_45 = arith.extui %sign3A_44 : vector<8x128xi1> to vector<8x128xi32>
    %sign3A_46 = arith.constant 0 : i32
    %sign3A_47 = vector.broadcast %sign3A_46 : i32 to vector<8x128xi32>
    %sign3A_48 = arith.cmpi slt, %iota3A_38, %sign3A_47 : vector<8x128xi32>
    %sign3A_49 = arith.extui %sign3A_48 : vector<8x128xi1> to vector<8x128xi32>
    %sign3A_50 = arith.subi %sign3A_45, %sign3A_49 : vector<8x128xi32>
    %sign3A_51 = arith.constant 0 : i32
    %sign3A_52 = arith.cmpi sgt, %jit3A_39, %sign3A_51 : i32
    %sign3A_53 = arith.extui %sign3A_52 : i1 to i32
    %sign3A_54 = arith.constant 0 : i32
    %sign3A_55 = arith.cmpi slt, %jit3A_39, %sign3A_54 : i32
    %sign3A_56 = arith.extui %sign3A_55 : i1 to i32
    %sign3A_57 = arith.subi %sign3A_53, %sign3A_56 : i32
    %ne3A_58 = vector.broadcast %sign3A_57 : i32 to vector<8x128xi32>
    %ne3A_59 = arith.cmpi ne, %sign3A_50, %ne3A_58 : vector<8x128xi32>
    %rem3A_60 = vector.broadcast %jit3A_39 : i32 to vector<8x128xi32>
    %rem3A_61 = arith.remsi %iota3A_38, %rem3A_60 : vector<8x128xi32>
    %ne3A_62 = arith.constant 0 : i32
    %ne3A_63 = vector.broadcast %ne3A_62 : i32 to vector<8x128xi32>
    %ne3A_64 = arith.cmpi ne, %rem3A_61, %ne3A_63 : vector<8x128xi32>
    %and3A_65 = arith.andi %ne3A_59, %ne3A_64 : vector<8x128xi1>
    %sub3A_66 = arith.constant 1 : i32
    %sub3A_67 = vector.broadcast %sub3A_66 : i32 to vector<8x128xi32>
    %sub3A_68 = arith.subi %div3A_41, %sub3A_67 : vector<8x128xi32>
    %select_n3A_69 = arith.select %and3A_65, %sub3A_68, %div3A_41 : vector<8x128xi1>, vector<8x128xi32>
    %eq3A_70 = arith.cmpi eq, %iota3A_37, %select_n3A_69 : vector<8x128xi32>
    %jit3A_71 = arith.constant 1.000000e+00 : f32
    %jit3A_72 = arith.constant 0.000000e+00 : f32
    %broadcast_in_dim3A_73 = vector.broadcast %jit3A_71 : f32 to vector<8x128xf32>
    %broadcast_in_dim3A_74 = vector.broadcast %jit3A_72 : f32 to vector<8x128xf32>
    %select_n3A_75 = arith.select %eq3A_70, %broadcast_in_dim3A_73, %broadcast_in_dim3A_74 : vector<8x128xi1>, vector<8x128xf32>
    %dot_general3A_76 = arith.constant dense<0.000000e+00> : vector<2000x128xf32>
    %dot_general3A_77 = tpu.matmul %exp3A, %select_n3A_75, %dot_general3A_76 {dimension_numbers = #tpu.dot_dimension_numbers<[1], [0], [0], [1], [0, 0, 1, 1], [], []>, transpose_lhs_hint = false} : vector<2000x8xf32>, vector<8x128xf32>, vector<2000x128xf32> -> vector<2000x128xf32>
    %mul3A_78 = arith.mulf %get3A_7, %dot_general3A_77 : vector<2000x128xf32>
    %swap3A = arith.constant 0 : index
    %swap3A_79 = arith.constant 0 : index
    %swap3A_80 = vector.load %arg3[%swap3A, %swap3A_79] : memref<2000x128xf32, #tpu.memory_space<vmem>>, vector<2000x128xf32>
    tpu.vector_store %arg3[%swap3A, %swap3A_79], %mul3A_78 {strides = array<i32>} : memref<2000x128xf32, #tpu.memory_space<vmem>>, vector<2000x128xf32>,
    %iota3A_81 = tpu.iota {dimensions = array<i32: 0>} : vector<8x16xi32>
    %iota3A_82 = tpu.iota {dimensions = array<i32: 1>} : vector<8x16xi32>
    %eq3A_83 = arith.cmpi eq, %iota3A_81, %iota3A_82 : vector<8x16xi32>
    %jit3A_84 = arith.constant 1.000000e+00 : f32
    %jit3A_85 = arith.constant 0.000000e+00 : f32
    %broadcast_in_dim3A_86 = vector.broadcast %jit3A_84 : f32 to vector<8x16xf32>
    %broadcast_in_dim3A_87 = vector.broadcast %jit3A_85 : f32 to vector<8x16xf32>
    %select_n3A_88 = arith.select %eq3A_83, %broadcast_in_dim3A_86, %broadcast_in_dim3A_87 : vector<8x16xi1>, vector<8x16xf32>
    %dot_general3A_89 = arith.constant dense<0.000000e+00> : vector<2000x16xf32>
    %dot_general3A_90 = tpu.matmul %exp3A, %select_n3A_88, %dot_general3A_89 {dimension_numbers = #tpu.dot_dimension_numbers<[1], [0], [0], [1], [0, 0, 1, 1], [], []>, transpose_lhs_hint = false} : vector<2000x8xf32>, vector<8x16xf32>, vector<2000x16xf32> -> vector<2000x16xf32>
    %swap3A_91 = arith.constant 0 : index
    %swap3A_92 = arith.constant 0 : index
    %swap3A_93 = vector.load %arg4[%swap3A_91, %swap3A_92] : memref<2000x16xf32, #tpu.memory_space<vmem>>, vector<2000x16xf32>
    tpu.vector_store %arg4[%swap3A_91, %swap3A_92], %dot_general3A_90 {strides = array<i32>} : memref<2000x16xf32, #tpu.memory_space<vmem>>, vector<2000x16xf32>,
    return
  }
  func.func @transform_0(%arg0: i32) -> (i32, i32) {
    %c0_i32 = arith.constant 0 : i32
    %c0_i32_0 = arith.constant 0 : i32
    return %arg0, %c0_i32 : i32, i32
  }
  func.func @transform_1(%arg0: i32) -> (i32, i32) {
    %c0_i32 = arith.constant 0 : i32
    %c0_i32_0 = arith.constant 0 : i32
    return %arg0, %c0_i32 : i32, i32
  }
  func.func @transform_2(%arg0: i32) -> (i32, i32) {
    %c0_i32 = arith.constant 0 : i32
    %c0_i32_0 = arith.constant 0 : i32
    return %arg0, %c0_i32 : i32, i32
  }
  func.func @transform_3(%arg0: i32) -> (i32, i32) {
    %c0_i32 = arith.constant 0 : i32
    %c0_i32_0 = arith.constant 0 : i32
    return %arg0, %c0_i32 : i32, i32
  }
}

module attributes {stable_mosaic.version = 14 : i64} {
  func.func @_final_body(%arg0: i32, %arg1: memref<2x1000x128xf32, #tpu.memory_space<vmem>>, %arg2: memref<2x1000x16xf32, #tpu.memory_space<vmem>>, %arg3: memref<1000x128xf32, #tpu.memory_space<vmem>>, %arg4: memref<1000x128xf32, #tpu.memory_space<vmem>>, %arg5: memref<1x1xf32, #tpu.memory_space<vmem>>, %arg6: memref<1000x128xf32, #tpu.memory_space<vmem>>) attributes {dimension_semantics = [#tpu.dimension_semantics<arbitrary>], iteration_bounds = array<i64: 10>, scalar_prefetch = 0 : i64, scratch_operands = 0 : i64, tpu.core_type = #tpu.core_type<tc>, window_params = [{transform_indices = @transform_0, window_bounds = array<i64: 2, 1000, 128>}, {transform_indices = @transform_1, window_bounds = array<i64: 2, 1000, 16>}, {transform_indices = @transform_2, window_bounds = array<i64: 1000, 128>}, {transform_indices = @transform_3, window_bounds = array<i64: 1000, 128>}, {pipeline_mode = #tpu.pipeline_mode<synchronous>, transform_indices = @transform_4, window_bounds = array<i64: 1, 1>}, {transform_indices = @transform_5, window_bounds = array<i64: 1000, 128>}]} {
    %get3A = arith.constant 0 : index
    %get3A_0 = arith.constant 0 : index
    %get3A_1 = arith.constant 0 : index
    %get3A_2 = vector.load %arg1[%get3A, %get3A_0, %get3A_1] : memref<2x1000x128xf32, #tpu.memory_space<vmem>>, vector<1x1000x128xf32>
    %get3A_3 = vector.shape_cast %get3A_2 : vector<1x1000x128xf32> to vector<1000x128xf32>
    %get3A_4 = arith.constant 1 : index
    %get3A_5 = arith.constant 0 : index
    %get3A_6 = arith.constant 0 : index
    %get3A_7 = vector.load %arg1[%get3A_4, %get3A_5, %get3A_6] : memref<2x1000x128xf32, #tpu.memory_space<vmem>>, vector<1x1000x128xf32>
    %get3A_8 = vector.shape_cast %get3A_7 : vector<1x1000x128xf32> to vector<1000x128xf32>
    %add3A = arith.addf %get3A_3, %get3A_8 : vector<1000x128xf32>
    %get3A_9 = arith.constant 0 : index
    %get3A_10 = arith.constant 0 : index
    %get3A_11 = arith.constant 0 : index
    %get3A_12 = vector.load %arg2[%get3A_9, %get3A_10, %get3A_11] : memref<2x1000x16xf32, #tpu.memory_space<vmem>>, vector<1x1000x16xf32>
    %get3A_13 = vector.shape_cast %get3A_12 : vector<1x1000x16xf32> to vector<1000x16xf32>
    %get3A_14 = arith.constant 1 : index
    %get3A_15 = arith.constant 0 : index
    %get3A_16 = arith.constant 0 : index
    %get3A_17 = vector.load %arg2[%get3A_14, %get3A_15, %get3A_16] : memref<2x1000x16xf32, #tpu.memory_space<vmem>>, vector<1x1000x16xf32>
    %get3A_18 = vector.shape_cast %get3A_17 : vector<1x1000x16xf32> to vector<1000x16xf32>
    %add3A_19 = arith.addf %get3A_13, %get3A_18 : vector<1000x16xf32>
    %iota3A = tpu.iota {dimensions = array<i32: 0>} : vector<16x128xi32>
    %iota3A_20 = tpu.iota {dimensions = array<i32: 1>} : vector<16x128xi32>
    %jit3A = arith.constant 16 : i32
    %div3A = vector.broadcast %jit3A : i32 to vector<16x128xi32>
    %div3A_21 = arith.divsi %iota3A_20, %div3A : vector<16x128xi32>
    %sign3A = arith.constant 0 : i32
    %sign3A_22 = vector.broadcast %sign3A : i32 to vector<16x128xi32>
    %sign3A_23 = arith.cmpi sgt, %iota3A_20, %sign3A_22 : vector<16x128xi32>
    %sign3A_24 = arith.extui %sign3A_23 : vector<16x128xi1> to vector<16x128xi32>
    %sign3A_25 = arith.constant 0 : i32
    %sign3A_26 = vector.broadcast %sign3A_25 : i32 to vector<16x128xi32>
    %sign3A_27 = arith.cmpi slt, %iota3A_20, %sign3A_26 : vector<16x128xi32>
    %sign3A_28 = arith.extui %sign3A_27 : vector<16x128xi1> to vector<16x128xi32>
    %sign3A_29 = arith.subi %sign3A_24, %sign3A_28 : vector<16x128xi32>
    %sign3A_30 = arith.constant 0 : i32
    %sign3A_31 = arith.cmpi sgt, %jit3A, %sign3A_30 : i32
    %sign3A_32 = arith.extui %sign3A_31 : i1 to i32
    %sign3A_33 = arith.constant 0 : i32
    %sign3A_34 = arith.cmpi slt, %jit3A, %sign3A_33 : i32
    %sign3A_35 = arith.extui %sign3A_34 : i1 to i32
    %sign3A_36 = arith.subi %sign3A_32, %sign3A_35 : i32
    %ne3A = vector.broadcast %sign3A_36 : i32 to vector<16x128xi32>
    %ne3A_37 = arith.cmpi ne, %sign3A_29, %ne3A : vector<16x128xi32>
    %rem3A = vector.broadcast %jit3A : i32 to vector<16x128xi32>
    %rem3A_38 = arith.remsi %iota3A_20, %rem3A : vector<16x128xi32>
    %ne3A_39 = arith.constant 0 : i32
    %ne3A_40 = vector.broadcast %ne3A_39 : i32 to vector<16x128xi32>
    %ne3A_41 = arith.cmpi ne, %rem3A_38, %ne3A_40 : vector<16x128xi32>
    %and3A = arith.andi %ne3A_37, %ne3A_41 : vector<16x128xi1>
    %sub3A = arith.constant 1 : i32
    %sub3A_42 = vector.broadcast %sub3A : i32 to vector<16x128xi32>
    %sub3A_43 = arith.subi %div3A_21, %sub3A_42 : vector<16x128xi32>
    %select_n3A = arith.select %and3A, %sub3A_43, %div3A_21 : vector<16x128xi1>, vector<16x128xi32>
    %eq3A = arith.cmpi eq, %iota3A, %select_n3A : vector<16x128xi32>
    %jit3A_44 = arith.constant 1.000000e+00 : f32
    %jit3A_45 = arith.constant 0.000000e+00 : f32
    %broadcast_in_dim3A = vector.broadcast %jit3A_44 : f32 to vector<16x128xf32>
    %broadcast_in_dim3A_46 = vector.broadcast %jit3A_45 : f32 to vector<16x128xf32>
    %select_n3A_47 = arith.select %eq3A, %broadcast_in_dim3A, %broadcast_in_dim3A_46 : vector<16x128xi1>, vector<16x128xf32>
    %dot_general3A = arith.constant dense<0.000000e+00> : vector<1000x128xf32>
    %dot_general3A_48 = tpu.matmul %add3A_19, %select_n3A_47, %dot_general3A {dimension_numbers = #tpu.dot_dimension_numbers<[1], [0], [0], [1], [0, 0, 1, 1], [], []>, transpose_lhs_hint = false} : vector<1000x16xf32>, vector<16x128xf32>, vector<1000x128xf32> -> vector<1000x128xf32>
    %add3A_49 = arith.constant 1.000000e-16 : f32
    %add3A_50 = vector.broadcast %add3A_49 : f32 to vector<1000x128xf32>
    %add3A_51 = arith.addf %dot_general3A_48, %add3A_50 : vector<1000x128xf32>
    %div3A_52 = arith.divf %add3A, %add3A_51 : vector<1000x128xf32>
    %get3A_53 = arith.constant 0 : index
    %get3A_54 = arith.constant 0 : index
    %get3A_55 = vector.load %arg3[%get3A_53, %get3A_54] : memref<1000x128xf32, #tpu.memory_space<vmem>>, vector<1000x128xf32>
    %add3A_56 = arith.addf %div3A_52, %get3A_55 : vector<1000x128xf32>
    %get3A_57 = arith.constant 0 : index
    %get3A_58 = arith.constant 0 : index
    %get3A_59 = vector.load %arg5[%get3A_57, %get3A_58] : memref<1x1xf32, #tpu.memory_space<vmem>>, vector<1x1xf32>
    %get3A_60 = vector.extract %get3A_59[0, 0] : f32 from vector<1x1xf32>
    %ge3A = arith.constant 0.000000e+00 : f32
    %ge3A_61 = vector.broadcast %ge3A : f32 to vector<1000x128xf32>
    %ge3A_62 = arith.cmpf oge, %add3A_56, %ge3A_61 : vector<1000x128xf32>
    %mul3A = vector.broadcast %get3A_60 : f32 to vector<1000x128xf32>
    %mul3A_63 = arith.mulf %mul3A, %add3A_56 : vector<1000x128xf32>
    %select_n3A_64 = arith.select %ge3A_62, %add3A_56, %mul3A_63 : vector<1000x128xi1>, vector<1000x128xf32>
    %swap3A = arith.constant 0 : index
    %swap3A_65 = arith.constant 0 : index
    %swap3A_66 = vector.load %arg6[%swap3A, %swap3A_65] : memref<1000x128xf32, #tpu.memory_space<vmem>>, vector<1000x128xf32>
    tpu.vector_store %arg6[%swap3A, %swap3A_65], %select_n3A_64 {strides = array<i32>} : memref<1000x128xf32, #tpu.memory_space<vmem>>, vector<1000x128xf32>,
    return
  }
  func.func @transform_0(%arg0: i32) -> (i32, i32, i32) {
    %c0_i32 = arith.constant 0 : i32
    %c0_i32_0 = arith.constant 0 : i32
    %c0_i32_1 = arith.constant 0 : i32
    return %c0_i32, %arg0, %c0_i32_0 : i32, i32, i32
  }
  func.func @transform_1(%arg0: i32) -> (i32, i32, i32) {
    %c0_i32 = arith.constant 0 : i32
    %c0_i32_0 = arith.constant 0 : i32
    %c0_i32_1 = arith.constant 0 : i32
    return %c0_i32, %arg0, %c0_i32_0 : i32, i32, i32
  }
  func.func @transform_2(%arg0: i32) -> (i32, i32) {
    %c0_i32 = arith.constant 0 : i32
    %c0_i32_0 = arith.constant 0 : i32
    return %arg0, %c0_i32 : i32, i32
  }
  func.func @transform_3(%arg0: i32) -> (i32, i32) {
    %c0_i32 = arith.constant 0 : i32
    %c0_i32_0 = arith.constant 0 : i32
    return %arg0, %c0_i32 : i32, i32
  }
  func.func @transform_4(%arg0: i32) -> (i32, i32) {
    %c0_i32 = arith.constant 0 : i32
    %c0_i32_0 = arith.constant 0 : i32
    %c0_i32_1 = arith.constant 0 : i32
    return %c0_i32, %c0_i32_0 : i32, i32
  }
  func.func @transform_5(%arg0: i32) -> (i32, i32) {
    %c0_i32 = arith.constant 0 : i32
    %c0_i32_0 = arith.constant 0 : i32
    return %arg0, %c0_i32 : i32, i32
  }
}

module attributes {stable_mosaic.version = 14 : i64} {
  func.func @_qkvs_body(%arg0: i32, %arg1: memref<1000x128xf32, #tpu.memory_space<vmem>>, %arg2: memref<128x128xf32, #tpu.memory_space<vmem>>, %arg3: memref<128x128xf32, #tpu.memory_space<vmem>>, %arg4: memref<128x128xf32, #tpu.memory_space<vmem>>, %arg5: memref<128x128xf32, #tpu.memory_space<vmem>>, %arg6: memref<1x128xf32, #tpu.memory_space<vmem>>, %arg7: memref<1x128xf32, #tpu.memory_space<vmem>>, %arg8: memref<1x128xf32, #tpu.memory_space<vmem>>, %arg9: memref<1x128xf32, #tpu.memory_space<vmem>>, %arg10: memref<1000x128xf32, #tpu.memory_space<vmem>>, %arg11: memref<1000x256xf32, #tpu.memory_space<vmem>>, %arg12: memref<1000x128xf32, #tpu.memory_space<vmem>>) attributes {dimension_semantics = [#tpu.dimension_semantics<arbitrary>], iteration_bounds = array<i64: 10>, scalar_prefetch = 0 : i64, scratch_operands = 0 : i64, tpu.core_type = #tpu.core_type<tc>, window_params = [{transform_indices = @transform_0, window_bounds = array<i64: 1000, 128>}, {pipeline_mode = #tpu.pipeline_mode<synchronous>, transform_indices = @transform_1, window_bounds = array<i64: 128, 128>}, {pipeline_mode = #tpu.pipeline_mode<synchronous>, transform_indices = @transform_2, window_bounds = array<i64: 128, 128>}, {pipeline_mode = #tpu.pipeline_mode<synchronous>, transform_indices = @transform_3, window_bounds = array<i64: 128, 128>}, {pipeline_mode = #tpu.pipeline_mode<synchronous>, transform_indices = @transform_4, window_bounds = array<i64: 128, 128>}, {pipeline_mode = #tpu.pipeline_mode<synchronous>, transform_indices = @transform_5, window_bounds = array<i64: 1, 128>}, {pipeline_mode = #tpu.pipeline_mode<synchronous>, transform_indices = @transform_6, window_bounds = array<i64: 1, 128>}, {pipeline_mode = #tpu.pipeline_mode<synchronous>, transform_indices = @transform_7, window_bounds = array<i64: 1, 128>}, {pipeline_mode = #tpu.pipeline_mode<synchronous>, transform_indices = @transform_8, window_bounds = array<i64: 1, 128>}, {transform_indices = @transform_9, window_bounds = array<i64: 1000, 128>}, {transform_indices = @transform_10, window_bounds = array<i64: 1000, 256>}, {transform_indices = @transform_11, window_bounds = array<i64: 1000, 128>}]} {
    %get3A = arith.constant 0 : index
    %get3A_0 = arith.constant 0 : index
    %get3A_1 = vector.load %arg1[%get3A, %get3A_0] : memref<1000x128xf32, #tpu.memory_space<vmem>>, vector<1000x128xf32>
    %get3A_2 = arith.constant 0 : index
    %get3A_3 = arith.constant 0 : index
    %get3A_4 = vector.load %arg2[%get3A_2, %get3A_3] : memref<128x128xf32, #tpu.memory_space<vmem>>, vector<128x128xf32>
    %dot_general3A = arith.constant dense<0.000000e+00> : vector<1000x128xf32>
    %dot_general3A_5 = tpu.matmul %get3A_1, %get3A_4, %dot_general3A {dimension_numbers = #tpu.dot_dimension_numbers<[1], [0], [0], [1], [0, 0, 1, 1], [], []>, transpose_lhs_hint = false} : vector<1000x128xf32>, vector<128x128xf32>, vector<1000x128xf32> -> vector<1000x128xf32>
    %get3A_6 = arith.constant 0 : index
    %get3A_7 = arith.constant 0 : index
    %get3A_8 = vector.load %arg6[%get3A_6, %get3A_7] : memref<1x128xf32, #tpu.memory_space<vmem>>, vector<1x128xf32>
    %add3A = vector.broadcast %get3A_8 : vector<1x128xf32> to vector<1000x128xf32>
    %add3A_9 = arith.addf %dot_general3A_5, %add3A : vector<1000x128xf32>
    %swap3A = arith.constant 0 : index
    %swap3A_10 = arith.constant 0 : index
    %swap3A_11 = vector.load %arg10[%swap3A, %swap3A_10] : memref<1000x128xf32, #tpu.memory_space<vmem>>, vector<1000x128xf32>
    tpu.vector_store %arg10[%swap3A, %swap3A_10], %add3A_9 {strides = array<i32>} : memref<1000x128xf32, #tpu.memory_space<vmem>>, vector<1000x128xf32>,
    %get3A_12 = arith.constant 0 : index
    %get3A_13 = arith.constant 0 : index
    %get3A_14 = vector.load %arg3[%get3A_12, %get3A_13] : memref<128x128xf32, #tpu.memory_space<vmem>>, vector<128x128xf32>
    %dot_general3A_15 = arith.constant dense<0.000000e+00> : vector<1000x128xf32>
    %dot_general3A_16 = tpu.matmul %get3A_1, %get3A_14, %dot_general3A_15 {dimension_numbers = #tpu.dot_dimension_numbers<[1], [0], [0], [1], [0, 0, 1, 1], [], []>, transpose_lhs_hint = false} : vector<1000x128xf32>, vector<128x128xf32>, vector<1000x128xf32> -> vector<1000x128xf32>
    %get3A_17 = arith.constant 0 : index
    %get3A_18 = arith.constant 0 : index
    %get3A_19 = vector.load %arg7[%get3A_17, %get3A_18] : memref<1x128xf32, #tpu.memory_space<vmem>>, vector<1x128xf32>
    %add3A_20 = vector.broadcast %get3A_19 : vector<1x128xf32> to vector<1000x128xf32>
    %add3A_21 = arith.addf %dot_general3A_16, %add3A_20 : vector<1000x128xf32>
    %get3A_22 = arith.constant 0 : index
    %get3A_23 = arith.constant 0 : index
    %get3A_24 = vector.load %arg4[%get3A_22, %get3A_23] : memref<128x128xf32, #tpu.memory_space<vmem>>, vector<128x128xf32>
    %dot_general3A_25 = arith.constant dense<0.000000e+00> : vector<1000x128xf32>
    %dot_general3A_26 = tpu.matmul %get3A_1, %get3A_24, %dot_general3A_25 {dimension_numbers = #tpu.dot_dimension_numbers<[1], [0], [0], [1], [0, 0, 1, 1], [], []>, transpose_lhs_hint = false} : vector<1000x128xf32>, vector<128x128xf32>, vector<1000x128xf32> -> vector<1000x128xf32>
    %get3A_27 = arith.constant 0 : index
    %get3A_28 = arith.constant 0 : index
    %get3A_29 = vector.load %arg8[%get3A_27, %get3A_28] : memref<1x128xf32, #tpu.memory_space<vmem>>, vector<1x128xf32>
    %add3A_30 = vector.broadcast %get3A_29 : vector<1x128xf32> to vector<1000x128xf32>
    %add3A_31 = arith.addf %dot_general3A_26, %add3A_30 : vector<1000x128xf32>
    %concatenate3A = tpu.concatenate %add3A_21, %add3A_31 in 1 : vector<1000x128xf32>, vector<1000x128xf32> -> vector<1000x256xf32>
    %swap3A_32 = arith.constant 0 : index
    %swap3A_33 = arith.constant 0 : index
    %swap3A_34 = vector.load %arg11[%swap3A_32, %swap3A_33] : memref<1000x256xf32, #tpu.memory_space<vmem>>, vector<1000x256xf32>
    tpu.vector_store %arg11[%swap3A_32, %swap3A_33], %concatenate3A {strides = array<i32>} : memref<1000x256xf32, #tpu.memory_space<vmem>>, vector<1000x256xf32>,
    %get3A_35 = arith.constant 0 : index
    %get3A_36 = arith.constant 0 : index
    %get3A_37 = vector.load %arg5[%get3A_35, %get3A_36] : memref<128x128xf32, #tpu.memory_space<vmem>>, vector<128x128xf32>
    %dot_general3A_38 = arith.constant dense<0.000000e+00> : vector<1000x128xf32>
    %dot_general3A_39 = tpu.matmul %get3A_1, %get3A_37, %dot_general3A_38 {dimension_numbers = #tpu.dot_dimension_numbers<[1], [0], [0], [1], [0, 0, 1, 1], [], []>, transpose_lhs_hint = false} : vector<1000x128xf32>, vector<128x128xf32>, vector<1000x128xf32> -> vector<1000x128xf32>
    %get3A_40 = arith.constant 0 : index
    %get3A_41 = arith.constant 0 : index
    %get3A_42 = vector.load %arg9[%get3A_40, %get3A_41] : memref<1x128xf32, #tpu.memory_space<vmem>>, vector<1x128xf32>
    %add3A_43 = vector.broadcast %get3A_42 : vector<1x128xf32> to vector<1000x128xf32>
    %add3A_44 = arith.addf %dot_general3A_39, %add3A_43 : vector<1000x128xf32>
    %swap3A_45 = arith.constant 0 : index
    %swap3A_46 = arith.constant 0 : index
    %swap3A_47 = vector.load %arg12[%swap3A_45, %swap3A_46] : memref<1000x128xf32, #tpu.memory_space<vmem>>, vector<1000x128xf32>
    tpu.vector_store %arg12[%swap3A_45, %swap3A_46], %add3A_44 {strides = array<i32>} : memref<1000x128xf32, #tpu.memory_space<vmem>>, vector<1000x128xf32>,
    return
  }
  func.func @transform_0(%arg0: i32) -> (i32, i32) {
    %c0_i32 = arith.constant 0 : i32
    %c0_i32_0 = arith.constant 0 : i32
    return %arg0, %c0_i32 : i32, i32
  }
  func.func @transform_1(%arg0: i32) -> (i32, i32) {
    %c0_i32 = arith.constant 0 : i32
    %c0_i32_0 = arith.constant 0 : i32
    %c0_i32_1 = arith.constant 0 : i32
    return %c0_i32, %c0_i32_0 : i32, i32
  }
  func.func @transform_2(%arg0: i32) -> (i32, i32) {
    %c0_i32 = arith.constant 0 : i32
    %c0_i32_0 = arith.constant 0 : i32
    %c0_i32_1 = arith.constant 0 : i32
    return %c0_i32, %c0_i32_0 : i32, i32
  }
  func.func @transform_3(%arg0: i32) -> (i32, i32) {
    %c0_i32 = arith.constant 0 : i32
    %c0_i32_0 = arith.constant 0 : i32
    %c0_i32_1 = arith.constant 0 : i32
    return %c0_i32, %c0_i32_0 : i32, i32
  }
  func.func @transform_4(%arg0: i32) -> (i32, i32) {
    %c0_i32 = arith.constant 0 : i32
    %c0_i32_0 = arith.constant 0 : i32
    %c0_i32_1 = arith.constant 0 : i32
    return %c0_i32, %c0_i32_0 : i32, i32
  }
  func.func @transform_5(%arg0: i32) -> (i32, i32) {
    %c0_i32 = arith.constant 0 : i32
    %c0_i32_0 = arith.constant 0 : i32
    %c0_i32_1 = arith.constant 0 : i32
    return %c0_i32, %c0_i32_0 : i32, i32
  }
  func.func @transform_6(%arg0: i32) -> (i32, i32) {
    %c0_i32 = arith.constant 0 : i32
    %c0_i32_0 = arith.constant 0 : i32
    %c0_i32_1 = arith.constant 0 : i32
    return %c0_i32, %c0_i32_0 : i32, i32
  }
  func.func @transform_7(%arg0: i32) -> (i32, i32) {
    %c0_i32 = arith.constant 0 : i32
    %c0_i32_0 = arith.constant 0 : i32
    %c0_i32_1 = arith.constant 0 : i32
    return %c0_i32, %c0_i32_0 : i32, i32
  }
  func.func @transform_8(%arg0: i32) -> (i32, i32) {
    %c0_i32 = arith.constant 0 : i32
    %c0_i32_0 = arith.constant 0 : i32
    %c0_i32_1 = arith.constant 0 : i32
    return %c0_i32, %c0_i32_0 : i32, i32
  }
  func.func @transform_9(%arg0: i32) -> (i32, i32) {
    %c0_i32 = arith.constant 0 : i32
    %c0_i32_0 = arith.constant 0 : i32
    return %arg0, %c0_i32 : i32, i32
  }
  func.func @transform_10(%arg0: i32) -> (i32, i32) {
    %c0_i32 = arith.constant 0 : i32
    %c0_i32_0 = arith.constant 0 : i32
    return %arg0, %c0_i32 : i32, i32
  }
  func.func @transform_11(%arg0: i32) -> (i32, i32) {
    %c0_i32 = arith.constant 0 : i32
    %c0_i32_0 = arith.constant 0 : i32
    return %arg0, %c0_i32 : i32, i32
  }
}

module attributes {stable_mosaic.version = 14 : i64} {
  func.func @_final_body(%arg0: i32, %arg1: memref<2x1000x128xf32, #tpu.memory_space<vmem>>, %arg2: memref<2x1000x16xf32, #tpu.memory_space<vmem>>, %arg3: memref<1000x128xf32, #tpu.memory_space<vmem>>, %arg4: memref<1000x128xf32, #tpu.memory_space<vmem>>, %arg5: memref<1x1xf32, #tpu.memory_space<vmem>>, %arg6: memref<1000x128xf32, #tpu.memory_space<vmem>>) attributes {dimension_semantics = [#tpu.dimension_semantics<arbitrary>], iteration_bounds = array<i64: 10>, scalar_prefetch = 0 : i64, scratch_operands = 0 : i64, tpu.core_type = #tpu.core_type<tc>, window_params = [{transform_indices = @transform_0, window_bounds = array<i64: 2, 1000, 128>}, {transform_indices = @transform_1, window_bounds = array<i64: 2, 1000, 16>}, {transform_indices = @transform_2, window_bounds = array<i64: 1000, 128>}, {transform_indices = @transform_3, window_bounds = array<i64: 1000, 128>}, {pipeline_mode = #tpu.pipeline_mode<synchronous>, transform_indices = @transform_4, window_bounds = array<i64: 1, 1>}, {transform_indices = @transform_5, window_bounds = array<i64: 1000, 128>}]} {
    %get3A = arith.constant 0 : index
    %get3A_0 = arith.constant 0 : index
    %get3A_1 = arith.constant 0 : index
    %get3A_2 = vector.load %arg1[%get3A, %get3A_0, %get3A_1] : memref<2x1000x128xf32, #tpu.memory_space<vmem>>, vector<1x1000x128xf32>
    %get3A_3 = vector.shape_cast %get3A_2 : vector<1x1000x128xf32> to vector<1000x128xf32>
    %get3A_4 = arith.constant 1 : index
    %get3A_5 = arith.constant 0 : index
    %get3A_6 = arith.constant 0 : index
    %get3A_7 = vector.load %arg1[%get3A_4, %get3A_5, %get3A_6] : memref<2x1000x128xf32, #tpu.memory_space<vmem>>, vector<1x1000x128xf32>
    %get3A_8 = vector.shape_cast %get3A_7 : vector<1x1000x128xf32> to vector<1000x128xf32>
    %add3A = arith.addf %get3A_3, %get3A_8 : vector<1000x128xf32>
    %get3A_9 = arith.constant 0 : index
    %get3A_10 = arith.constant 0 : index
    %get3A_11 = arith.constant 0 : index
    %get3A_12 = vector.load %arg2[%get3A_9, %get3A_10, %get3A_11] : memref<2x1000x16xf32, #tpu.memory_space<vmem>>, vector<1x1000x16xf32>
    %get3A_13 = vector.shape_cast %get3A_12 : vector<1x1000x16xf32> to vector<1000x16xf32>
    %get3A_14 = arith.constant 1 : index
    %get3A_15 = arith.constant 0 : index
    %get3A_16 = arith.constant 0 : index
    %get3A_17 = vector.load %arg2[%get3A_14, %get3A_15, %get3A_16] : memref<2x1000x16xf32, #tpu.memory_space<vmem>>, vector<1x1000x16xf32>
    %get3A_18 = vector.shape_cast %get3A_17 : vector<1x1000x16xf32> to vector<1000x16xf32>
    %add3A_19 = arith.addf %get3A_13, %get3A_18 : vector<1000x16xf32>
    %iota3A = tpu.iota {dimensions = array<i32: 0>} : vector<16x128xi32>
    %iota3A_20 = tpu.iota {dimensions = array<i32: 1>} : vector<16x128xi32>
    %jit3A = arith.constant 16 : i32
    %div3A = vector.broadcast %jit3A : i32 to vector<16x128xi32>
    %div3A_21 = arith.divsi %iota3A_20, %div3A : vector<16x128xi32>
    %sign3A = arith.constant 0 : i32
    %sign3A_22 = vector.broadcast %sign3A : i32 to vector<16x128xi32>
    %sign3A_23 = arith.cmpi sgt, %iota3A_20, %sign3A_22 : vector<16x128xi32>
    %sign3A_24 = arith.extui %sign3A_23 : vector<16x128xi1> to vector<16x128xi32>
    %sign3A_25 = arith.constant 0 : i32
    %sign3A_26 = vector.broadcast %sign3A_25 : i32 to vector<16x128xi32>
    %sign3A_27 = arith.cmpi slt, %iota3A_20, %sign3A_26 : vector<16x128xi32>
    %sign3A_28 = arith.extui %sign3A_27 : vector<16x128xi1> to vector<16x128xi32>
    %sign3A_29 = arith.subi %sign3A_24, %sign3A_28 : vector<16x128xi32>
    %sign3A_30 = arith.constant 0 : i32
    %sign3A_31 = arith.cmpi sgt, %jit3A, %sign3A_30 : i32
    %sign3A_32 = arith.extui %sign3A_31 : i1 to i32
    %sign3A_33 = arith.constant 0 : i32
    %sign3A_34 = arith.cmpi slt, %jit3A, %sign3A_33 : i32
    %sign3A_35 = arith.extui %sign3A_34 : i1 to i32
    %sign3A_36 = arith.subi %sign3A_32, %sign3A_35 : i32
    %ne3A = vector.broadcast %sign3A_36 : i32 to vector<16x128xi32>
    %ne3A_37 = arith.cmpi ne, %sign3A_29, %ne3A : vector<16x128xi32>
    %rem3A = vector.broadcast %jit3A : i32 to vector<16x128xi32>
    %rem3A_38 = arith.remsi %iota3A_20, %rem3A : vector<16x128xi32>
    %ne3A_39 = arith.constant 0 : i32
    %ne3A_40 = vector.broadcast %ne3A_39 : i32 to vector<16x128xi32>
    %ne3A_41 = arith.cmpi ne, %rem3A_38, %ne3A_40 : vector<16x128xi32>
    %and3A = arith.andi %ne3A_37, %ne3A_41 : vector<16x128xi1>
    %sub3A = arith.constant 1 : i32
    %sub3A_42 = vector.broadcast %sub3A : i32 to vector<16x128xi32>
    %sub3A_43 = arith.subi %div3A_21, %sub3A_42 : vector<16x128xi32>
    %select_n3A = arith.select %and3A, %sub3A_43, %div3A_21 : vector<16x128xi1>, vector<16x128xi32>
    %eq3A = arith.cmpi eq, %iota3A, %select_n3A : vector<16x128xi32>
    %jit3A_44 = arith.constant 1.000000e+00 : f32
    %jit3A_45 = arith.constant 0.000000e+00 : f32
    %broadcast_in_dim3A = vector.broadcast %jit3A_44 : f32 to vector<16x128xf32>
    %broadcast_in_dim3A_46 = vector.broadcast %jit3A_45 : f32 to vector<16x128xf32>
    %select_n3A_47 = arith.select %eq3A, %broadcast_in_dim3A, %broadcast_in_dim3A_46 : vector<16x128xi1>, vector<16x128xf32>
    %dot_general3A = arith.constant dense<0.000000e+00> : vector<1000x128xf32>
    %dot_general3A_48 = tpu.matmul %add3A_19, %select_n3A_47, %dot_general3A {dimension_numbers = #tpu.dot_dimension_numbers<[1], [0], [0], [1], [0, 0, 1, 1], [], []>, transpose_lhs_hint = false} : vector<1000x16xf32>, vector<16x128xf32>, vector<1000x128xf32> -> vector<1000x128xf32>
    %add3A_49 = arith.constant 1.000000e-16 : f32
    %add3A_50 = vector.broadcast %add3A_49 : f32 to vector<1000x128xf32>
    %add3A_51 = arith.addf %dot_general3A_48, %add3A_50 : vector<1000x128xf32>
    %div3A_52 = arith.divf %add3A, %add3A_51 : vector<1000x128xf32>
    %get3A_53 = arith.constant 0 : index
    %get3A_54 = arith.constant 0 : index
    %get3A_55 = vector.load %arg3[%get3A_53, %get3A_54] : memref<1000x128xf32, #tpu.memory_space<vmem>>, vector<1000x128xf32>
    %add3A_56 = arith.addf %div3A_52, %get3A_55 : vector<1000x128xf32>
    %get3A_57 = arith.constant 0 : index
    %get3A_58 = arith.constant 0 : index
    %get3A_59 = vector.load %arg4[%get3A_57, %get3A_58] : memref<1000x128xf32, #tpu.memory_space<vmem>>, vector<1000x128xf32>
    %add3A_60 = arith.addf %add3A_56, %get3A_59 : vector<1000x128xf32>
    %get3A_61 = arith.constant 0 : index
    %get3A_62 = arith.constant 0 : index
    %get3A_63 = vector.load %arg5[%get3A_61, %get3A_62] : memref<1x1xf32, #tpu.memory_space<vmem>>, vector<1x1xf32>
    %get3A_64 = vector.extract %get3A_63[0, 0] : f32 from vector<1x1xf32>
    %ge3A = arith.constant 0.000000e+00 : f32
    %ge3A_65 = vector.broadcast %ge3A : f32 to vector<1000x128xf32>
    %ge3A_66 = arith.cmpf oge, %add3A_60, %ge3A_65 : vector<1000x128xf32>
    %mul3A = vector.broadcast %get3A_64 : f32 to vector<1000x128xf32>
    %mul3A_67 = arith.mulf %mul3A, %add3A_60 : vector<1000x128xf32>
    %select_n3A_68 = arith.select %ge3A_66, %add3A_60, %mul3A_67 : vector<1000x128xi1>, vector<1000x128xf32>
    %swap3A = arith.constant 0 : index
    %swap3A_69 = arith.constant 0 : index
    %swap3A_70 = vector.load %arg6[%swap3A, %swap3A_69] : memref<1000x128xf32, #tpu.memory_space<vmem>>, vector<1000x128xf32>
    tpu.vector_store %arg6[%swap3A, %swap3A_69], %select_n3A_68 {strides = array<i32>} : memref<1000x128xf32, #tpu.memory_space<vmem>>, vector<1000x128xf32>,
    return
  }
  func.func @transform_0(%arg0: i32) -> (i32, i32, i32) {
    %c0_i32 = arith.constant 0 : i32
    %c0_i32_0 = arith.constant 0 : i32
    %c0_i32_1 = arith.constant 0 : i32
    return %c0_i32, %arg0, %c0_i32_0 : i32, i32, i32
  }
  func.func @transform_1(%arg0: i32) -> (i32, i32, i32) {
    %c0_i32 = arith.constant 0 : i32
    %c0_i32_0 = arith.constant 0 : i32
    %c0_i32_1 = arith.constant 0 : i32
    return %c0_i32, %arg0, %c0_i32_0 : i32, i32, i32
  }
  func.func @transform_2(%arg0: i32) -> (i32, i32) {
    %c0_i32 = arith.constant 0 : i32
    %c0_i32_0 = arith.constant 0 : i32
    return %arg0, %c0_i32 : i32, i32
  }
  func.func @transform_3(%arg0: i32) -> (i32, i32) {
    %c0_i32 = arith.constant 0 : i32
    %c0_i32_0 = arith.constant 0 : i32
    return %arg0, %c0_i32 : i32, i32
  }
  func.func @transform_4(%arg0: i32) -> (i32, i32) {
    %c0_i32 = arith.constant 0 : i32
    %c0_i32_0 = arith.constant 0 : i32
    %c0_i32_1 = arith.constant 0 : i32
    return %c0_i32, %c0_i32_0 : i32, i32
  }
  func.func @transform_5(%arg0: i32) -> (i32, i32) {
    %c0_i32 = arith.constant 0 : i32
    %c0_i32_0 = arith.constant 0 : i32
    return %arg0, %c0_i32 : i32, i32
  }
}

</mosaic_0001>

<sc_bundles>
// kernel: kernel.14.cloned.1.call-start
scs
__scs_entry_jumppad:
0x0: {  	(pc) =	sbr.rel $0x88, $3  }
0x1: {  	(tag) =	ssettag $0x0;
	lr =	simm.s32 $0x1  }
0x2: {  	[smem:$0x3F8E] =	sst lr;
	_ =	strace $0xD0000000  }
0x3: {  	_ = 	snop  }
0x4: {  	_ = 	snop  }
0x5: {  	_ = 	snop  }
0x6: {  	_ = 	snop  }
0x7: {  	_ = 	snop  }
__scs_overlays_trampoline_lowered:
0x8: {  	[smem:$0x3F9D] =	sst s0  }
0x9: {  	[smem:$0x3F9E] =	sst s1  }
0xa: {  	[smem:$0x3F9F] =	sst s2  }
0xb: {  	[smem:$0x3FA0] =	sst s3  }
0xc: {  	[smem:$0x3FA1] =	sst s4  }
0xd: {  	[smem:$0x3FA2] =	sst s5  }
0xe: {  	[smem:$0x3FA3] =	sst s6  }
0xf: {  	[smem:$0x3FA4] =	sst s7  }
0x10: {  	[smem:$0x3FA5] =	sst s8  }
0x11: {  	[smem:$0x3FA6] =	sst s9;
	s0 =	simm.s32 @!p0 $0x0  }
0x12: {  	s1 =	sld [smem:$0x3F8C];
	s0 =	simm.s32 @p0 $0x1  }
0x13: {  	[smem:$0x3FA7] =	sst s0;
	s0 =	simm.s32 @!p1 $0x0  }
0x14: {  	s2 =	sld [smem:$0x3F8B];
	s0 =	simm.s32 @p1 $0x1  }
0x15: {  	[smem:$0x3FA8] =	sst s0;
	s0 =	simm.s32 @!p2 $0x0  }
0x16: {  	s3 =	sld [smem:$0x3FDB];
	s0 =	simm.s32 @p2 $0x1  }
0x17: {  	s4 =	simm.s32 $0x1BF5;
	[smem:$0x3FAA] =	sst s0  }
0x18: {  	s0 =	sld [smem:$0x3F8D];
	_ =	swait.ge [sflag:s4], $0x0  }
0x19: {  	s7 =	sld [smem:$0x3F8E]  }
0x1a: {  	s8 =	sadd.s32 $0xFFFFE003, lr  }
0x1b: {  	s9 =	sadd.s32 $0xFFFFFEF7, lr;
	s5 =	simm.s32 $0xFFFFFFFF;
	p2 =	slt.u32 s8, $0xFFFFF086  }
0x1c: {  	p1 =	slt.u32 s9, $0xF7A;
	s5 =	simm.s32 @!p2 $0x0  }
0x1d: {  	s5 =	simm.s32 @p1 $0x1;
	p0 =	seq.s32 s7, s2  }
0x1e: {  	s7 =	smul.u32 @!p0 $0xF7A, s2;
	p2 =	seq.s32 @!p0 s5, $0x0  }
0x1f: {  	s9 =	smul.u32 $0xF7A, s1;
	s8 =	simm.s32 @!p0 $0x1BF5;
	p2 =	por !p2, p0  }
0x20: {  	[sflag:s8] =	ssyncset.s32 @!p0 $0xFFFFF086;
	s6 =	sadd.s32 @!p0 s3, s7;
	s7 =	simm.s32 @!p0 $0x108  }
0x21: {  	s3 =	sadd.s32 s3, s9;
	s6 =	sadd.s32 @!p0 $0x88, s6;
	s7 =	simm.s32 @p2 $0x1082  }
0x22: {  	[simem:s7], [sflag:s8] =	dma.local @!p0 [hbm:s6], $0xF7A  }
0x23: {  	s9 =	sor.u32 $0xD0000000, s2;
	s6 =	simm.s32 $0x108;
	_ =	swait.ge @!p0 [sflag:s8], $0x0  }
0x24: {  	s3 =	sadd.s32 $0x88, s3;
	s6 =	simm.s32 @!p1 $0x1082;
	[sflag:s4] =	ssyncset.s32 $0xFFFFF086  }
0x25: {  	[simem:s6], [sflag:s4] =	dma.local [hbm:s3], $0xF7A  }
0x26: {  	[smem:$0x3F8E] =	sst s1;
	(tag) =	ssettag s2;
	_ =	strace s9  }
0x27: {  	s1 =	sld [smem:$0x3F9E]  }
0x28: {  	s2 =	sld [smem:$0x3F9F]  }
0x29: {  	s4 =	sld [smem:$0x3FA1]  }
0x2a: {  	p0 =	seq.s32 s5, $0x0;
	s5 =	sld [smem:$0x3FA2]  }
0x2b: {  	s6 =	sld [smem:$0x3FA3]  }
0x2c: {  	s7 =	sld [smem:$0x3FA4]  }
0x2d: {  	s3 =	simm.s32 $0x108;
	s8 =	sld [smem:$0x3FA5]  }
0x2e: {  	s3 =	simm.s32 @!p0 $0x1082;
	s9 =	sld [smem:$0x3FA6]  }
0x2f: {  	lr =	sadd.s32 s0, s3;
	s0 =	sld [smem:$0x3F9D]  }
0x30: {  	s3 =	sld [smem:$0x3FA0]  }
0x31: {  	[smem:$0x3FA9] =	sst s10  }
0x32: {  	s10 =	sld [smem:$0x3FA7];
	_ =	sdelay $0x3  }
0x33: {  	p0 =	seq.s32 s10, $0x1;
	s10 =	sld [smem:$0x3FA9];
	_ =	sdelay $0x3  }
0x34: {  	[smem:$0x3FA9] =	sst s10  }
0x35: {  	s10 =	sld [smem:$0x3FA8];
	_ =	sdelay $0x3  }
0x36: {  	p1 =	seq.s32 s10, $0x1;
	s10 =	sld [smem:$0x3FA9];
	_ =	sdelay $0x3  }
0x37: {  	[smem:$0x3FA9] =	sst s10  }
0x38: {  	s10 =	sld [smem:$0x3FAA]  }
0x39: {  	_ = 	snop;
	(pc) =	sbr.ind lr, $3  }
0x3a: {  	_ = 	snop  }
0x3b: {  	_ = 	snop  }
0x3c: {  	p2 =	seq.s32 s10, $0x1;
	s10 =	sld [smem:$0x3FA9]  }
0x3d: {  	_ =	shalt  }
0x3e: {  	_ =	shalt  }
0x3f: {  	_ =	shalt  }
0x40: {  	_ =	shalt  }
0x41: {  	_ =	shalt  }
0x42: {  	_ =	shalt  }
0x43: {  	_ =	shalt  }
0x44: {  	_ =	shalt  }
0x45: {  	_ =	shalt  }
0x46: {  	_ =	shalt  }
0x47: {  	_ =	shalt  }
0x48: {  	_ =	shalt  }
0x49: {  	_ =	shalt  }
0x4a: {  	_ =	shalt  }
0x4b: {  	_ =	shalt  }
0x4c: {  	_ =	shalt  }
0x4d: {  	_ =	shalt  }
0x4e: {  	_ =	shalt  }
0x4f: {  	_ =	shalt  }
0x50: {  	_ =	shalt  }
0x51: {  	_ =	shalt  }
0x52: {  	_ =	shalt  }
0x53: {  	_ =	shalt  }
0x54: {  	_ =	shalt  }
0x55: {  	_ =	shalt  }
0x56: {  	_ =	shalt  }
0x57: {  	_ =	shalt  }
0x58: {  	_ =	shalt  }
0x59: {  	_ =	shalt  }
0x5a: {  	_ =	shalt  }
0x5b: {  	_ =	shalt  }
0x5c: {  	_ =	shalt  }
0x5d: {  	_ =	shalt  }
0x5e: {  	_ =	shalt  }
0x5f: {  	_ =	shalt  }
0x60: {  	_ =	shalt  }
0x61: {  	_ =	shalt  }
0x62: {  	_ =	shalt  }
0x63: {  	_ =	shalt  }
0x64: {  	_ =	shalt  }
0x65: {  	_ =	shalt  }
0x66: {  	_ =	shalt  }
0x67: {  	_ =	shalt  }
0x68: {  	_ =	shalt  }
0x69: {  	_ =	shalt  }
0x6a: {  	_ =	shalt  }
0x6b: {  	_ =	shalt  }
0x6c: {  	_ =	shalt  }
0x6d: {  	_ =	shalt  }
0x6e: {  	_ =	shalt  }
0x6f: {  	_ =	shalt  }
0x70: {  	_ =	shalt  }
0x71: {  	_ =	shalt  }
0x72: {  	_ =	shalt  }
0x73: {  	_ =	shalt  }
0x74: {  	_ =	shalt  }
0x75: {  	_ =	shalt  }
0x76: {  	_ =	shalt  }
0x77: {  	_ =	shalt  }
0x78: {  	_ =	shalt  }
0x79: {  	_ =	shalt  }
0x7a: {  	_ =	shalt  }
0x7b: {  	_ =	shalt  }
0x7c: {  	_ =	shalt  }
0x7d: {  	_ =	shalt  }
0x7e: {  	_ =	shalt  }
0x7f: {  	_ =	shalt  }
0x80: {  	_ =	shalt  }
0x81: {  	_ =	shalt  }
0x82: {  	_ =	shalt  }
0x83: {  	_ =	shalt  }
0x84: {  	_ =	shalt  }
0x85: {  	_ =	shalt  }
0x86: {  	_ =	shalt  }
0x87: {  	_ =	shalt  }
.Lfunc_end0:
.L_simem_size_0:
called_computation_lowered:
.L_overlay_start_0:
0x88: {  	s2 =	sld [smem:$0x3FD9]  }
0x89: {  	s3 =	sld [smem:$0x3FFE];
	_ =	sdelay $0x1  }
0x8a: {  	s1 =	srdreg.scid  }
0x8b: {  	s0 =	sand.u32 $0x1, s1  }
0x8c: {  	s17 =	sshll.u32 s0, $0xA;
	s2 =	sadd.s32 s3, s2  }
0x8d: {  	s2 =	sadd.s32 s2, s17  }
0x8e: {  	[smem:$0x3FB5] =	sst s2  }
0x8f: {  	_ = 	snop  }
0x90: {  	s2 =	sld [smem:$0x3FD0];
	(tm) =	ssettm $0x1  }
0x91: {  	s18 =	sld [smem:$0x3FFB];
	_ =	sdelay $0x3  }
0x92: {  	_ =	strace s18  }
0x93: {  	s3 =	sld [smem:$0x3FFC];
	_ =	sdelay $0x3  }
0x94: {  	_ =	strace s3  }
0x95: {  	s3 =	sld [smem:$0x3FFD];
	_ =	sdelay $0x3  }
0x96: {  	_ =	strace s3  }
0x97: {  	_ =	strace $0x8FFFFFFF  }
0x98: {  	s19 =	sld [smem:$0x3FDB];
	_ =	sdelay $0x1  }
0x99: {  	s4 =	simm.s32 $_scs_section_size  }
0x9a: {  	s5 =	simm.s32 $_size__tile_overlayer_lowered;
	s6 =	simm.s32 $_tile_overlayer_lowered  }
0x9b: {  	s22 =	simm.s32 $0x1BFF;
	s21 =	sshll.u32 s6, $0x1;
	s3 =	sadd.s32 s4, s19  }
0x9c: {  	s7 =	simm.s32 $0x0;
	s20 =	sshll.u32 s5, $0x1;
	s5 =	sadd.s32 s21, s3  }
0x9d: {  	[timem:s7], [sflag:s22] =	dma.local [hbm:s5], s20  }
0x9e: {  	_ =	swait.ge [sflag:s22], s20  }
0x9f: {  	s4 =	ssub.s32 $0x0, s20;
	[sflag:s22] =	ssyncset.done $0x0  }
0xa0: {  	[sflag:s22] =	ssyncadd.s32 s4;
	_ =	sdelay $0x1  }
0xa1: {  	s23 =	simm.s32 $0x1B8B  }
0xa2: {  	_ =	swait.ge [sflag:s23], $0x1  }
0xa3: {  	[sflag:s23] =	ssyncset.done $0x0  }
0xa4: {  	s25 =	simm.s32 $0x1B8E;
	s24 =	sld [smem:$0x3FFE];
	[sflag:s23] =	ssyncadd.s32 $0xFFFFFFFF  }
0xa5: {  	s26 =	simm.s32 $execute0_lowered;
	[smem:$0x3FD2] =	sst s25  }
0xa6: {  	s5 =	sshll.u32 s26, $0x1;
	_ =	strace $0x80000046;
	[dreg:$0x1] =	wrdreg $0xFFFFFFFF  }
0xa7: {  	s28 =	simm.s32 $_size_execute0_lowered;
	s3 =	sadd.s32 s3, s5;
	[dreg:$0x0] =	wrdreg $0x0  }
0xa8: {  	s5 =	sshll.u32 s28, $0x1;
	[dreg:$0x2] =	wrdreg s3  }
0xa9: {  	[dreg:$0x3] =	wrdreg s5  }
0xaa: {  	[dreg:$0x4] =	wrdreg $0xC0  }
0xab: {  	_ =	task [dreg:s7], $0x5FFFF  }
0xac: {  	[dreg:$0x1] =	wrdreg $0xFFFFFFFF  }
0xad: {  	[dreg:$0x0] =	wrdreg $0x60  }
0xae: {  	[dreg:$0x2] =	wrdreg s2  }
0xaf: {  	[dreg:$0x3] =	wrdreg s24  }
0xb0: {  	[dreg:$0x4] =	wrdreg $0x9  }
0xb1: {  	_ =	task.clear_ibuf [dreg:s7], $0x5FFFF;
	_ =	strace $0x90000046  }
0xb2: {  	s29 =	simm.s32 $0x9;
	_ =	strace $0x80000048  }
0xb3: {  	_ =	swait.ge [sflag:s29], $0x1  }
0xb4: {  	[sflag:s29] =	ssyncadd.s32 $0xFFFFFFFF  }
0xb5: {  	_ =	strace $0x90000048  }
0xb6: {  	_ =	sfence  }
0xb7: {  	s30 =	sld [smem:$0x0];
	_ =	sdelay $0x2  }
0xb8: {  	s31 =	sshll.u32 s1, $0xD;
	s1 =	sshrl.u32 s1, $0x2  }
0xb9: {  	s3 =	sand.u32 $0x4000, s31;
	s1 =	sadd.s32 s1, s30  }
0xba: {  	s0 =	sor.u32 s3, s0;
	s1 =	sshll.u32 s1, $0x11  }
0xbb: {  	s0 =	sor.u32 s1, s0  }
0xbc: {  	s0 =	sadd.s32 $0x8F2B, s0  }
0xbd: {  	[sflag:s0] =	ssyncadd.remote.s32 $0x1  }
0xbe: {  	_ =	sfence.sel $0xFFFF  }
0xbf: {  	[dreg:$0x0] =	wrdreg $0xFFFFFFFF;
	(pc) =	sbr.abs _section_cstart, $3  }
0xc0: {  	[dreg:$0x1] =	wrdreg $0xFFFFFFFF  }
0xc1: {  	_ =	task.clear_ibuf [dreg:s7], $0x2FFFF;
	_ =	strace $0x9FFFFFFF  }
0xc2: {  	(tm) =	ssettm $0x7FFFFFFF  }
0xc3: {  	_ =	shalt  }
tec
execute0_lowered:
.L_overlay_start_1:
0x0: {  	(tag) =	ssettag $0x1  }
0x1: {  	s2 =	rddreg [dreg:$0x0];
	s0 =	srdreg.scid  }
0x2: {  	s5 =	rddreg [dreg:$0x1];
	s1 =	stileid.u32  }
0x3: {  	s3 =	simm.s32 $0x0;
	s13 =	simm.s32 $0x100;
	s14 =	simm.s32 $0x2900  }
0x4: {  	s15 =	simm.s32 $0x3100;
	s16 =	simm.s32 $0x3900;
	s17 =	simm.s32 $0x4100  }
0x5: {  	s18 =	simm.s32 $0x4900;
	s19 =	simm.s32 $0x5100;
	s7 =	smul.u32 $0x2710, s1  }
0x6: {  	s20 =	simm.s32 $0x5900;
	s21 =	simm.s32 $0x6100;
	s28 =	smul.u32 $0x4E200, s1  }
0x7: {  	s22 =	simm.s32 $0x6900;
	s6 =	sand.u32 $0x1, s0;
	s12 =	smul.u32 $0x27100, s1  }
0x8: {  	s23 =	simm.s32 $0x7100;
	s0 =	rddreg [dreg:$0x2];
	s4 =	smul.u32 $0x27100, s6  }
0x9: {  	s24 =	simm.s32 $0x0;
	[smem:$0x7FF] =	sst s3;
	s8 =	smul.u32 $0x271000, s6  }
0xa: {  	_ =	strace $0x80000047;
	s9 =	smul.u32 $0x4E2000, s6;
	s6 =	ssub.s32 $0x2, s6  }
0xb: {  	s11 =	sshrl.u32 s6, $0x1;
	s7 =	sadd.s32 s7, s4;
	s4 =	sadd.s32 $0x19000, s5  }
0xc: {  	s9 =	sadd.s32 s9, s5;
	s8 =	sadd.s32 s8, s5;
	s29 =	ssub.s32 s6, s11  }
0xd: {  	s11 =	simm.s32 $0x80;
	s7 =	sshrl.u32 s7, $0x3;
	s30 =	sadd.s32 s28, s9  }
0xe: {  	v2 =	vlaneseq.u32;
	s31 =	sadd.s32 s12, s8;
	s12 =	simm.s32 $0x50;
	s10 =	sadd.s32 s7, s5  }
0xf: {  	vm0 =	vmmov $0xffff;
	v1 =	vshrl.u32 v2, $0x3;
	s5 =	smax.u32 s29, $0x1;
	s6 =	sadd.s32 $0x570400, s30;
	s7 =	sadd.s32 $0x8E400, s31  }
0x10: {  	v0 =	vand.u32 $0x7, v2;
	v2 =	vor.u32 $0x8, v2;
	v1 =	vmul.u32 $0x8, v1;
	s8 =	sadd.s32 $0x5400, s10;
	s9 =	sadd.s32 $0xF200, s10;
	s10 =	simm.s32 $0x1  }
.LBB2_1:
0x11: {  	s25 =	smov.u32 s7;
	s26 =	smov.u32 s6;
	s28 =	simm.s32 $0x0  }
.LBB2_2:
0x12: {  	s29 =	sadd.s32 s28, s9  }
0x13: {  	[tilespmem:s3], [sflag:$0x1] =	stream.linear.gather [hbm4b:s29+s3], $0x50, $0x38;
	[tilespmem:$0x7900] =	vst v63  }
0x14: {  	_ =	swait.ge [sflag:s10], $0x50  }
0x15: {  	[sflag:s10] =	ssyncset.done $0x0  }
0x16: {  	s31 =	sadd.s32 s28, s8;
	[sflag:s10] =	ssyncadd.s32 $0xFFFFFFB0  }
0x17: {  	[tilespmem:s11], [sflag:$0x1] =	stream.linear.gather [hbm4b:s31+s3], $0x50, $0x38;
	[tilespmem:$0x7900] =	vst v63  }
0x18: {  	_ =	swait.ge [sflag:s10], $0x50  }
0x19: {  	[sflag:s10] =	ssyncset.done $0x0  }
0x1a: {  	[sflag:s10] =	ssyncadd.s32 $0xFFFFFFB0  }
0x1b: {  	[tilespmem:s13], [sflag:$0x1] =	stream.indirect.gather [hbm4b:s2+s12], $0x80, s3, s12, $0xb8;
	[tilespmem:$0x7900] =	vst v63  }
0x1c: {  	_ =	swait.ge [sflag:s10], $0x2800  }
0x1d: {  	[sflag:s10] =	ssyncset.done $0x0  }
0x1e: {  	[sflag:s10] =	ssyncadd.s32 $0xFFFFD800  }
0x1f: {  	v3 =	vld [tilespmem:$0x80];
	_ =	sdelay $0x4  }
0x20: {  	v4 =	vshll.u32 v3, $0x1  }
0x21: {  	v3 =	vand.u32 $0x7, v3;
	v4 =	vand.u32 $0xFFFFFFF0, v4  }
0x22: {  	v3 =	vor.u32 v3, v4  }
0x23: {  	v4 =	vperm.xlane v3, v0;
	_ =	sdelay $0x1  }
0x24: {  	v3 =	vperm.xlane v3, v2;
	v4 =	vadd.s32 v1, v4;
	_ =	sdelay $0x1  }
0x25: {  	v3 =	vadd.s32 v1, v3;
	_ =	sdelay $0x2  }
0x26: {  	[tilespmem:s14], [sflag:$0x1] =	stream.indirect_vreg.gather [hbm4b:s4+s3], $0x80, v4, vm0, $0xb8;
	[tilespmem:$0x7900] =	vst v63  }
0x27: {  	_ = 	snop  }
0x28: {  	[tilespmem:s15], [sflag:$0x1] =	stream.indirect_vreg.gather [hbm4b:s4+s3], $0x80, v3, vm0, $0xb8;
	[tilespmem:$0x7900] =	vst v63  }
0x29: {  	v3 =	vld [tilespmem:$0x90];
	_ =	sdelay $0x4  }
0x2a: {  	v60 =	vshll.u32 v3, $0x1  }
0x2b: {  	v3 =	vand.u32 $0x7, v3;
	v4 =	vand.u32 $0xFFFFFFF0, v60  }
0x2c: {  	v3 =	vor.u32 v3, v4  }
0x2d: {  	v4 =	vperm.xlane v3, v0;
	_ =	sdelay $0x1  }
0x2e: {  	v3 =	vperm.xlane v3, v2;
	v4 =	vadd.s32 v1, v4;
	_ =	sdelay $0x1  }
0x2f: {  	v3 =	vadd.s32 v1, v3;
	_ =	sdelay $0x2  }
0x30: {  	[tilespmem:s16], [sflag:$0x1] =	stream.indirect_vreg.gather [hbm4b:s4+s3], $0x80, v4, vm0, $0xb8;
	[tilespmem:$0x7900] =	vst v63  }
0x31: {  	_ = 	snop  }
0x32: {  	[tilespmem:s17], [sflag:$0x1] =	stream.indirect_vreg.gather [hbm4b:s4+s3], $0x80, v3, vm0, $0xb8;
	[tilespmem:$0x7900] =	vst v63  }
0x33: {  	v3 =	vld [tilespmem:$0xA0];
	_ =	sdelay $0x4  }
0x34: {  	v61 =	vshll.u32 v3, $0x1  }
0x35: {  	v3 =	vand.u32 $0x7, v3;
	v4 =	vand.u32 $0xFFFFFFF0, v61  }
0x36: {  	v3 =	vor.u32 v3, v4  }
0x37: {  	v4 =	vperm.xlane v3, v0;
	_ =	sdelay $0x1  }
0x38: {  	v3 =	vperm.xlane v3, v2;
	v4 =	vadd.s32 v1, v4;
	_ =	sdelay $0x1  }
0x39: {  	v3 =	vadd.s32 v1, v3;
	_ =	sdelay $0x2  }
0x3a: {  	[tilespmem:s18], [sflag:$0x1] =	stream.indirect_vreg.gather [hbm4b:s4+s3], $0x80, v4, vm0, $0xb8;
	[tilespmem:$0x7900] =	vst v63  }
0x3b: {  	_ = 	snop  }
0x3c: {  	[tilespmem:s19], [sflag:$0x1] =	stream.indirect_vreg.gather [hbm4b:s4+s3], $0x80, v3, vm0, $0xb8;
	[tilespmem:$0x7900] =	vst v63  }
0x3d: {  	v3 =	vld [tilespmem:$0xB0];
	_ =	sdelay $0x4  }
0x3e: {  	v62 =	vshll.u32 v3, $0x1  }
0x3f: {  	v3 =	vand.u32 $0x7, v3;
	v4 =	vand.u32 $0xFFFFFFF0, v62  }
0x40: {  	v3 =	vor.u32 v3, v4  }
0x41: {  	v4 =	vperm.xlane v3, v0;
	_ =	sdelay $0x1  }
0x42: {  	v3 =	vperm.xlane v3, v2;
	v4 =	vadd.s32 v1, v4;
	_ =	sdelay $0x1  }
0x43: {  	v3 =	vadd.s32 v1, v3;
	_ =	sdelay $0x2  }
0x44: {  	[tilespmem:s20], [sflag:$0x1] =	stream.indirect_vreg.gather [hbm4b:s4+s3], $0x80, v4, vm0, $0xb8;
	[tilespmem:$0x7900] =	vst v63  }
0x45: {  	_ = 	snop  }
0x46: {  	[tilespmem:s21], [sflag:$0x1] =	stream.indirect_vreg.gather [hbm4b:s4+s3], $0x80, v3, vm0, $0xb8;
	[tilespmem:$0x7900] =	vst v63  }
0x47: {  	v3 =	vld [tilespmem:$0xC0];
	_ =	sdelay $0x4  }
0x48: {  	v63 =	vshll.u32 v3, $0x1  }
0x49: {  	v3 =	vand.u32 $0x7, v3;
	v4 =	vand.u32 $0xFFFFFFF0, v63  }
0x4a: {  	v3 =	vor.u32 v3, v4  }
0x4b: {  	v4 =	vperm.xlane v3, v0;
	_ =	sdelay $0x1  }
0x4c: {  	v3 =	vperm.xlane v3, v2;
	v4 =	vadd.s32 v1, v4;
	_ =	sdelay $0x1  }
0x4d: {  	v3 =	vadd.s32 v1, v3;
	_ =	sdelay $0x2  }
0x4e: {  	[tilespmem:s22], [sflag:$0x1] =	stream.indirect_vreg.gather [hbm4b:s4+s3], $0x80, v4, vm0, $0xb8;
	[tilespmem:$0x7900] =	vst v63  }
0x4f: {  	_ = 	snop  }
0x50: {  	[tilespmem:s23], [sflag:$0x1] =	stream.indirect_vreg.gather [hbm4b:s4+s3], $0x80, v3, vm0, $0xb8;
	[tilespmem:$0x7900] =	vst v63  }
0x51: {  	_ =	swait.ge [sflag:s10], $0x5000  }
0x52: {  	[sflag:s10] =	ssyncset.done $0x0  }
0x53: {  	[sflag:s10] =	ssyncadd.s32 $0xFFFFB000  }
0x54: {  	[hbm4b:s25+s3] =	stream.linear.scatter [tilespmem:s13], [sflag:$0x1], $0x2800, $0x38;
	[tilespmem:$0x7900] =	vst v63  }
0x55: {  	_ =	swait.ge [sflag:s10], $0x2800  }
0x56: {  	p0 =	sne.s32 s28, $0x4D8;
	[sflag:s10] =	ssyncset.done $0x0  }
.Ltmp0:
0x57: {  	[sflag:s10] =	ssyncadd.s32 $0xFFFFD800;
	(pc) =	sbr.rel @p0 .LBB2_2-.Ltmp0, $4  }
0x58: {  	[hbm4b:s26+s3] =	stream.linear.scatter [tilespmem:s14], [sflag:$0x1], $0x5000, $0x38;
	[tilespmem:$0x7900] =	vst v63  }
0x59: {  	_ =	swait.ge [sflag:s10], $0x5000  }
0x5a: {  	s28 =	sadd.s32 $0xA, s28;
	[sflag:s10] =	ssyncset.done $0x0  }
0x5b: {  	s25 =	sadd.s32 $0x500, s25;
	s26 =	sadd.s32 $0xA00, s26;
	[sflag:s10] =	ssyncadd.s32 $0xFFFFB000  }
0x5c: {  	s24 =	sadd.s32 $0x1, s24  }
0x5d: {  	p0 =	sne.s32 s24, s5  }
.Ltmp1:
0x5e: {  	_ = 	snop;
	(pc) =	sbr.rel @p0 .LBB2_1-.Ltmp1, $1  }
0x5f: {  	_ =	sdelay $0x3  }
0x60: {  	_ =	sfence.sel $0x180000  }
0x61: {  	[bflag:$0x0] =	sbarrier.arrive $0xFFFF  }
0x62: {  	p0 =	sne.s32 s1, $0x0;
	_ =	strace $0x90000047  }
0x63: {  	s0 =	sadd.s32 @!p0 $0x100000, s0;
	[bflag:$0x2] =	sbarrier.arrive $0xFFFF  }
0x64: {  	[sflag:s0] =	ssyncadd.tile.s32 @!p0 $0x1;
	_ =	shalt  }
.Lfunc_end2:
_tile_overlayer_lowered:
.L_overlay_start_2:
0x65: {  	(tag) =	ssettag $0x2  }
0x66: {  	s0 =	rddreg [dreg:$0x0];
	s2 =	stileid.u32  }
0x67: {  	s1 =	rddreg [dreg:$0x1];
	p0 =	sne.s32 s2, $0x0  }
0x68: {  	s3 =	rddreg [dreg:$0x2];
	[bflag:$0x3] =	sbarrier.arrive $0xFFFF;
	s2 =	simm.s32 @!p0 $0x1C01  }
0x69: {  	[timem:s3], [sflag:s2] =	dma.local @!p0 [hbm:s0], s1  }
0x6a: {  	s0 =	simm.s32 @!p0 $0x1  }
0x6b: {  	_ =	swait.ge @!p0 [sflag:s0], s1  }
0x6c: {  	s1 =	ssub.s32 @!p0 $0x0, s1;
	[sflag:s0] =	ssyncset.done @!p0 $0x0  }
0x6d: {  	[sflag:s0] =	ssyncadd.s32 @!p0 s1  }
0x6e: {  	[bflag:$0x3] =	sbarrier.arrive $0xFFFF  }
0x6f: {  	_ =	shalt  }

// kernel: kernel.17.cloned.1.call-start
scs
__scs_entry_jumppad:
0x0: {  	(pc) =	sbr.rel $0x88, $3  }
0x1: {  	(tag) =	ssettag $0x0;
	lr =	simm.s32 $0x1  }
0x2: {  	[smem:$0x3F8E] =	sst lr;
	_ =	strace $0xD0000000  }
0x3: {  	_ = 	snop  }
0x4: {  	_ = 	snop  }
0x5: {  	_ = 	snop  }
0x6: {  	_ = 	snop  }
0x7: {  	_ = 	snop  }
__scs_overlays_trampoline_lowered:
0x8: {  	[smem:$0x3F9D] =	sst s0  }
0x9: {  	[smem:$0x3F9E] =	sst s1  }
0xa: {  	[smem:$0x3F9F] =	sst s2  }
0xb: {  	[smem:$0x3FA0] =	sst s3  }
0xc: {  	[smem:$0x3FA1] =	sst s4  }
0xd: {  	[smem:$0x3FA2] =	sst s5  }
0xe: {  	[smem:$0x3FA3] =	sst s6  }
0xf: {  	[smem:$0x3FA4] =	sst s7  }
0x10: {  	[smem:$0x3FA5] =	sst s8  }
0x11: {  	[smem:$0x3FA6] =	sst s9;
	s0 =	simm.s32 @!p0 $0x0  }
0x12: {  	s1 =	sld [smem:$0x3F8C];
	s0 =	simm.s32 @p0 $0x1  }
0x13: {  	[smem:$0x3FA7] =	sst s0;
	s0 =	simm.s32 @!p1 $0x0  }
0x14: {  	s2 =	sld [smem:$0x3F8B];
	s0 =	simm.s32 @p1 $0x1  }
0x15: {  	[smem:$0x3FA8] =	sst s0;
	s0 =	simm.s32 @!p2 $0x0  }
0x16: {  	s3 =	sld [smem:$0x3FDB];
	s0 =	simm.s32 @p2 $0x1  }
0x17: {  	s4 =	simm.s32 $0x1BF5;
	[smem:$0x3FAA] =	sst s0  }
0x18: {  	s0 =	sld [smem:$0x3F8D];
	_ =	swait.ge [sflag:s4], $0x0  }
0x19: {  	s7 =	sld [smem:$0x3F8E]  }
0x1a: {  	s8 =	sadd.s32 $0xFFFFE003, lr  }
0x1b: {  	s9 =	sadd.s32 $0xFFFFFEF7, lr;
	s5 =	simm.s32 $0xFFFFFFFF;
	p2 =	slt.u32 s8, $0xFFFFF086  }
0x1c: {  	p1 =	slt.u32 s9, $0xF7A;
	s5 =	simm.s32 @!p2 $0x0  }
0x1d: {  	s5 =	simm.s32 @p1 $0x1;
	p0 =	seq.s32 s7, s2  }
0x1e: {  	s7 =	smul.u32 @!p0 $0xF7A, s2;
	p2 =	seq.s32 @!p0 s5, $0x0  }
0x1f: {  	s9 =	smul.u32 $0xF7A, s1;
	s8 =	simm.s32 @!p0 $0x1BF5;
	p2 =	por !p2, p0  }
0x20: {  	[sflag:s8] =	ssyncset.s32 @!p0 $0xFFFFF086;
	s6 =	sadd.s32 @!p0 s3, s7;
	s7 =	simm.s32 @!p0 $0x108  }
0x21: {  	s3 =	sadd.s32 s3, s9;
	s6 =	sadd.s32 @!p0 $0x88, s6;
	s7 =	simm.s32 @p2 $0x1082  }
0x22: {  	[simem:s7], [sflag:s8] =	dma.local @!p0 [hbm:s6], $0xF7A  }
0x23: {  	s9 =	sor.u32 $0xD0000000, s2;
	s6 =	simm.s32 $0x108;
	_ =	swait.ge @!p0 [sflag:s8], $0x0  }
0x24: {  	s3 =	sadd.s32 $0x88, s3;
	s6 =	simm.s32 @!p1 $0x1082;
	[sflag:s4] =	ssyncset.s32 $0xFFFFF086  }
0x25: {  	[simem:s6], [sflag:s4] =	dma.local [hbm:s3], $0xF7A  }
0x26: {  	[smem:$0x3F8E] =	sst s1;
	(tag) =	ssettag s2;
	_ =	strace s9  }
0x27: {  	s1 =	sld [smem:$0x3F9E]  }
0x28: {  	s2 =	sld [smem:$0x3F9F]  }
0x29: {  	s4 =	sld [smem:$0x3FA1]  }
0x2a: {  	p0 =	seq.s32 s5, $0x0;
	s5 =	sld [smem:$0x3FA2]  }
0x2b: {  	s6 =	sld [smem:$0x3FA3]  }
0x2c: {  	s7 =	sld [smem:$0x3FA4]  }
0x2d: {  	s3 =	simm.s32 $0x108;
	s8 =	sld [smem:$0x3FA5]  }
0x2e: {  	s3 =	simm.s32 @!p0 $0x1082;
	s9 =	sld [smem:$0x3FA6]  }
0x2f: {  	lr =	sadd.s32 s0, s3;
	s0 =	sld [smem:$0x3F9D]  }
0x30: {  	s3 =	sld [smem:$0x3FA0]  }
0x31: {  	[smem:$0x3FA9] =	sst s10  }
0x32: {  	s10 =	sld [smem:$0x3FA7];
	_ =	sdelay $0x3  }
0x33: {  	p0 =	seq.s32 s10, $0x1;
	s10 =	sld [smem:$0x3FA9];
	_ =	sdelay $0x3  }
0x34: {  	[smem:$0x3FA9] =	sst s10  }
0x35: {  	s10 =	sld [smem:$0x3FA8];
	_ =	sdelay $0x3  }
0x36: {  	p1 =	seq.s32 s10, $0x1;
	s10 =	sld [smem:$0x3FA9];
	_ =	sdelay $0x3  }
0x37: {  	[smem:$0x3FA9] =	sst s10  }
0x38: {  	s10 =	sld [smem:$0x3FAA]  }
0x39: {  	_ = 	snop;
	(pc) =	sbr.ind lr, $3  }
0x3a: {  	_ = 	snop  }
0x3b: {  	_ = 	snop  }
0x3c: {  	p2 =	seq.s32 s10, $0x1;
	s10 =	sld [smem:$0x3FA9]  }
0x3d: {  	_ =	shalt  }
0x3e: {  	_ =	shalt  }
0x3f: {  	_ =	shalt  }
0x40: {  	_ =	shalt  }
0x41: {  	_ =	shalt  }
0x42: {  	_ =	shalt  }
0x43: {  	_ =	shalt  }
0x44: {  	_ =	shalt  }
0x45: {  	_ =	shalt  }
0x46: {  	_ =	shalt  }
0x47: {  	_ =	shalt  }
0x48: {  	_ =	shalt  }
0x49: {  	_ =	shalt  }
0x4a: {  	_ =	shalt  }
0x4b: {  	_ =	shalt  }
0x4c: {  	_ =	shalt  }
0x4d: {  	_ =	shalt  }
0x4e: {  	_ =	shalt  }
0x4f: {  	_ =	shalt  }
0x50: {  	_ =	shalt  }
0x51: {  	_ =	shalt  }
0x52: {  	_ =	shalt  }
0x53: {  	_ =	shalt  }
0x54: {  	_ =	shalt  }
0x55: {  	_ =	shalt  }
0x56: {  	_ =	shalt  }
0x57: {  	_ =	shalt  }
0x58: {  	_ =	shalt  }
0x59: {  	_ =	shalt  }
0x5a: {  	_ =	shalt  }
0x5b: {  	_ =	shalt  }
0x5c: {  	_ =	shalt  }
0x5d: {  	_ =	shalt  }
0x5e: {  	_ =	shalt  }
0x5f: {  	_ =	shalt  }
0x60: {  	_ =	shalt  }
0x61: {  	_ =	shalt  }
0x62: {  	_ =	shalt  }
0x63: {  	_ =	shalt  }
0x64: {  	_ =	shalt  }
0x65: {  	_ =	shalt  }
0x66: {  	_ =	shalt  }
0x67: {  	_ =	shalt  }
0x68: {  	_ =	shalt  }
0x69: {  	_ =	shalt  }
0x6a: {  	_ =	shalt  }
0x6b: {  	_ =	shalt  }
0x6c: {  	_ =	shalt  }
0x6d: {  	_ =	shalt  }
0x6e: {  	_ =	shalt  }
0x6f: {  	_ =	shalt  }
0x70: {  	_ =	shalt  }
0x71: {  	_ =	shalt  }
0x72: {  	_ =	shalt  }
0x73: {  	_ =	shalt  }
0x74: {  	_ =	shalt  }
0x75: {  	_ =	shalt  }
0x76: {  	_ =	shalt  }
0x77: {  	_ =	shalt  }
0x78: {  	_ =	shalt  }
0x79: {  	_ =	shalt  }
0x7a: {  	_ =	shalt  }
0x7b: {  	_ =	shalt  }
0x7c: {  	_ =	shalt  }
0x7d: {  	_ =	shalt  }
0x7e: {  	_ =	shalt  }
0x7f: {  	_ =	shalt  }
0x80: {  	_ =	shalt  }
0x81: {  	_ =	shalt  }
0x82: {  	_ =	shalt  }
0x83: {  	_ =	shalt  }
0x84: {  	_ =	shalt  }
0x85: {  	_ =	shalt  }
0x86: {  	_ =	shalt  }
0x87: {  	_ =	shalt  }
.Lfunc_end0:
.L_simem_size_0:
called_computation.1_lowered:
.L_overlay_start_0:
0x88: {  	s2 =	sld [smem:$0x3FD9]  }
0x89: {  	s3 =	sld [smem:$0x3FFE];
	_ =	sdelay $0x1  }
0x8a: {  	s1 =	srdreg.scid  }
0x8b: {  	s0 =	sand.u32 $0x1, s1  }
0x8c: {  	s17 =	sshll.u32 s0, $0xA;
	s2 =	sadd.s32 s3, s2  }
0x8d: {  	s2 =	sadd.s32 s2, s17  }
0x8e: {  	[smem:$0x3FB5] =	sst s2  }
0x8f: {  	_ = 	snop  }
0x90: {  	(tm) =	ssettm $0x1  }
0x91: {  	s18 =	sld [smem:$0x3FFB];
	_ =	sdelay $0x3  }
0x92: {  	_ =	strace s18  }
0x93: {  	s2 =	sld [smem:$0x3FFC];
	_ =	sdelay $0x3  }
0x94: {  	_ =	strace s2  }
0x95: {  	s2 =	sld [smem:$0x3FFD];
	_ =	sdelay $0x3  }
0x96: {  	_ =	strace s2  }
0x97: {  	_ =	strace $0x8FFFFFFF  }
0x98: {  	s19 =	sld [smem:$0x3FDB];
	_ =	sdelay $0x1  }
0x99: {  	s20 =	simm.s32 $_scs_section_size  }
0x9a: {  	s4 =	simm.s32 $_size__tile_overlayer_lowered;
	s5 =	simm.s32 $_tile_overlayer_lowered  }
0x9b: {  	s6 =	simm.s32 $0x1BFF;
	s21 =	sshll.u32 s5, $0x1;
	s3 =	sadd.s32 s20, s19  }
0x9c: {  	s22 =	simm.s32 $0x0;
	s4 =	sshll.u32 s4, $0x1;
	s5 =	sadd.s32 s21, s3  }
0x9d: {  	[timem:s22], [sflag:s6] =	dma.local [hbm:s5], s4  }
0x9e: {  	_ =	swait.ge [sflag:s6], s4  }
0x9f: {  	s4 =	ssub.s32 $0x0, s4;
	[sflag:s6] =	ssyncset.done $0x0  }
0xa0: {  	[sflag:s6] =	ssyncadd.s32 s4;
	_ =	sdelay $0x1  }
0xa1: {  	s23 =	simm.s32 $0x1B8B  }
0xa2: {  	_ =	swait.ge [sflag:s23], $0x1  }
0xa3: {  	[sflag:s23] =	ssyncset.done $0x0  }
0xa4: {  	[sflag:s23] =	ssyncadd.s32 $0xFFFFFFFF  }
0xa5: {  	s4 =	sld [smem:$0x0]  }
0xa6: {  	s5 =	sand.u32 $0xFFFFFFFE, s1  }
0xa7: {  	p0 =	sne.s32 s1, s5  }
0xa8: {  	s5 =	sshll.u32 @p0 s5, $0xE  }
0xa9: {  	s5 =	sadd.s32 @p0 $0x11B8D, s5;
	s6 =	sshll.u32 @p0 s4, $0x11  }
0xaa: {  	s5 =	sor.u32 @p0 s6, s5  }
0xab: {  	[sflag:s5] =	ssyncadd.remote.s32 @p0 $0x1;
	_ =	sdelay $0x1  }
0xac: {  	s5 =	simm.s32 @p0 $0x1B8D  }
0xad: {  	_ =	swait.eq @p0 [sflag:s5], $0x1  }
0xae: {  	[sflag:s5] =	ssyncadd.s32 @p0 $0xFFFFFFFF  }
0xaf: {  	s6 =	sshll.u32 @!p0 s1, $0xE  }
0xb0: {  	s6 =	sor.u32 @!p0 $0x4000, s6;
	s5 =	simm.s32 @!p0 $0x1B8D  }
0xb1: {  	s4 =	sshll.u32 @!p0 s4, $0x11;
	s6 =	sadd.s32 @!p0 $0x11B8D, s6;
	_ =	swait.eq @!p0 [sflag:s5], $0x1  }
0xb2: {  	s4 =	sor.u32 @!p0 s4, s6;
	[sflag:s5] =	ssyncadd.s32 @!p0 $0xFFFFFFFF  }
0xb3: {  	s25 =	simm.s32 $0x1B8E;
	s24 =	sld [smem:$0x3FFE];
	[sflag:s4] =	ssyncadd.remote.s32 @!p0 $0x1  }
0xb4: {  	s26 =	simm.s32 $execute0_lowered;
	[smem:$0x3FD2] =	sst s25  }
0xb5: {  	s5 =	sshll.u32 s26, $0x1;
	_ =	strace $0x8000004C;
	[dreg:$0x1] =	wrdreg $0xFFFFFFFF  }
0xb6: {  	s28 =	simm.s32 $_size_execute0_lowered;
	s3 =	sadd.s32 s3, s5;
	[dreg:$0x0] =	wrdreg $0x0  }
0xb7: {  	s5 =	sshll.u32 s28, $0x1;
	[dreg:$0x2] =	wrdreg s3  }
0xb8: {  	[dreg:$0x3] =	wrdreg s5  }
0xb9: {  	[dreg:$0x4] =	wrdreg $0xC0  }
0xba: {  	_ =	task [dreg:s22], $0x5FFFF  }
0xbb: {  	[dreg:$0x1] =	wrdreg $0xFFFFFFFF  }
0xbc: {  	[dreg:$0x0] =	wrdreg $0x60  }
0xbd: {  	[dreg:$0x2] =	wrdreg s24  }
0xbe: {  	[dreg:$0x3] =	wrdreg $0x50800  }
0xbf: {  	[dreg:$0x4] =	wrdreg $0x9  }
0xc0: {  	_ =	task.clear_ibuf [dreg:s22], $0x5FFFF;
	_ =	strace $0x9000004C  }
0xc1: {  	s29 =	simm.s32 $0x9;
	_ =	strace $0x8000004E  }
0xc2: {  	_ =	swait.ge [sflag:s29], $0x1  }
0xc3: {  	[sflag:s29] =	ssyncadd.s32 $0xFFFFFFFF  }
0xc4: {  	_ =	strace $0x9000004E  }
0xc5: {  	_ =	sfence  }
0xc6: {  	s30 =	sld [smem:$0x0];
	_ =	sdelay $0x2  }
0xc7: {  	s31 =	sshll.u32 s1, $0xD;
	s1 =	sshrl.u32 s1, $0x2  }
0xc8: {  	s4 =	sand.u32 $0x4000, s31;
	s1 =	sadd.s32 s1, s30  }
0xc9: {  	s0 =	sor.u32 s4, s0;
	s1 =	sshll.u32 s1, $0x11  }
0xca: {  	s0 =	sor.u32 s1, s0  }
0xcb: {  	s0 =	sadd.s32 $0x8F2B, s0  }
0xcc: {  	[sflag:s0] =	ssyncadd.remote.s32 $0x1  }
0xcd: {  	_ =	sfence.sel $0xFFFF  }
0xce: {  	[dreg:$0x0] =	wrdreg $0xFFFFFFFF;
	(pc) =	sbr.abs _section_cstart, $3  }
0xcf: {  	[dreg:$0x1] =	wrdreg $0xFFFFFFFF  }
0xd0: {  	_ =	task.clear_ibuf [dreg:s22], $0x2FFFF;
	_ =	strace $0x9FFFFFFF  }
0xd1: {  	(tm) =	ssettm $0x7FFFFFFF  }
tec
execute0_lowered:
.L_overlay_start_1:
0x0: {  	(tag) =	ssettag $0x1  }
0x1: {  	s0 =	srdreg.scid  }
0x2: {  	s5 =	sand.u32 $0x1, s0  }
0x3: {  	s6 =	smul.u32 $0x271000, s5  }
0x4: {  	s0 =	stileid.u32;
	s7 =	smul.u32 $0x27100, s5  }
0x5: {  	s8 =	smul.u32 $0x2710, s0  }
0x6: {  	s29 =	smul.u32 $0xA000, s0  }
0x7: {  	s9 =	sor.u32 $0x10, s0;
	s25 =	smul.u32 $0x500, s0  }
0x8: {  	s11 =	sor.u32 $0x20, s0;
	s10 =	smul.u32 $0xA000, s9  }
0x9: {  	s13 =	sor.u32 $0x30, s0;
	s30 =	smul.u32 $0xA000, s11  }
0xa: {  	s16 =	sor.u32 $0x40, s0;
	s15 =	smul.u32 $0xA000, s13  }
0xb: {  	s4 =	rddreg [dreg:$0x0];
	s18 =	sor.u32 $0x50, s0;
	s17 =	smul.u32 $0xA000, s16  }
0xc: {  	s1 =	rddreg [dreg:$0x1];
	s20 =	sor.u32 $0x60, s0;
	s19 =	smul.u32 $0xA000, s18  }
0xd: {  	s3 =	simm.s32 $0x0;
	s22 =	sor.u32 $0x70, s0;
	s21 =	smul.u32 $0xA000, s20  }
0xe: {  	[smem:$0x7FF] =	sst s3;
	s5 =	ssub.s32 $0x2, s5;
	s23 =	smul.u32 $0xA000, s22  }
0xf: {  	_ =	strace $0x8000004D;
	s31 =	sshrl.u32 s5, $0x1;
	s28 =	smul.u32 $0x500, s11  }
0x10: {  	p0 =	sgt.u32 s22, $0x7C;
	s12 =	sadd.s32 s6, s4;
	s26 =	sadd.s32 s8, s7  }
0x11: {  	s5 =	ssub.s32 s5, s31;
	s2 =	sshrl.u32 s29, $0x2;
	s29 =	smul.u32 $0x500, s13  }
0x12: {  	s31 =	smul.u32 $0x500, s18;
	s6 =	sshrl.u32 s26, $0x3;
	s8 =	sshrl.u32 s10, $0x2  }
0x13: {  	s10 =	sshrl.u32 s30, $0x2;
	s26 =	smul.u32 $0x500, s9;
	s11 =	sshrl.u32 s15, $0x2  }
0x14: {  	s15 =	sshrl.u32 s17, $0x2;
	s30 =	smul.u32 $0x500, s16;
	s17 =	sshrl.u32 s19, $0x2  }
0x15: {  	s19 =	sshrl.u32 s21, $0x2;
	s21 =	smul.u32 $0x27100, s0;
	s0 =	sshrl.u32 s23, $0x2  }
0x16: {  	s16 =	simm.s32 $0x1;
	s14 =	sadd.s32 s6, s4;
	s4 =	sadd.s32 s7, s4  }
0x17: {  	s6 =	sadd.s32 s8, s1;
	s7 =	sadd.s32 s10, s1;
	s8 =	sadd.s32 s11, s1  }
0x18: {  	s9 =	sadd.s32 s15, s1;
	s10 =	sadd.s32 s17, s1;
	s11 =	sadd.s32 s19, s1  }
0x19: {  	s15 =	simm.s32 $0x2880;
	s24 =	sadd.s32 $0x8E400, s4;
	s4 =	smax.u32 s5, $0x1  }
0x1a: {  	s5 =	sadd.s32 s2, s1;
	s2 =	smul.u32 $0x500, s20;
	s13 =	sadd.s32 s21, s12  }
0x1b: {  	s12 =	sadd.s32 s0, s1;
	s0 =	smul.u32 $0x500, s22;
	s14 =	sadd.s32 $0xF200, s14  }
0x1c: {  	s13 =	sadd.s32 $0x1416400, s13;
	s17 =	sadd.s32 s25, s24;
	s18 =	sadd.s32 s26, s24  }
0x1d: {  	s19 =	sadd.s32 s28, s24;
	s20 =	sadd.s32 s29, s24;
	s21 =	sadd.s32 s30, s24  }
0x1e: {  	s22 =	sadd.s32 s31, s24;
	s25 =	simm.s32 $0x80;
	s26 =	simm.s32 $0x50  }
0x1f: {  	v0 =	vimm.f32 $0.0e+00;
	s28 =	simm.s32 $0x0;
	s23 =	sadd.s32 s2, s24;
	s24 =	sadd.s32 @!p0 s0, s24  }
.LBB2_1:
0x20: {  	s29 =	simm.s32 $0x0;
	s30 =	simm.s32 $0x200  }
.LBB2_2:
0x21: {  	p1 =	sne.s32 s30, $0x9E00;
	[tilespmem:s29+$0x28F0] =	vst v0  }
0x22: {  	[tilespmem:s29+$0x2880] =	vst v0  }
0x23: {  	[tilespmem:s29+$0x2890] =	vst v0  }
.Ltmp0:
0x24: {  	[tilespmem:s29+$0x28A0] =	vst v0;
	(pc) =	sbr.rel @p1 .LBB2_2-.Ltmp0, $4  }
0x25: {  	[tilespmem:s29+$0x28B0] =	vst v0  }
0x26: {  	[tilespmem:s29+$0x28C0] =	vst v0  }
0x27: {  	[tilespmem:s29+$0x28D0] =	vst v0  }
0x28: {  	[tilespmem:s29+$0x28E0] =	vst v0;
	s29 =	sshra.s32 s30, $0x2;
	s30 =	sadd.s32 $0x200, s30  }
0x29: {  	[tilespmem:s29+$0x28F0] =	vst v0  }
0x2a: {  	[tilespmem:s29+$0x2880] =	vst v0  }
0x2b: {  	[tilespmem:s29+$0x2890] =	vst v0  }
0x2c: {  	[tilespmem:s29+$0x28A0] =	vst v0  }
0x2d: {  	[tilespmem:s29+$0x28B0] =	vst v0  }
0x2e: {  	[tilespmem:s29+$0x28C0] =	vst v0  }
0x2f: {  	[tilespmem:s29+$0x28D0] =	vst v0  }
0x30: {  	[tilespmem:s29+$0x28E0] =	vst v0  }
0x31: {  	[spmem:s5] =	stream.linear.scatter [tilespmem:s15], [sflag:$0x1], $0x2800, $0x38;
	[tilespmem:$0x18900] =	vst v63  }
0x32: {  	_ =	swait.ge [sflag:s16], $0x2800  }
0x33: {  	[sflag:s16] =	ssyncset.done $0x0  }
0x34: {  	[sflag:s16] =	ssyncadd.s32 $0xFFFFD800  }
0x35: {  	[spmem:s6] =	stream.linear.scatter [tilespmem:s15], [sflag:$0x1], $0x2800, $0x38;
	[tilespmem:$0x18900] =	vst v63  }
0x36: {  	_ =	swait.ge [sflag:s16], $0x2800  }
0x37: {  	[sflag:s16] =	ssyncset.done $0x0  }
0x38: {  	[sflag:s16] =	ssyncadd.s32 $0xFFFFD800  }
0x39: {  	[spmem:s7] =	stream.linear.scatter [tilespmem:s15], [sflag:$0x1], $0x2800, $0x38;
	[tilespmem:$0x18900] =	vst v63  }
0x3a: {  	_ =	swait.ge [sflag:s16], $0x2800  }
0x3b: {  	[sflag:s16] =	ssyncset.done $0x0  }
0x3c: {  	[sflag:s16] =	ssyncadd.s32 $0xFFFFD800  }
0x3d: {  	[spmem:s8] =	stream.linear.scatter [tilespmem:s15], [sflag:$0x1], $0x2800, $0x38;
	[tilespmem:$0x18900] =	vst v63  }
0x3e: {  	_ =	swait.ge [sflag:s16], $0x2800  }
0x3f: {  	[sflag:s16] =	ssyncset.done $0x0  }
0x40: {  	[sflag:s16] =	ssyncadd.s32 $0xFFFFD800  }
0x41: {  	[spmem:s9] =	stream.linear.scatter [tilespmem:s15], [sflag:$0x1], $0x2800, $0x38;
	[tilespmem:$0x18900] =	vst v63  }
0x42: {  	_ =	swait.ge [sflag:s16], $0x2800  }
0x43: {  	[sflag:s16] =	ssyncset.done $0x0  }
0x44: {  	[sflag:s16] =	ssyncadd.s32 $0xFFFFD800  }
0x45: {  	[spmem:s10] =	stream.linear.scatter [tilespmem:s15], [sflag:$0x1], $0x2800, $0x38;
	[tilespmem:$0x18900] =	vst v63  }
0x46: {  	_ =	swait.ge [sflag:s16], $0x2800  }
0x47: {  	[sflag:s16] =	ssyncset.done $0x0  }
0x48: {  	[sflag:s16] =	ssyncadd.s32 $0xFFFFD800  }
0x49: {  	[spmem:s11] =	stream.linear.scatter [tilespmem:s15], [sflag:$0x1], $0x2800, $0x38;
	[tilespmem:$0x18900] =	vst v63  }
0x4a: {  	_ =	swait.ge [sflag:s16], $0x2800  }
0x4b: {  	[sflag:s16] =	ssyncset.done $0x0  }
0x4c: {  	s0 =	simm.s32 @!p0 $0x2880;
	[sflag:s16] =	ssyncadd.s32 $0xFFFFD800  }
0x4d: {  	[spmem:s12] =	stream.linear.scatter @!p0 [tilespmem:s0], [sflag:$0x1], $0x2800, $0x38;
	[tilespmem:$0x18900] =	vst v63  }
0x4e: {  	s0 =	simm.s32 @!p0 $0x1  }
0x4f: {  	_ =	swait.ge @!p0 [sflag:s0], $0x2800  }
0x50: {  	[sflag:s0] =	ssyncset.done @!p0 $0x0  }
0x51: {  	[sflag:s0] =	ssyncadd.s32 @!p0 $0xFFFFD800  }
0x52: {  	s2 =	sadd.s32 $0x0, s14;
	[bflag:$0x0] =	sbarrier.arrive $0xFFFF  }
0x53: {  	[tilespmem:s3], [sflag:$0x1] =	stream.linear.gather [hbm4b:s2+s3], $0x50, $0x38;
	[tilespmem:$0x18900] =	vst v63  }
0x54: {  	_ =	swait.ge [sflag:s16], $0x50  }
0x55: {  	[sflag:s16] =	ssyncset.done $0x0  }
0x56: {  	[sflag:s16] =	ssyncadd.s32 $0xFFFFFFB0  }
0x57: {  	[tilespmem:s25], [sflag:$0x1] =	stream.linear.gather [hbm4b:s13+s3], $0x2800, $0x38;
	[tilespmem:$0x18900] =	vst v63  }
0x58: {  	_ =	swait.ge [sflag:s16], $0x2800  }
0x59: {  	[sflag:s16] =	ssyncset.done $0x0  }
0x5a: {  	[sflag:s16] =	ssyncadd.s32 $0xFFFFD800  }
0x5b: {  	[spmem:s1] =	stream.indirect.scatter.add.f32 [tilespmem:s25], [sflag:$0x1], $0x80, s3, s26, $0xb8;
	[tilespmem:$0x18900] =	vst v63  }
0x5c: {  	s30 =	simm.s32 $0xA;
	_ =	swait.ge [sflag:s16], $0x2800  }
0x5d: {  	s31 =	simm.s32 $0x14;
	s29 =	sadd.s32 $0x500, s13;
	[sflag:s16] =	ssyncset.done $0x0  }
.LBB2_4:
0x5e: {  	s0 =	sadd.s32 s30, s14  }
0x5f: {  	[sflag:s16] =	ssyncadd.s32 $0xFFFFD800;
	s30 =	smov.u32 s31;
	s2 =	sadd.s32 $0xA, s31  }
0x60: {  	[tilespmem:s3], [sflag:$0x1] =	stream.linear.gather [hbm4b:s0+s3], $0x50, $0x38;
	[tilespmem:$0x18900] =	vst v63  }
0x61: {  	p1 =	sne.s32 s31, $0x4D8;
	_ =	swait.ge [sflag:s16], $0x50  }
0x62: {  	[sflag:s16] =	ssyncset.done $0x0  }
0x63: {  	[sflag:s16] =	ssyncadd.s32 $0xFFFFFFB0  }
0x64: {  	[tilespmem:s25], [sflag:$0x1] =	stream.linear.gather [hbm4b:s29+s3], $0x2800, $0x38;
	[tilespmem:$0x18900] =	vst v63  }
0x65: {  	_ =	swait.ge [sflag:s16], $0x2800  }
.Ltmp1:
0x66: {  	[sflag:s16] =	ssyncset.done $0x0;
	(pc) =	sbr.rel @p1 .LBB2_4-.Ltmp1, $4  }
0x67: {  	[sflag:s16] =	ssyncadd.s32 $0xFFFFD800  }
0x68: {  	[spmem:s1] =	stream.indirect.scatter.add.f32 [tilespmem:s25], [sflag:$0x1], $0x80, s3, s26, $0xb8;
	[tilespmem:$0x18900] =	vst v63  }
0x69: {  	_ =	swait.ge [sflag:s16], $0x2800  }
0x6a: {  	s31 =	smov.u32 s2;
	s29 =	sadd.s32 $0x500, s29;
	[sflag:s16] =	ssyncset.done $0x0  }
0x6b: {  	s0 =	sadd.s32 s30, s14;
	[sflag:s16] =	ssyncadd.s32 $0xFFFFD800  }
0x6c: {  	[tilespmem:s3], [sflag:$0x1] =	stream.linear.gather [hbm4b:s0+s3], $0x50, $0x38;
	[tilespmem:$0x18900] =	vst v63  }
0x6d: {  	_ =	swait.ge [sflag:s16], $0x50  }
0x6e: {  	[sflag:s16] =	ssyncset.done $0x0  }
0x6f: {  	[sflag:s16] =	ssyncadd.s32 $0xFFFFFFB0  }
0x70: {  	[tilespmem:s25], [sflag:$0x1] =	stream.linear.gather [hbm4b:s29+s3], $0x2800, $0x38;
	[tilespmem:$0x18900] =	vst v63  }
0x71: {  	_ =	swait.ge [sflag:s16], $0x2800  }
0x72: {  	[sflag:s16] =	ssyncset.done $0x0  }
0x73: {  	[sflag:s16] =	ssyncadd.s32 $0xFFFFD800  }
0x74: {  	[spmem:s1] =	stream.indirect.scatter.add.f32 [tilespmem:s25], [sflag:$0x1], $0x80, s3, s26, $0xb8;
	[tilespmem:$0x18900] =	vst v63  }
0x75: {  	_ =	swait.ge [sflag:s16], $0x2800  }
0x76: {  	s2 =	stileid.u32;
	[sflag:s16] =	ssyncset.done $0x0  }
0x77: {  	s0 =	sshll.u32 s2, $0x6;
	[sflag:s16] =	ssyncadd.s32 $0xFFFFD800  }
0x78: {  	s2 =	sshrl.u32 s5, $0x3;
	s0 =	sor.u32 $0x1C01, s0;
	[bflag:$0x0] =	sbarrier.arrive $0xFFFF  }
0x79: {  	[hbm:s17], [sflag:s0] =	dma.local [spmem:s2], $0x500  }
0x7a: {  	_ =	swait.ge [sflag:s16], $0x500  }
0x7b: {  	[sflag:s16] =	ssyncset.done $0x0  }
0x7c: {  	s29 =	sshrl.u32 s6, $0x3;
	[sflag:s16] =	ssyncadd.s32 $0xFFFFFB00  }
0x7d: {  	[hbm:s18], [sflag:s0] =	dma.local [spmem:s29], $0x500  }
0x7e: {  	_ =	swait.ge [sflag:s16], $0x500  }
0x7f: {  	[sflag:s16] =	ssyncset.done $0x0  }
0x80: {  	s30 =	sshrl.u32 s7, $0x3;
	[sflag:s16] =	ssyncadd.s32 $0xFFFFFB00  }
0x81: {  	[hbm:s19], [sflag:s0] =	dma.local [spmem:s30], $0x500  }
0x82: {  	_ =	swait.ge [sflag:s16], $0x500  }
0x83: {  	[sflag:s16] =	ssyncset.done $0x0  }
0x84: {  	s31 =	sshrl.u32 s8, $0x3;
	[sflag:s16] =	ssyncadd.s32 $0xFFFFFB00  }
0x85: {  	[hbm:s20], [sflag:s0] =	dma.local [spmem:s31], $0x500  }
0x86: {  	_ =	swait.ge [sflag:s16], $0x500  }
0x87: {  	[sflag:s16] =	ssyncset.done $0x0  }
0x88: {  	s29 =	sshrl.u32 s9, $0x3;
	[sflag:s16] =	ssyncadd.s32 $0xFFFFFB00  }
0x89: {  	[hbm:s21], [sflag:s0] =	dma.local [spmem:s29], $0x500  }
0x8a: {  	_ =	swait.ge [sflag:s16], $0x500  }
0x8b: {  	[sflag:s16] =	ssyncset.done $0x0  }
0x8c: {  	s30 =	sshrl.u32 s10, $0x3;
	[sflag:s16] =	ssyncadd.s32 $0xFFFFFB00  }
0x8d: {  	[hbm:s22], [sflag:s0] =	dma.local [spmem:s30], $0x500  }
0x8e: {  	_ =	swait.ge [sflag:s16], $0x500  }
0x8f: {  	[sflag:s16] =	ssyncset.done $0x0  }
0x90: {  	s31 =	sshrl.u32 s11, $0x3;
	[sflag:s16] =	ssyncadd.s32 $0xFFFFFB00  }
0x91: {  	[hbm:s23], [sflag:s0] =	dma.local [spmem:s31], $0x500  }
0x92: {  	_ =	swait.ge [sflag:s16], $0x500  }
0x93: {  	s28 =	sadd.s32 $0x1, s28;
	[sflag:s16] =	ssyncset.done $0x0  }
0x94: {  	p1 =	sne.s32 s28, s4;
	s2 =	sshrl.u32 @!p0 s12, $0x3;
	[sflag:s16] =	ssyncadd.s32 $0xFFFFFB00  }
0x95: {  	[hbm:s24], [sflag:s0] =	dma.local @!p0 [spmem:s2], $0x500  }
.Ltmp2:
0x96: {  	_ = 	snop;
	(pc) =	sbr.rel @p1 .LBB2_1-.Ltmp2, $4  }
0x97: {  	s0 =	simm.s32 @!p0 $0x1  }
0x98: {  	_ =	swait.ge @!p0 [sflag:s0], $0x500  }
0x99: {  	[sflag:s0] =	ssyncset.done @!p0 $0x0  }
0x9a: {  	[sflag:s0] =	ssyncadd.s32 @!p0 $0xFFFFFB00  }
0x9b: {  	_ =	sfence.sel $0x180000  }
0x9c: {  	[bflag:$0x0] =	sbarrier.arrive $0xFFFF  }
0x9d: {  	_ =	strace $0x9000004D  }
0x9e: {  	s0 =	stileid.u32;
	[bflag:$0x2] =	sbarrier.arrive $0xFFFF  }
0x9f: {  	p0 =	sne.s32 s0, $0x0;
	s0 =	rddreg [dreg:$0x2]  }
0xa0: {  	s0 =	sadd.s32 @!p0 $0x100000, s0  }
0xa1: {  	[sflag:s0] =	ssyncadd.tile.s32 @!p0 $0x1;
	_ =	shalt  }
.Lfunc_end2:
_tile_overlayer_lowered:
.L_overlay_start_2:
0xa2: {  	(tag) =	ssettag $0x2  }
0xa3: {  	s0 =	rddreg [dreg:$0x0];
	s2 =	stileid.u32  }
0xa4: {  	s1 =	rddreg [dreg:$0x1];
	p0 =	sne.s32 s2, $0x0  }
0xa5: {  	s3 =	rddreg [dreg:$0x2];
	[bflag:$0x3] =	sbarrier.arrive $0xFFFF;
	s2 =	simm.s32 @!p0 $0x1C01  }
0xa6: {  	[timem:s3], [sflag:s2] =	dma.local @!p0 [hbm:s0], s1  }
0xa7: {  	s0 =	simm.s32 @!p0 $0x1  }
0xa8: {  	_ =	swait.ge @!p0 [sflag:s0], s1  }
0xa9: {  	s1 =	ssub.s32 @!p0 $0x0, s1;
	[sflag:s0] =	ssyncset.done @!p0 $0x0  }
0xaa: {  	[sflag:s0] =	ssyncadd.s32 @!p0 s1  }
0xab: {  	[bflag:$0x3] =	sbarrier.arrive $0xFFFF  }
0xac: {  	_ =	shalt  }

// kernel: kernel.20.cloned.1.call-start
scs
__scs_entry_jumppad:
0x0: {  	(pc) =	sbr.rel $0x88, $3  }
0x1: {  	(tag) =	ssettag $0x0;
	lr =	simm.s32 $0x1  }
0x2: {  	[smem:$0x3F8E] =	sst lr;
	_ =	strace $0xD0000000  }
0x3: {  	_ = 	snop  }
0x4: {  	_ = 	snop  }
0x5: {  	_ = 	snop  }
0x6: {  	_ = 	snop  }
0x7: {  	_ = 	snop  }
__scs_overlays_trampoline_lowered:
0x8: {  	[smem:$0x3F9D] =	sst s0  }
0x9: {  	[smem:$0x3F9E] =	sst s1  }
0xa: {  	[smem:$0x3F9F] =	sst s2  }
0xb: {  	[smem:$0x3FA0] =	sst s3  }
0xc: {  	[smem:$0x3FA1] =	sst s4  }
0xd: {  	[smem:$0x3FA2] =	sst s5  }
0xe: {  	[smem:$0x3FA3] =	sst s6  }
0xf: {  	[smem:$0x3FA4] =	sst s7  }
0x10: {  	[smem:$0x3FA5] =	sst s8  }
0x11: {  	[smem:$0x3FA6] =	sst s9;
	s0 =	simm.s32 @!p0 $0x0  }
0x12: {  	s1 =	sld [smem:$0x3F8C];
	s0 =	simm.s32 @p0 $0x1  }
0x13: {  	[smem:$0x3FA7] =	sst s0;
	s0 =	simm.s32 @!p1 $0x0  }
0x14: {  	s2 =	sld [smem:$0x3F8B];
	s0 =	simm.s32 @p1 $0x1  }
0x15: {  	[smem:$0x3FA8] =	sst s0;
	s0 =	simm.s32 @!p2 $0x0  }
0x16: {  	s3 =	sld [smem:$0x3FDB];
	s0 =	simm.s32 @p2 $0x1  }
0x17: {  	s4 =	simm.s32 $0x1BF5;
	[smem:$0x3FAA] =	sst s0  }
0x18: {  	s0 =	sld [smem:$0x3F8D];
	_ =	swait.ge [sflag:s4], $0x0  }
0x19: {  	s7 =	sld [smem:$0x3F8E]  }
0x1a: {  	s8 =	sadd.s32 $0xFFFFE003, lr  }
0x1b: {  	s9 =	sadd.s32 $0xFFFFFEF7, lr;
	s5 =	simm.s32 $0xFFFFFFFF;
	p2 =	slt.u32 s8, $0xFFFFF086  }
0x1c: {  	p1 =	slt.u32 s9, $0xF7A;
	s5 =	simm.s32 @!p2 $0x0  }
0x1d: {  	s5 =	simm.s32 @p1 $0x1;
	p0 =	seq.s32 s7, s2  }
0x1e: {  	s7 =	smul.u32 @!p0 $0xF7A, s2;
	p2 =	seq.s32 @!p0 s5, $0x0  }
0x1f: {  	s9 =	smul.u32 $0xF7A, s1;
	s8 =	simm.s32 @!p0 $0x1BF5;
	p2 =	por !p2, p0  }
0x20: {  	[sflag:s8] =	ssyncset.s32 @!p0 $0xFFFFF086;
	s6 =	sadd.s32 @!p0 s3, s7;
	s7 =	simm.s32 @!p0 $0x108  }
0x21: {  	s3 =	sadd.s32 s3, s9;
	s6 =	sadd.s32 @!p0 $0x88, s6;
	s7 =	simm.s32 @p2 $0x1082  }
0x22: {  	[simem:s7], [sflag:s8] =	dma.local @!p0 [hbm:s6], $0xF7A  }
0x23: {  	s9 =	sor.u32 $0xD0000000, s2;
	s6 =	simm.s32 $0x108;
	_ =	swait.ge @!p0 [sflag:s8], $0x0  }
0x24: {  	s3 =	sadd.s32 $0x88, s3;
	s6 =	simm.s32 @!p1 $0x1082;
	[sflag:s4] =	ssyncset.s32 $0xFFFFF086  }
0x25: {  	[simem:s6], [sflag:s4] =	dma.local [hbm:s3], $0xF7A  }
0x26: {  	[smem:$0x3F8E] =	sst s1;
	(tag) =	ssettag s2;
	_ =	strace s9  }
0x27: {  	s1 =	sld [smem:$0x3F9E]  }
0x28: {  	s2 =	sld [smem:$0x3F9F]  }
0x29: {  	s4 =	sld [smem:$0x3FA1]  }
0x2a: {  	p0 =	seq.s32 s5, $0x0;
	s5 =	sld [smem:$0x3FA2]  }
0x2b: {  	s6 =	sld [smem:$0x3FA3]  }
0x2c: {  	s7 =	sld [smem:$0x3FA4]  }
0x2d: {  	s3 =	simm.s32 $0x108;
	s8 =	sld [smem:$0x3FA5]  }
0x2e: {  	s3 =	simm.s32 @!p0 $0x1082;
	s9 =	sld [smem:$0x3FA6]  }
0x2f: {  	lr =	sadd.s32 s0, s3;
	s0 =	sld [smem:$0x3F9D]  }
0x30: {  	s3 =	sld [smem:$0x3FA0]  }
0x31: {  	[smem:$0x3FA9] =	sst s10  }
0x32: {  	s10 =	sld [smem:$0x3FA7];
	_ =	sdelay $0x3  }
0x33: {  	p0 =	seq.s32 s10, $0x1;
	s10 =	sld [smem:$0x3FA9];
	_ =	sdelay $0x3  }
0x34: {  	[smem:$0x3FA9] =	sst s10  }
0x35: {  	s10 =	sld [smem:$0x3FA8];
	_ =	sdelay $0x3  }
0x36: {  	p1 =	seq.s32 s10, $0x1;
	s10 =	sld [smem:$0x3FA9];
	_ =	sdelay $0x3  }
0x37: {  	[smem:$0x3FA9] =	sst s10  }
0x38: {  	s10 =	sld [smem:$0x3FAA]  }
0x39: {  	_ = 	snop;
	(pc) =	sbr.ind lr, $3  }
0x3a: {  	_ = 	snop  }
0x3b: {  	_ = 	snop  }
0x3c: {  	p2 =	seq.s32 s10, $0x1;
	s10 =	sld [smem:$0x3FA9]  }
0x3d: {  	_ =	shalt  }
0x3e: {  	_ =	shalt  }
0x3f: {  	_ =	shalt  }
0x40: {  	_ =	shalt  }
0x41: {  	_ =	shalt  }
0x42: {  	_ =	shalt  }
0x43: {  	_ =	shalt  }
0x44: {  	_ =	shalt  }
0x45: {  	_ =	shalt  }
0x46: {  	_ =	shalt  }
0x47: {  	_ =	shalt  }
0x48: {  	_ =	shalt  }
0x49: {  	_ =	shalt  }
0x4a: {  	_ =	shalt  }
0x4b: {  	_ =	shalt  }
0x4c: {  	_ =	shalt  }
0x4d: {  	_ =	shalt  }
0x4e: {  	_ =	shalt  }
0x4f: {  	_ =	shalt  }
0x50: {  	_ =	shalt  }
0x51: {  	_ =	shalt  }
0x52: {  	_ =	shalt  }
0x53: {  	_ =	shalt  }
0x54: {  	_ =	shalt  }
0x55: {  	_ =	shalt  }
0x56: {  	_ =	shalt  }
0x57: {  	_ =	shalt  }
0x58: {  	_ =	shalt  }
0x59: {  	_ =	shalt  }
0x5a: {  	_ =	shalt  }
0x5b: {  	_ =	shalt  }
0x5c: {  	_ =	shalt  }
0x5d: {  	_ =	shalt  }
0x5e: {  	_ =	shalt  }
0x5f: {  	_ =	shalt  }
0x60: {  	_ =	shalt  }
0x61: {  	_ =	shalt  }
0x62: {  	_ =	shalt  }
0x63: {  	_ =	shalt  }
0x64: {  	_ =	shalt  }
0x65: {  	_ =	shalt  }
0x66: {  	_ =	shalt  }
0x67: {  	_ =	shalt  }
0x68: {  	_ =	shalt  }
0x69: {  	_ =	shalt  }
0x6a: {  	_ =	shalt  }
0x6b: {  	_ =	shalt  }
0x6c: {  	_ =	shalt  }
0x6d: {  	_ =	shalt  }
0x6e: {  	_ =	shalt  }
0x6f: {  	_ =	shalt  }
0x70: {  	_ =	shalt  }
0x71: {  	_ =	shalt  }
0x72: {  	_ =	shalt  }
0x73: {  	_ =	shalt  }
0x74: {  	_ =	shalt  }
0x75: {  	_ =	shalt  }
0x76: {  	_ =	shalt  }
0x77: {  	_ =	shalt  }
0x78: {  	_ =	shalt  }
0x79: {  	_ =	shalt  }
0x7a: {  	_ =	shalt  }
0x7b: {  	_ =	shalt  }
0x7c: {  	_ =	shalt  }
0x7d: {  	_ =	shalt  }
0x7e: {  	_ =	shalt  }
0x7f: {  	_ =	shalt  }
0x80: {  	_ =	shalt  }
0x81: {  	_ =	shalt  }
0x82: {  	_ =	shalt  }
0x83: {  	_ =	shalt  }
0x84: {  	_ =	shalt  }
0x85: {  	_ =	shalt  }
0x86: {  	_ =	shalt  }
0x87: {  	_ =	shalt  }
.Lfunc_end0:
.L_simem_size_0:
called_computation.2_lowered:
.L_overlay_start_0:
0x88: {  	s2 =	sld [smem:$0x3FD9]  }
0x89: {  	s3 =	sld [smem:$0x3FFE];
	_ =	sdelay $0x1  }
0x8a: {  	s1 =	srdreg.scid  }
0x8b: {  	s0 =	sand.u32 $0x1, s1  }
0x8c: {  	s16 =	sshll.u32 s0, $0xA;
	s2 =	sadd.s32 s3, s2  }
0x8d: {  	s2 =	sadd.s32 s2, s16  }
0x8e: {  	[smem:$0x3FB5] =	sst s2  }
0x8f: {  	_ = 	snop  }
0x90: {  	(tm) =	ssettm $0x1  }
0x91: {  	s17 =	sld [smem:$0x3FFB];
	_ =	sdelay $0x3  }
0x92: {  	_ =	strace s17  }
0x93: {  	s2 =	sld [smem:$0x3FFC];
	_ =	sdelay $0x3  }
0x94: {  	_ =	strace s2  }
0x95: {  	s2 =	sld [smem:$0x3FFD];
	_ =	sdelay $0x3  }
0x96: {  	_ =	strace s2  }
0x97: {  	_ =	strace $0x8FFFFFFF  }
0x98: {  	s18 =	sld [smem:$0x3FDB];
	_ =	sdelay $0x1  }
0x99: {  	s19 =	simm.s32 $_scs_section_size  }
0x9a: {  	s4 =	simm.s32 $_size__tile_overlayer_lowered;
	s5 =	simm.s32 $_tile_overlayer_lowered  }
0x9b: {  	s22 =	simm.s32 $0x1BFF;
	s21 =	sshll.u32 s5, $0x1;
	s2 =	sadd.s32 s19, s18  }
0x9c: {  	s6 =	simm.s32 $0x0;
	s20 =	sshll.u32 s4, $0x1;
	s4 =	sadd.s32 s21, s2  }
0x9d: {  	[timem:s6], [sflag:s22] =	dma.local [hbm:s4], s20  }
0x9e: {  	_ =	swait.ge [sflag:s22], s20  }
0x9f: {  	s3 =	ssub.s32 $0x0, s20;
	[sflag:s22] =	ssyncset.done $0x0  }
0xa0: {  	[sflag:s22] =	ssyncadd.s32 s3;
	_ =	sdelay $0x1  }
0xa1: {  	s23 =	simm.s32 $0x1B8B  }
0xa2: {  	_ =	swait.ge [sflag:s23], $0x1  }
0xa3: {  	[sflag:s23] =	ssyncset.done $0x0  }
0xa4: {  	s25 =	simm.s32 $0x1B8E;
	s24 =	sld [smem:$0x3FFE];
	[sflag:s23] =	ssyncadd.s32 $0xFFFFFFFF  }
0xa5: {  	s26 =	simm.s32 $execute0_lowered;
	[smem:$0x3FD2] =	sst s25  }
0xa6: {  	s4 =	sshll.u32 s26, $0x1;
	_ =	strace $0x80000049;
	[dreg:$0x1] =	wrdreg $0xFFFFFFFF  }
0xa7: {  	s28 =	simm.s32 $_size_execute0_lowered;
	s2 =	sadd.s32 s2, s4;
	[dreg:$0x0] =	wrdreg $0x0  }
0xa8: {  	s4 =	sshll.u32 s28, $0x1;
	[dreg:$0x2] =	wrdreg s2  }
0xa9: {  	[dreg:$0x3] =	wrdreg s4  }
0xaa: {  	[dreg:$0x4] =	wrdreg $0xC0  }
0xab: {  	_ =	task [dreg:s6], $0x5FFFF  }
0xac: {  	[dreg:$0x1] =	wrdreg $0xFFFFFFFF  }
0xad: {  	[dreg:$0x0] =	wrdreg $0x60  }
0xae: {  	[dreg:$0x2] =	wrdreg s24  }
0xaf: {  	[dreg:$0x3] =	wrdreg $0x50800  }
0xb0: {  	[dreg:$0x4] =	wrdreg $0xA  }
0xb1: {  	_ =	task.clear_ibuf [dreg:s6], $0x5FFFF;
	_ =	strace $0x90000049  }
0xb2: {  	s29 =	simm.s32 $0xA;
	_ =	strace $0x8000004B  }
0xb3: {  	_ =	swait.ge [sflag:s29], $0x1  }
0xb4: {  	[sflag:s29] =	ssyncadd.s32 $0xFFFFFFFF  }
0xb5: {  	_ =	strace $0x9000004B  }
0xb6: {  	_ =	sfence  }
0xb7: {  	s30 =	sld [smem:$0x0];
	_ =	sdelay $0x2  }
0xb8: {  	s31 =	sshll.u32 s1, $0xD;
	s1 =	sshrl.u32 s1, $0x2  }
0xb9: {  	s3 =	sand.u32 $0x4000, s31;
	s1 =	sadd.s32 s1, s30  }
0xba: {  	s0 =	sor.u32 s3, s0;
	s1 =	sshll.u32 s1, $0x11  }
0xbb: {  	s0 =	sor.u32 s1, s0  }
0xbc: {  	s0 =	sadd.s32 $0x8F2B, s0  }
0xbd: {  	[sflag:s0] =	ssyncadd.remote.s32 $0x1  }
0xbe: {  	_ =	sfence.sel $0xFFFF  }
0xbf: {  	[dreg:$0x0] =	wrdreg $0xFFFFFFFF;
	(pc) =	sbr.abs _section_cstart, $3  }
0xc0: {  	[dreg:$0x1] =	wrdreg $0xFFFFFFFF  }
0xc1: {  	_ =	task.clear_ibuf [dreg:s6], $0x2FFFF;
	_ =	strace $0x9FFFFFFF  }
0xc2: {  	(tm) =	ssettm $0x7FFFFFFF  }
0xc3: {  	_ =	shalt  }
tec
execute0_lowered:
.L_overlay_start_1:
0x0: {  	(tag) =	ssettag $0x1  }
0x1: {  	s0 =	srdreg.scid  }
0x2: {  	s5 =	sand.u32 $0x1, s0  }
0x3: {  	s6 =	smul.u32 $0x271000, s5  }
0x4: {  	s0 =	stileid.u32;
	s7 =	smul.u32 $0x27100, s5  }
0x5: {  	s8 =	smul.u32 $0x2710, s0  }
0x6: {  	s29 =	smul.u32 $0xA000, s0  }
0x7: {  	s9 =	sor.u32 $0x10, s0;
	s25 =	smul.u32 $0x500, s0  }
0x8: {  	s11 =	sor.u32 $0x20, s0;
	s10 =	smul.u32 $0xA000, s9  }
0x9: {  	s13 =	sor.u32 $0x30, s0;
	s30 =	smul.u32 $0xA000, s11  }
0xa: {  	s16 =	sor.u32 $0x40, s0;
	s15 =	smul.u32 $0xA000, s13  }
0xb: {  	s4 =	rddreg [dreg:$0x0];
	s18 =	sor.u32 $0x50, s0;
	s17 =	smul.u32 $0xA000, s16  }
0xc: {  	s1 =	rddreg [dreg:$0x1];
	s20 =	sor.u32 $0x60, s0;
	s19 =	smul.u32 $0xA000, s18  }
0xd: {  	s3 =	simm.s32 $0x0;
	s22 =	sor.u32 $0x70, s0;
	s21 =	smul.u32 $0xA000, s20  }
0xe: {  	[smem:$0x7FF] =	sst s3;
	s5 =	ssub.s32 $0x2, s5;
	s23 =	smul.u32 $0xA000, s22  }
0xf: {  	_ =	strace $0x8000004A;
	s31 =	sshrl.u32 s5, $0x1;
	s28 =	smul.u32 $0x500, s11  }
0x10: {  	p0 =	sgt.u32 s22, $0x7C;
	s12 =	sadd.s32 s6, s4;
	s26 =	sadd.s32 s8, s7  }
0x11: {  	s5 =	ssub.s32 s5, s31;
	s2 =	sshrl.u32 s29, $0x2;
	s29 =	smul.u32 $0x500, s13  }
0x12: {  	s31 =	smul.u32 $0x500, s18;
	s6 =	sshrl.u32 s26, $0x3;
	s8 =	sshrl.u32 s10, $0x2  }
0x13: {  	s10 =	sshrl.u32 s30, $0x2;
	s26 =	smul.u32 $0x500, s9;
	s11 =	sshrl.u32 s15, $0x2  }
0x14: {  	s15 =	sshrl.u32 s17, $0x2;
	s30 =	smul.u32 $0x500, s16;
	s17 =	sshrl.u32 s19, $0x2  }
0x15: {  	s19 =	sshrl.u32 s21, $0x2;
	s21 =	smul.u32 $0x27100, s0;
	s0 =	sshrl.u32 s23, $0x2  }
0x16: {  	s16 =	simm.s32 $0x1;
	s14 =	sadd.s32 s6, s4;
	s4 =	sadd.s32 s7, s4  }
0x17: {  	s6 =	sadd.s32 s8, s1;
	s7 =	sadd.s32 s10, s1;
	s8 =	sadd.s32 s11, s1  }
0x18: {  	s9 =	sadd.s32 s15, s1;
	s10 =	sadd.s32 s17, s1;
	s11 =	sadd.s32 s19, s1  }
0x19: {  	s15 =	simm.s32 $0x2880;
	s24 =	sadd.s32 $0x19000, s4;
	s4 =	smax.u32 s5, $0x1  }
0x1a: {  	s5 =	sadd.s32 s2, s1;
	s2 =	smul.u32 $0x500, s20;
	s13 =	sadd.s32 s21, s12  }
0x1b: {  	s12 =	sadd.s32 s0, s1;
	s0 =	smul.u32 $0x500, s22;
	s14 =	sadd.s32 $0xF200, s14  }
0x1c: {  	s13 =	sadd.s32 $0xF34400, s13;
	s17 =	sadd.s32 s25, s24;
	s18 =	sadd.s32 s26, s24  }
0x1d: {  	s19 =	sadd.s32 s28, s24;
	s20 =	sadd.s32 s29, s24;
	s21 =	sadd.s32 s30, s24  }
0x1e: {  	s22 =	sadd.s32 s31, s24;
	s25 =	simm.s32 $0x80;
	s26 =	simm.s32 $0x50  }
0x1f: {  	v0 =	vimm.f32 $0.0e+00;
	s28 =	simm.s32 $0x0;
	s23 =	sadd.s32 s2, s24;
	s24 =	sadd.s32 @!p0 s0, s24  }
.LBB2_1:
0x20: {  	s29 =	simm.s32 $0x200;
	s30 =	simm.s32 $0x0  }
.LBB2_2:
0x21: {  	p1 =	sne.s32 s29, $0x9E00;
	[tilespmem:s30+$0x2880] =	vst v0;
	s0 =	smov.u32 s29;
	s29 =	sadd.s32 $0x200, s29  }
.Ltmp0:
0x22: {  	(pc) =	sbr.rel @p1 .LBB2_2-.Ltmp0, $2  }
0x23: {  	_ =	sdelay $0x2  }
0x24: {  	s30 =	sshra.s32 s0, $0x2  }
0x25: {  	[tilespmem:s30+$0x2880] =	vst v0  }
0x26: {  	[spmem:s5] =	stream.linear.scatter [tilespmem:s15], [sflag:$0x1], $0x2800, $0x38;
	[tilespmem:$0x7790] =	vst v63  }
0x27: {  	_ =	swait.ge [sflag:s16], $0x2800  }
0x28: {  	[sflag:s16] =	ssyncset.done $0x0  }
0x29: {  	[sflag:s16] =	ssyncadd.s32 $0xFFFFD800  }
0x2a: {  	[spmem:s6] =	stream.linear.scatter [tilespmem:s15], [sflag:$0x1], $0x2800, $0x38;
	[tilespmem:$0x7790] =	vst v63  }
0x2b: {  	_ =	swait.ge [sflag:s16], $0x2800  }
0x2c: {  	[sflag:s16] =	ssyncset.done $0x0  }
0x2d: {  	[sflag:s16] =	ssyncadd.s32 $0xFFFFD800  }
0x2e: {  	[spmem:s7] =	stream.linear.scatter [tilespmem:s15], [sflag:$0x1], $0x2800, $0x38;
	[tilespmem:$0x7790] =	vst v63  }
0x2f: {  	_ =	swait.ge [sflag:s16], $0x2800  }
0x30: {  	[sflag:s16] =	ssyncset.done $0x0  }
0x31: {  	[sflag:s16] =	ssyncadd.s32 $0xFFFFD800  }
0x32: {  	[spmem:s8] =	stream.linear.scatter [tilespmem:s15], [sflag:$0x1], $0x2800, $0x38;
	[tilespmem:$0x7790] =	vst v63  }
0x33: {  	_ =	swait.ge [sflag:s16], $0x2800  }
0x34: {  	[sflag:s16] =	ssyncset.done $0x0  }
0x35: {  	[sflag:s16] =	ssyncadd.s32 $0xFFFFD800  }
0x36: {  	[spmem:s9] =	stream.linear.scatter [tilespmem:s15], [sflag:$0x1], $0x2800, $0x38;
	[tilespmem:$0x7790] =	vst v63  }
0x37: {  	_ =	swait.ge [sflag:s16], $0x2800  }
0x38: {  	[sflag:s16] =	ssyncset.done $0x0  }
0x39: {  	[sflag:s16] =	ssyncadd.s32 $0xFFFFD800  }
0x3a: {  	[spmem:s10] =	stream.linear.scatter [tilespmem:s15], [sflag:$0x1], $0x2800, $0x38;
	[tilespmem:$0x7790] =	vst v63  }
0x3b: {  	_ =	swait.ge [sflag:s16], $0x2800  }
0x3c: {  	[sflag:s16] =	ssyncset.done $0x0  }
0x3d: {  	[sflag:s16] =	ssyncadd.s32 $0xFFFFD800  }
0x3e: {  	[spmem:s11] =	stream.linear.scatter [tilespmem:s15], [sflag:$0x1], $0x2800, $0x38;
	[tilespmem:$0x7790] =	vst v63  }
0x3f: {  	_ =	swait.ge [sflag:s16], $0x2800  }
0x40: {  	[sflag:s16] =	ssyncset.done $0x0  }
0x41: {  	s0 =	simm.s32 @!p0 $0x2880;
	[sflag:s16] =	ssyncadd.s32 $0xFFFFD800  }
0x42: {  	[spmem:s12] =	stream.linear.scatter @!p0 [tilespmem:s0], [sflag:$0x1], $0x2800, $0x38;
	[tilespmem:$0x7790] =	vst v63  }
0x43: {  	s0 =	simm.s32 @!p0 $0x1  }
0x44: {  	_ =	swait.ge @!p0 [sflag:s0], $0x2800  }
0x45: {  	[sflag:s0] =	ssyncset.done @!p0 $0x0  }
0x46: {  	[sflag:s0] =	ssyncadd.s32 @!p0 $0xFFFFD800  }
0x47: {  	s2 =	sadd.s32 $0x0, s14;
	[bflag:$0x0] =	sbarrier.arrive $0xFFFF  }
0x48: {  	[tilespmem:s3], [sflag:$0x1] =	stream.linear.gather [hbm4b:s2+s3], $0x50, $0x38;
	[tilespmem:$0x7790] =	vst v63  }
0x49: {  	_ =	swait.ge [sflag:s16], $0x50  }
0x4a: {  	[sflag:s16] =	ssyncset.done $0x0  }
0x4b: {  	[sflag:s16] =	ssyncadd.s32 $0xFFFFFFB0  }
0x4c: {  	[tilespmem:s25], [sflag:$0x1] =	stream.linear.gather [hbm4b:s13+s3], $0x2800, $0x38;
	[tilespmem:$0x7790] =	vst v63  }
0x4d: {  	_ =	swait.ge [sflag:s16], $0x2800  }
0x4e: {  	[sflag:s16] =	ssyncset.done $0x0  }
0x4f: {  	[sflag:s16] =	ssyncadd.s32 $0xFFFFD800  }
0x50: {  	[spmem:s1] =	stream.indirect.scatter.add.f32 [tilespmem:s25], [sflag:$0x1], $0x10, s3, s26, $0xb8;
	[tilespmem:$0x7790] =	vst v63  }
0x51: {  	s30 =	simm.s32 $0xA;
	_ =	swait.ge [sflag:s16], $0x500  }
0x52: {  	s31 =	simm.s32 $0x14;
	s29 =	sadd.s32 $0x500, s13;
	[sflag:s16] =	ssyncset.done $0x0  }
.LBB2_4:
0x53: {  	s0 =	sadd.s32 s30, s14  }
0x54: {  	[sflag:s16] =	ssyncadd.s32 $0xFFFFFB00;
	s30 =	smov.u32 s31;
	s2 =	sadd.s32 $0xA, s31  }
0x55: {  	[tilespmem:s3], [sflag:$0x1] =	stream.linear.gather [hbm4b:s0+s3], $0x50, $0x38;
	[tilespmem:$0x7790] =	vst v63  }
0x56: {  	p1 =	sne.s32 s31, $0x4D8;
	_ =	swait.ge [sflag:s16], $0x50  }
0x57: {  	[sflag:s16] =	ssyncset.done $0x0  }
0x58: {  	[sflag:s16] =	ssyncadd.s32 $0xFFFFFFB0  }
0x59: {  	[tilespmem:s25], [sflag:$0x1] =	stream.linear.gather [hbm4b:s29+s3], $0x2800, $0x38;
	[tilespmem:$0x7790] =	vst v63  }
0x5a: {  	_ =	swait.ge [sflag:s16], $0x2800  }
.Ltmp1:
0x5b: {  	[sflag:s16] =	ssyncset.done $0x0;
	(pc) =	sbr.rel @p1 .LBB2_4-.Ltmp1, $4  }
0x5c: {  	[sflag:s16] =	ssyncadd.s32 $0xFFFFD800  }
0x5d: {  	[spmem:s1] =	stream.indirect.scatter.add.f32 [tilespmem:s25], [sflag:$0x1], $0x10, s3, s26, $0xb8;
	[tilespmem:$0x7790] =	vst v63  }
0x5e: {  	_ =	swait.ge [sflag:s16], $0x500  }
0x5f: {  	s31 =	smov.u32 s2;
	s29 =	sadd.s32 $0x500, s29;
	[sflag:s16] =	ssyncset.done $0x0  }
0x60: {  	s0 =	sadd.s32 s30, s14;
	[sflag:s16] =	ssyncadd.s32 $0xFFFFFB00  }
0x61: {  	[tilespmem:s3], [sflag:$0x1] =	stream.linear.gather [hbm4b:s0+s3], $0x50, $0x38;
	[tilespmem:$0x7790] =	vst v63  }
0x62: {  	_ =	swait.ge [sflag:s16], $0x50  }
0x63: {  	[sflag:s16] =	ssyncset.done $0x0  }
0x64: {  	[sflag:s16] =	ssyncadd.s32 $0xFFFFFFB0  }
0x65: {  	[tilespmem:s25], [sflag:$0x1] =	stream.linear.gather [hbm4b:s29+s3], $0x2800, $0x38;
	[tilespmem:$0x7790] =	vst v63  }
0x66: {  	_ =	swait.ge [sflag:s16], $0x2800  }
0x67: {  	[sflag:s16] =	ssyncset.done $0x0  }
0x68: {  	[sflag:s16] =	ssyncadd.s32 $0xFFFFD800  }
0x69: {  	[spmem:s1] =	stream.indirect.scatter.add.f32 [tilespmem:s25], [sflag:$0x1], $0x10, s3, s26, $0xb8;
	[tilespmem:$0x7790] =	vst v63  }
0x6a: {  	_ =	swait.ge [sflag:s16], $0x500  }
0x6b: {  	s2 =	stileid.u32;
	[sflag:s16] =	ssyncset.done $0x0  }
0x6c: {  	s0 =	sshll.u32 s2, $0x6;
	[sflag:s16] =	ssyncadd.s32 $0xFFFFFB00  }
0x6d: {  	s2 =	sshrl.u32 s5, $0x3;
	s0 =	sor.u32 $0x1C01, s0;
	[bflag:$0x0] =	sbarrier.arrive $0xFFFF  }
0x6e: {  	[hbm:s17], [sflag:s0] =	dma.local [spmem:s2], $0x500  }
0x6f: {  	_ =	swait.ge [sflag:s16], $0x500  }
0x70: {  	[sflag:s16] =	ssyncset.done $0x0  }
0x71: {  	s29 =	sshrl.u32 s6, $0x3;
	[sflag:s16] =	ssyncadd.s32 $0xFFFFFB00  }
0x72: {  	[hbm:s18], [sflag:s0] =	dma.local [spmem:s29], $0x500  }
0x73: {  	_ =	swait.ge [sflag:s16], $0x500  }
0x74: {  	[sflag:s16] =	ssyncset.done $0x0  }
0x75: {  	s30 =	sshrl.u32 s7, $0x3;
	[sflag:s16] =	ssyncadd.s32 $0xFFFFFB00  }
0x76: {  	[hbm:s19], [sflag:s0] =	dma.local [spmem:s30], $0x500  }
0x77: {  	_ =	swait.ge [sflag:s16], $0x500  }
0x78: {  	[sflag:s16] =	ssyncset.done $0x0  }
0x79: {  	s31 =	sshrl.u32 s8, $0x3;
	[sflag:s16] =	ssyncadd.s32 $0xFFFFFB00  }
0x7a: {  	[hbm:s20], [sflag:s0] =	dma.local [spmem:s31], $0x500  }
0x7b: {  	_ =	swait.ge [sflag:s16], $0x500  }
0x7c: {  	[sflag:s16] =	ssyncset.done $0x0  }
0x7d: {  	s29 =	sshrl.u32 s9, $0x3;
	[sflag:s16] =	ssyncadd.s32 $0xFFFFFB00  }
0x7e: {  	[hbm:s21], [sflag:s0] =	dma.local [spmem:s29], $0x500  }
0x7f: {  	_ =	swait.ge [sflag:s16], $0x500  }
0x80: {  	[sflag:s16] =	ssyncset.done $0x0  }
0x81: {  	s30 =	sshrl.u32 s10, $0x3;
	[sflag:s16] =	ssyncadd.s32 $0xFFFFFB00  }
0x82: {  	[hbm:s22], [sflag:s0] =	dma.local [spmem:s30], $0x500  }
0x83: {  	_ =	swait.ge [sflag:s16], $0x500  }
0x84: {  	[sflag:s16] =	ssyncset.done $0x0  }
0x85: {  	s31 =	sshrl.u32 s11, $0x3;
	[sflag:s16] =	ssyncadd.s32 $0xFFFFFB00  }
0x86: {  	[hbm:s23], [sflag:s0] =	dma.local [spmem:s31], $0x500  }
0x87: {  	_ =	swait.ge [sflag:s16], $0x500  }
0x88: {  	s28 =	sadd.s32 $0x1, s28;
	[sflag:s16] =	ssyncset.done $0x0  }
0x89: {  	p1 =	sne.s32 s28, s4;
	s2 =	sshrl.u32 @!p0 s12, $0x3;
	[sflag:s16] =	ssyncadd.s32 $0xFFFFFB00  }
0x8a: {  	[hbm:s24], [sflag:s0] =	dma.local @!p0 [spmem:s2], $0x500  }
.Ltmp2:
0x8b: {  	_ = 	snop;
	(pc) =	sbr.rel @p1 .LBB2_1-.Ltmp2, $4  }
0x8c: {  	s0 =	simm.s32 @!p0 $0x1  }
0x8d: {  	_ =	swait.ge @!p0 [sflag:s0], $0x500  }
0x8e: {  	[sflag:s0] =	ssyncset.done @!p0 $0x0  }
0x8f: {  	[sflag:s0] =	ssyncadd.s32 @!p0 $0xFFFFFB00  }
0x90: {  	_ =	sfence.sel $0x180000  }
0x91: {  	[bflag:$0x0] =	sbarrier.arrive $0xFFFF  }
0x92: {  	_ =	strace $0x9000004A  }
0x93: {  	s0 =	stileid.u32;
	[bflag:$0x2] =	sbarrier.arrive $0xFFFF  }
0x94: {  	p0 =	sne.s32 s0, $0x0;
	s0 =	rddreg [dreg:$0x2]  }
0x95: {  	s0 =	sadd.s32 @!p0 $0x100000, s0  }
0x96: {  	[sflag:s0] =	ssyncadd.tile.s32 @!p0 $0x1;
	_ =	shalt  }
.Lfunc_end2:
_tile_overlayer_lowered:
.L_overlay_start_2:
0x97: {  	(tag) =	ssettag $0x2  }
0x98: {  	s0 =	rddreg [dreg:$0x0];
	s2 =	stileid.u32  }
0x99: {  	s1 =	rddreg [dreg:$0x1];
	p0 =	sne.s32 s2, $0x0  }
0x9a: {  	s3 =	rddreg [dreg:$0x2];
	[bflag:$0x3] =	sbarrier.arrive $0xFFFF;
	s2 =	simm.s32 @!p0 $0x1C01  }
0x9b: {  	[timem:s3], [sflag:s2] =	dma.local @!p0 [hbm:s0], s1  }
0x9c: {  	s0 =	simm.s32 @!p0 $0x1  }
0x9d: {  	_ =	swait.ge @!p0 [sflag:s0], s1  }
0x9e: {  	s1 =	ssub.s32 @!p0 $0x0, s1;
	[sflag:s0] =	ssyncset.done @!p0 $0x0  }
0x9f: {  	[sflag:s0] =	ssyncadd.s32 @!p0 s1  }
0xa0: {  	[bflag:$0x3] =	sbarrier.arrive $0xFFFF  }
0xa1: {  	_ =	shalt  }

// kernel: kernel.23.cloned.1.call-start
scs
__scs_entry_jumppad:
0x0: {  	(pc) =	sbr.rel $0x88, $3  }
0x1: {  	(tag) =	ssettag $0x0;
	lr =	simm.s32 $0x1  }
0x2: {  	[smem:$0x3F8E] =	sst lr;
	_ =	strace $0xD0000000  }
0x3: {  	_ = 	snop  }
0x4: {  	_ = 	snop  }
0x5: {  	_ = 	snop  }
0x6: {  	_ = 	snop  }
0x7: {  	_ = 	snop  }
__scs_overlays_trampoline_lowered:
0x8: {  	[smem:$0x3F9D] =	sst s0  }
0x9: {  	[smem:$0x3F9E] =	sst s1  }
0xa: {  	[smem:$0x3F9F] =	sst s2  }
0xb: {  	[smem:$0x3FA0] =	sst s3  }
0xc: {  	[smem:$0x3FA1] =	sst s4  }
0xd: {  	[smem:$0x3FA2] =	sst s5  }
0xe: {  	[smem:$0x3FA3] =	sst s6  }
0xf: {  	[smem:$0x3FA4] =	sst s7  }
0x10: {  	[smem:$0x3FA5] =	sst s8  }
0x11: {  	[smem:$0x3FA6] =	sst s9;
	s0 =	simm.s32 @!p0 $0x0  }
0x12: {  	s1 =	sld [smem:$0x3F8C];
	s0 =	simm.s32 @p0 $0x1  }
0x13: {  	[smem:$0x3FA7] =	sst s0;
	s0 =	simm.s32 @!p1 $0x0  }
0x14: {  	s2 =	sld [smem:$0x3F8B];
	s0 =	simm.s32 @p1 $0x1  }
0x15: {  	[smem:$0x3FA8] =	sst s0;
	s0 =	simm.s32 @!p2 $0x0  }
0x16: {  	s3 =	sld [smem:$0x3FDB];
	s0 =	simm.s32 @p2 $0x1  }
0x17: {  	s4 =	simm.s32 $0x1BF5;
	[smem:$0x3FAA] =	sst s0  }
0x18: {  	s0 =	sld [smem:$0x3F8D];
	_ =	swait.ge [sflag:s4], $0x0  }
0x19: {  	s7 =	sld [smem:$0x3F8E]  }
0x1a: {  	s8 =	sadd.s32 $0xFFFFE003, lr  }
0x1b: {  	s9 =	sadd.s32 $0xFFFFFEF7, lr;
	s5 =	simm.s32 $0xFFFFFFFF;
	p2 =	slt.u32 s8, $0xFFFFF086  }
0x1c: {  	p1 =	slt.u32 s9, $0xF7A;
	s5 =	simm.s32 @!p2 $0x0  }
0x1d: {  	s5 =	simm.s32 @p1 $0x1;
	p0 =	seq.s32 s7, s2  }
0x1e: {  	s7 =	smul.u32 @!p0 $0xF7A, s2;
	p2 =	seq.s32 @!p0 s5, $0x0  }
0x1f: {  	s9 =	smul.u32 $0xF7A, s1;
	s8 =	simm.s32 @!p0 $0x1BF5;
	p2 =	por !p2, p0  }
0x20: {  	[sflag:s8] =	ssyncset.s32 @!p0 $0xFFFFF086;
	s6 =	sadd.s32 @!p0 s3, s7;
	s7 =	simm.s32 @!p0 $0x108  }
0x21: {  	s3 =	sadd.s32 s3, s9;
	s6 =	sadd.s32 @!p0 $0x88, s6;
	s7 =	simm.s32 @p2 $0x1082  }
0x22: {  	[simem:s7], [sflag:s8] =	dma.local @!p0 [hbm:s6], $0xF7A  }
0x23: {  	s9 =	sor.u32 $0xD0000000, s2;
	s6 =	simm.s32 $0x108;
	_ =	swait.ge @!p0 [sflag:s8], $0x0  }
0x24: {  	s3 =	sadd.s32 $0x88, s3;
	s6 =	simm.s32 @!p1 $0x1082;
	[sflag:s4] =	ssyncset.s32 $0xFFFFF086  }
0x25: {  	[simem:s6], [sflag:s4] =	dma.local [hbm:s3], $0xF7A  }
0x26: {  	[smem:$0x3F8E] =	sst s1;
	(tag) =	ssettag s2;
	_ =	strace s9  }
0x27: {  	s1 =	sld [smem:$0x3F9E]  }
0x28: {  	s2 =	sld [smem:$0x3F9F]  }
0x29: {  	s4 =	sld [smem:$0x3FA1]  }
0x2a: {  	p0 =	seq.s32 s5, $0x0;
	s5 =	sld [smem:$0x3FA2]  }
0x2b: {  	s6 =	sld [smem:$0x3FA3]  }
0x2c: {  	s7 =	sld [smem:$0x3FA4]  }
0x2d: {  	s3 =	simm.s32 $0x108;
	s8 =	sld [smem:$0x3FA5]  }
0x2e: {  	s3 =	simm.s32 @!p0 $0x1082;
	s9 =	sld [smem:$0x3FA6]  }
0x2f: {  	lr =	sadd.s32 s0, s3;
	s0 =	sld [smem:$0x3F9D]  }
0x30: {  	s3 =	sld [smem:$0x3FA0]  }
0x31: {  	[smem:$0x3FA9] =	sst s10  }
0x32: {  	s10 =	sld [smem:$0x3FA7];
	_ =	sdelay $0x3  }
0x33: {  	p0 =	seq.s32 s10, $0x1;
	s10 =	sld [smem:$0x3FA9];
	_ =	sdelay $0x3  }
0x34: {  	[smem:$0x3FA9] =	sst s10  }
0x35: {  	s10 =	sld [smem:$0x3FA8];
	_ =	sdelay $0x3  }
0x36: {  	p1 =	seq.s32 s10, $0x1;
	s10 =	sld [smem:$0x3FA9];
	_ =	sdelay $0x3  }
0x37: {  	[smem:$0x3FA9] =	sst s10  }
0x38: {  	s10 =	sld [smem:$0x3FAA]  }
0x39: {  	_ = 	snop;
	(pc) =	sbr.ind lr, $3  }
0x3a: {  	_ = 	snop  }
0x3b: {  	_ = 	snop  }
0x3c: {  	p2 =	seq.s32 s10, $0x1;
	s10 =	sld [smem:$0x3FA9]  }
0x3d: {  	_ =	shalt  }
0x3e: {  	_ =	shalt  }
0x3f: {  	_ =	shalt  }
0x40: {  	_ =	shalt  }
0x41: {  	_ =	shalt  }
0x42: {  	_ =	shalt  }
0x43: {  	_ =	shalt  }
0x44: {  	_ =	shalt  }
0x45: {  	_ =	shalt  }
0x46: {  	_ =	shalt  }
0x47: {  	_ =	shalt  }
0x48: {  	_ =	shalt  }
0x49: {  	_ =	shalt  }
0x4a: {  	_ =	shalt  }
0x4b: {  	_ =	shalt  }
0x4c: {  	_ =	shalt  }
0x4d: {  	_ =	shalt  }
0x4e: {  	_ =	shalt  }
0x4f: {  	_ =	shalt  }
0x50: {  	_ =	shalt  }
0x51: {  	_ =	shalt  }
0x52: {  	_ =	shalt  }
0x53: {  	_ =	shalt  }
0x54: {  	_ =	shalt  }
0x55: {  	_ =	shalt  }
0x56: {  	_ =	shalt  }
0x57: {  	_ =	shalt  }
0x58: {  	_ =	shalt  }
0x59: {  	_ =	shalt  }
0x5a: {  	_ =	shalt  }
0x5b: {  	_ =	shalt  }
0x5c: {  	_ =	shalt  }
0x5d: {  	_ =	shalt  }
0x5e: {  	_ =	shalt  }
0x5f: {  	_ =	shalt  }
0x60: {  	_ =	shalt  }
0x61: {  	_ =	shalt  }
0x62: {  	_ =	shalt  }
0x63: {  	_ =	shalt  }
0x64: {  	_ =	shalt  }
0x65: {  	_ =	shalt  }
0x66: {  	_ =	shalt  }
0x67: {  	_ =	shalt  }
0x68: {  	_ =	shalt  }
0x69: {  	_ =	shalt  }
0x6a: {  	_ =	shalt  }
0x6b: {  	_ =	shalt  }
0x6c: {  	_ =	shalt  }
0x6d: {  	_ =	shalt  }
0x6e: {  	_ =	shalt  }
0x6f: {  	_ =	shalt  }
0x70: {  	_ =	shalt  }
0x71: {  	_ =	shalt  }
0x72: {  	_ =	shalt  }
0x73: {  	_ =	shalt  }
0x74: {  	_ =	shalt  }
0x75: {  	_ =	shalt  }
0x76: {  	_ =	shalt  }
0x77: {  	_ =	shalt  }
0x78: {  	_ =	shalt  }
0x79: {  	_ =	shalt  }
0x7a: {  	_ =	shalt  }
0x7b: {  	_ =	shalt  }
0x7c: {  	_ =	shalt  }
0x7d: {  	_ =	shalt  }
0x7e: {  	_ =	shalt  }
0x7f: {  	_ =	shalt  }
0x80: {  	_ =	shalt  }
0x81: {  	_ =	shalt  }
0x82: {  	_ =	shalt  }
0x83: {  	_ =	shalt  }
0x84: {  	_ =	shalt  }
0x85: {  	_ =	shalt  }
0x86: {  	_ =	shalt  }
0x87: {  	_ =	shalt  }
.Lfunc_end0:
.L_simem_size_0:
called_computation.3_lowered:
.L_overlay_start_0:
0x88: {  	s2 =	sld [smem:$0x3FD9]  }
0x89: {  	s3 =	sld [smem:$0x3FFE];
	_ =	sdelay $0x1  }
0x8a: {  	s1 =	srdreg.scid  }
0x8b: {  	s0 =	sand.u32 $0x1, s1  }
0x8c: {  	s17 =	sshll.u32 s0, $0xA;
	s2 =	sadd.s32 s3, s2  }
0x8d: {  	s2 =	sadd.s32 s2, s17  }
0x8e: {  	[smem:$0x3FB5] =	sst s2  }
0x8f: {  	_ = 	snop  }
0x90: {  	s2 =	sld [smem:$0x3FD0];
	(tm) =	ssettm $0x1  }
0x91: {  	s18 =	sld [smem:$0x3FFB];
	_ =	sdelay $0x3  }
0x92: {  	_ =	strace s18  }
0x93: {  	s3 =	sld [smem:$0x3FFC];
	_ =	sdelay $0x3  }
0x94: {  	_ =	strace s3  }
0x95: {  	s3 =	sld [smem:$0x3FFD];
	_ =	sdelay $0x3  }
0x96: {  	_ =	strace s3  }
0x97: {  	_ =	strace $0x8FFFFFFF  }
0x98: {  	s19 =	sld [smem:$0x3FDB];
	_ =	sdelay $0x1  }
0x99: {  	s4 =	simm.s32 $_scs_section_size  }
0x9a: {  	s5 =	simm.s32 $_size__tile_overlayer_lowered;
	s6 =	simm.s32 $_tile_overlayer_lowered  }
0x9b: {  	s22 =	simm.s32 $0x1BFF;
	s21 =	sshll.u32 s6, $0x1;
	s3 =	sadd.s32 s4, s19  }
0x9c: {  	s7 =	simm.s32 $0x0;
	s20 =	sshll.u32 s5, $0x1;
	s5 =	sadd.s32 s21, s3  }
0x9d: {  	[timem:s7], [sflag:s22] =	dma.local [hbm:s5], s20  }
0x9e: {  	_ =	swait.ge [sflag:s22], s20  }
0x9f: {  	s4 =	ssub.s32 $0x0, s20;
	[sflag:s22] =	ssyncset.done $0x0  }
0xa0: {  	[sflag:s22] =	ssyncadd.s32 s4;
	_ =	sdelay $0x1  }
0xa1: {  	s23 =	simm.s32 $0x1B8B  }
0xa2: {  	_ =	swait.ge [sflag:s23], $0x1  }
0xa3: {  	[sflag:s23] =	ssyncset.done $0x0  }
0xa4: {  	s25 =	simm.s32 $0x1B8E;
	s24 =	sld [smem:$0x3FFE];
	[sflag:s23] =	ssyncadd.s32 $0xFFFFFFFF  }
0xa5: {  	s26 =	simm.s32 $execute0_lowered;
	[smem:$0x3FD2] =	sst s25  }
0xa6: {  	s5 =	sshll.u32 s26, $0x1;
	_ =	strace $0x8000004F;
	[dreg:$0x1] =	wrdreg $0xFFFFFFFF  }
0xa7: {  	s28 =	simm.s32 $_size_execute0_lowered;
	s3 =	sadd.s32 s3, s5;
	[dreg:$0x0] =	wrdreg $0x0  }
0xa8: {  	s5 =	sshll.u32 s28, $0x1;
	[dreg:$0x2] =	wrdreg s3  }
0xa9: {  	[dreg:$0x3] =	wrdreg s5  }
0xaa: {  	[dreg:$0x4] =	wrdreg $0xC0  }
0xab: {  	_ =	task [dreg:s7], $0x5FFFF  }
0xac: {  	[dreg:$0x1] =	wrdreg $0xFFFFFFFF  }
0xad: {  	[dreg:$0x0] =	wrdreg $0x60  }
0xae: {  	[dreg:$0x2] =	wrdreg s2  }
0xaf: {  	[dreg:$0x3] =	wrdreg s24  }
0xb0: {  	[dreg:$0x4] =	wrdreg $0x9  }
0xb1: {  	_ =	task.clear_ibuf [dreg:s7], $0x5FFFF;
	_ =	strace $0x9000004F  }
0xb2: {  	s29 =	simm.s32 $0x9;
	_ =	strace $0x80000051  }
0xb3: {  	_ =	swait.ge [sflag:s29], $0x1  }
0xb4: {  	[sflag:s29] =	ssyncadd.s32 $0xFFFFFFFF  }
0xb5: {  	_ =	strace $0x90000051  }
0xb6: {  	_ =	sfence  }
0xb7: {  	s30 =	sld [smem:$0x0];
	_ =	sdelay $0x2  }
0xb8: {  	s31 =	sshll.u32 s1, $0xD;
	s1 =	sshrl.u32 s1, $0x2  }
0xb9: {  	s3 =	sand.u32 $0x4000, s31;
	s1 =	sadd.s32 s1, s30  }
0xba: {  	s0 =	sor.u32 s3, s0;
	s1 =	sshll.u32 s1, $0x11  }
0xbb: {  	s0 =	sor.u32 s1, s0  }
0xbc: {  	s0 =	sadd.s32 $0x8F2B, s0  }
0xbd: {  	[sflag:s0] =	ssyncadd.remote.s32 $0x1  }
0xbe: {  	_ =	sfence.sel $0xFFFF  }
0xbf: {  	[dreg:$0x0] =	wrdreg $0xFFFFFFFF;
	(pc) =	sbr.abs _section_cstart, $3  }
0xc0: {  	[dreg:$0x1] =	wrdreg $0xFFFFFFFF  }
0xc1: {  	_ =	task.clear_ibuf [dreg:s7], $0x2FFFF;
	_ =	strace $0x9FFFFFFF  }
0xc2: {  	(tm) =	ssettm $0x7FFFFFFF  }
0xc3: {  	_ =	shalt  }
tec
execute0_lowered:
.L_overlay_start_1:
0x0: {  	(tag) =	ssettag $0x1  }
0x1: {  	s2 =	rddreg [dreg:$0x0];
	s0 =	srdreg.scid  }
0x2: {  	s5 =	rddreg [dreg:$0x1];
	s1 =	stileid.u32  }
0x3: {  	s3 =	simm.s32 $0x0;
	s13 =	simm.s32 $0x100;
	s14 =	simm.s32 $0x2900  }
0x4: {  	s15 =	simm.s32 $0x3100;
	s16 =	simm.s32 $0x3900;
	s17 =	simm.s32 $0x4100  }
0x5: {  	s18 =	simm.s32 $0x4900;
	s19 =	simm.s32 $0x5100;
	s7 =	smul.u32 $0x2710, s1  }
0x6: {  	s20 =	simm.s32 $0x5900;
	s21 =	simm.s32 $0x6100;
	s28 =	smul.u32 $0x4E200, s1  }
0x7: {  	s22 =	simm.s32 $0x6900;
	s6 =	sand.u32 $0x1, s0;
	s12 =	smul.u32 $0x27100, s1  }
0x8: {  	s23 =	simm.s32 $0x7100;
	s0 =	rddreg [dreg:$0x2];
	s4 =	smul.u32 $0x27100, s6  }
0x9: {  	s24 =	simm.s32 $0x0;
	[smem:$0x7FF] =	sst s3;
	s8 =	smul.u32 $0x271000, s6  }
0xa: {  	_ =	strace $0x80000050;
	s9 =	smul.u32 $0x4E2000, s6;
	s6 =	ssub.s32 $0x2, s6  }
0xb: {  	s11 =	sshrl.u32 s6, $0x1;
	s7 =	sadd.s32 s7, s4;
	s4 =	sadd.s32 $0x19000, s5  }
0xc: {  	s9 =	sadd.s32 s9, s5;
	s8 =	sadd.s32 s8, s5;
	s29 =	ssub.s32 s6, s11  }
0xd: {  	s11 =	simm.s32 $0x80;
	s7 =	sshrl.u32 s7, $0x3;
	s30 =	sadd.s32 s28, s9  }
0xe: {  	v2 =	vlaneseq.u32;
	s31 =	sadd.s32 s12, s8;
	s12 =	simm.s32 $0x50;
	s10 =	sadd.s32 s7, s5  }
0xf: {  	vm0 =	vmmov $0xffff;
	v1 =	vshrl.u32 v2, $0x3;
	s5 =	smax.u32 s29, $0x1;
	s6 =	sadd.s32 $0x5BE800, s30;
	s7 =	sadd.s32 $0xDC800, s31  }
0x10: {  	v0 =	vand.u32 $0x7, v2;
	v2 =	vor.u32 $0x8, v2;
	v1 =	vmul.u32 $0x8, v1;
	s8 =	sadd.s32 $0x5400, s10;
	s9 =	sadd.s32 $0xF200, s10;
	s10 =	simm.s32 $0x1  }
.LBB2_1:
0x11: {  	s25 =	smov.u32 s7;
	s26 =	smov.u32 s6;
	s28 =	simm.s32 $0x0  }
.LBB2_2:
0x12: {  	s29 =	sadd.s32 s28, s9  }
0x13: {  	[tilespmem:s3], [sflag:$0x1] =	stream.linear.gather [hbm4b:s29+s3], $0x50, $0x38;
	[tilespmem:$0x7900] =	vst v63  }
0x14: {  	_ =	swait.ge [sflag:s10], $0x50  }
0x15: {  	[sflag:s10] =	ssyncset.done $0x0  }
0x16: {  	s31 =	sadd.s32 s28, s8;
	[sflag:s10] =	ssyncadd.s32 $0xFFFFFFB0  }
0x17: {  	[tilespmem:s11], [sflag:$0x1] =	stream.linear.gather [hbm4b:s31+s3], $0x50, $0x38;
	[tilespmem:$0x7900] =	vst v63  }
0x18: {  	_ =	swait.ge [sflag:s10], $0x50  }
0x19: {  	[sflag:s10] =	ssyncset.done $0x0  }
0x1a: {  	[sflag:s10] =	ssyncadd.s32 $0xFFFFFFB0  }
0x1b: {  	[tilespmem:s13], [sflag:$0x1] =	stream.indirect.gather [hbm4b:s2+s12], $0x80, s3, s12, $0xb8;
	[tilespmem:$0x7900] =	vst v63  }
0x1c: {  	_ =	swait.ge [sflag:s10], $0x2800  }
0x1d: {  	[sflag:s10] =	ssyncset.done $0x0  }
0x1e: {  	[sflag:s10] =	ssyncadd.s32 $0xFFFFD800  }
0x1f: {  	v3 =	vld [tilespmem:$0x80];
	_ =	sdelay $0x4  }
0x20: {  	v4 =	vshll.u32 v3, $0x1  }
0x21: {  	v3 =	vand.u32 $0x7, v3;
	v4 =	vand.u32 $0xFFFFFFF0, v4  }
0x22: {  	v3 =	vor.u32 v3, v4  }
0x23: {  	v4 =	vperm.xlane v3, v0;
	_ =	sdelay $0x1  }
0x24: {  	v3 =	vperm.xlane v3, v2;
	v4 =	vadd.s32 v1, v4;
	_ =	sdelay $0x1  }
0x25: {  	v3 =	vadd.s32 v1, v3;
	_ =	sdelay $0x2  }
0x26: {  	[tilespmem:s14], [sflag:$0x1] =	stream.indirect_vreg.gather [hbm4b:s4+s3], $0x80, v4, vm0, $0xb8;
	[tilespmem:$0x7900] =	vst v63  }
0x27: {  	_ = 	snop  }
0x28: {  	[tilespmem:s15], [sflag:$0x1] =	stream.indirect_vreg.gather [hbm4b:s4+s3], $0x80, v3, vm0, $0xb8;
	[tilespmem:$0x7900] =	vst v63  }
0x29: {  	v3 =	vld [tilespmem:$0x90];
	_ =	sdelay $0x4  }
0x2a: {  	v60 =	vshll.u32 v3, $0x1  }
0x2b: {  	v3 =	vand.u32 $0x7, v3;
	v4 =	vand.u32 $0xFFFFFFF0, v60  }
0x2c: {  	v3 =	vor.u32 v3, v4  }
0x2d: {  	v4 =	vperm.xlane v3, v0;
	_ =	sdelay $0x1  }
0x2e: {  	v3 =	vperm.xlane v3, v2;
	v4 =	vadd.s32 v1, v4;
	_ =	sdelay $0x1  }
0x2f: {  	v3 =	vadd.s32 v1, v3;
	_ =	sdelay $0x2  }
0x30: {  	[tilespmem:s16], [sflag:$0x1] =	stream.indirect_vreg.gather [hbm4b:s4+s3], $0x80, v4, vm0, $0xb8;
	[tilespmem:$0x7900] =	vst v63  }
0x31: {  	_ = 	snop  }
0x32: {  	[tilespmem:s17], [sflag:$0x1] =	stream.indirect_vreg.gather [hbm4b:s4+s3], $0x80, v3, vm0, $0xb8;
	[tilespmem:$0x7900] =	vst v63  }
0x33: {  	v3 =	vld [tilespmem:$0xA0];
	_ =	sdelay $0x4  }
0x34: {  	v61 =	vshll.u32 v3, $0x1  }
0x35: {  	v3 =	vand.u32 $0x7, v3;
	v4 =	vand.u32 $0xFFFFFFF0, v61  }
0x36: {  	v3 =	vor.u32 v3, v4  }
0x37: {  	v4 =	vperm.xlane v3, v0;
	_ =	sdelay $0x1  }
0x38: {  	v3 =	vperm.xlane v3, v2;
	v4 =	vadd.s32 v1, v4;
	_ =	sdelay $0x1  }
0x39: {  	v3 =	vadd.s32 v1, v3;
	_ =	sdelay $0x2  }
0x3a: {  	[tilespmem:s18], [sflag:$0x1] =	stream.indirect_vreg.gather [hbm4b:s4+s3], $0x80, v4, vm0, $0xb8;
	[tilespmem:$0x7900] =	vst v63  }
0x3b: {  	_ = 	snop  }
0x3c: {  	[tilespmem:s19], [sflag:$0x1] =	stream.indirect_vreg.gather [hbm4b:s4+s3], $0x80, v3, vm0, $0xb8;
	[tilespmem:$0x7900] =	vst v63  }
0x3d: {  	v3 =	vld [tilespmem:$0xB0];
	_ =	sdelay $0x4  }
0x3e: {  	v62 =	vshll.u32 v3, $0x1  }
0x3f: {  	v3 =	vand.u32 $0x7, v3;
	v4 =	vand.u32 $0xFFFFFFF0, v62  }
0x40: {  	v3 =	vor.u32 v3, v4  }
0x41: {  	v4 =	vperm.xlane v3, v0;
	_ =	sdelay $0x1  }
0x42: {  	v3 =	vperm.xlane v3, v2;
	v4 =	vadd.s32 v1, v4;
	_ =	sdelay $0x1  }
0x43: {  	v3 =	vadd.s32 v1, v3;
	_ =	sdelay $0x2  }
0x44: {  	[tilespmem:s20], [sflag:$0x1] =	stream.indirect_vreg.gather [hbm4b:s4+s3], $0x80, v4, vm0, $0xb8;
	[tilespmem:$0x7900] =	vst v63  }
0x45: {  	_ = 	snop  }
0x46: {  	[tilespmem:s21], [sflag:$0x1] =	stream.indirect_vreg.gather [hbm4b:s4+s3], $0x80, v3, vm0, $0xb8;
	[tilespmem:$0x7900] =	vst v63  }
0x47: {  	v3 =	vld [tilespmem:$0xC0];
	_ =	sdelay $0x4  }
0x48: {  	v63 =	vshll.u32 v3, $0x1  }
0x49: {  	v3 =	vand.u32 $0x7, v3;
	v4 =	vand.u32 $0xFFFFFFF0, v63  }
0x4a: {  	v3 =	vor.u32 v3, v4  }
0x4b: {  	v4 =	vperm.xlane v3, v0;
	_ =	sdelay $0x1  }
0x4c: {  	v3 =	vperm.xlane v3, v2;
	v4 =	vadd.s32 v1, v4;
	_ =	sdelay $0x1  }
0x4d: {  	v3 =	vadd.s32 v1, v3;
	_ =	sdelay $0x2  }
0x4e: {  	[tilespmem:s22], [sflag:$0x1] =	stream.indirect_vreg.gather [hbm4b:s4+s3], $0x80, v4, vm0, $0xb8;
	[tilespmem:$0x7900] =	vst v63  }
0x4f: {  	_ = 	snop  }
0x50: {  	[tilespmem:s23], [sflag:$0x1] =	stream.indirect_vreg.gather [hbm4b:s4+s3], $0x80, v3, vm0, $0xb8;
	[tilespmem:$0x7900] =	vst v63  }
0x51: {  	_ =	swait.ge [sflag:s10], $0x5000  }
0x52: {  	[sflag:s10] =	ssyncset.done $0x0  }
0x53: {  	[sflag:s10] =	ssyncadd.s32 $0xFFFFB000  }
0x54: {  	[hbm4b:s25+s3] =	stream.linear.scatter [tilespmem:s13], [sflag:$0x1], $0x2800, $0x38;
	[tilespmem:$0x7900] =	vst v63  }
0x55: {  	_ =	swait.ge [sflag:s10], $0x2800  }
0x56: {  	p0 =	sne.s32 s28, $0x4D8;
	[sflag:s10] =	ssyncset.done $0x0  }
.Ltmp0:
0x57: {  	[sflag:s10] =	ssyncadd.s32 $0xFFFFD800;
	(pc) =	sbr.rel @p0 .LBB2_2-.Ltmp0, $4  }
0x58: {  	[hbm4b:s26+s3] =	stream.linear.scatter [tilespmem:s14], [sflag:$0x1], $0x5000, $0x38;
	[tilespmem:$0x7900] =	vst v63  }
0x59: {  	_ =	swait.ge [sflag:s10], $0x5000  }
0x5a: {  	s28 =	sadd.s32 $0xA, s28;
	[sflag:s10] =	ssyncset.done $0x0  }
0x5b: {  	s25 =	sadd.s32 $0x500, s25;
	s26 =	sadd.s32 $0xA00, s26;
	[sflag:s10] =	ssyncadd.s32 $0xFFFFB000  }
0x5c: {  	s24 =	sadd.s32 $0x1, s24  }
0x5d: {  	p0 =	sne.s32 s24, s5  }
.Ltmp1:
0x5e: {  	_ = 	snop;
	(pc) =	sbr.rel @p0 .LBB2_1-.Ltmp1, $1  }
0x5f: {  	_ =	sdelay $0x3  }
0x60: {  	_ =	sfence.sel $0x180000  }
0x61: {  	[bflag:$0x0] =	sbarrier.arrive $0xFFFF  }
0x62: {  	p0 =	sne.s32 s1, $0x0;
	_ =	strace $0x90000050  }
0x63: {  	s0 =	sadd.s32 @!p0 $0x100000, s0;
	[bflag:$0x2] =	sbarrier.arrive $0xFFFF  }
0x64: {  	[sflag:s0] =	ssyncadd.tile.s32 @!p0 $0x1;
	_ =	shalt  }
.Lfunc_end2:
_tile_overlayer_lowered:
.L_overlay_start_2:
0x65: {  	(tag) =	ssettag $0x2  }
0x66: {  	s0 =	rddreg [dreg:$0x0];
	s2 =	stileid.u32  }
0x67: {  	s1 =	rddreg [dreg:$0x1];
	p0 =	sne.s32 s2, $0x0  }
0x68: {  	s3 =	rddreg [dreg:$0x2];
	[bflag:$0x3] =	sbarrier.arrive $0xFFFF;
	s2 =	simm.s32 @!p0 $0x1C01  }
0x69: {  	[timem:s3], [sflag:s2] =	dma.local @!p0 [hbm:s0], s1  }
0x6a: {  	s0 =	simm.s32 @!p0 $0x1  }
0x6b: {  	_ =	swait.ge @!p0 [sflag:s0], s1  }
0x6c: {  	s1 =	ssub.s32 @!p0 $0x0, s1;
	[sflag:s0] =	ssyncset.done @!p0 $0x0  }
0x6d: {  	[sflag:s0] =	ssyncadd.s32 @!p0 s1  }
0x6e: {  	[bflag:$0x3] =	sbarrier.arrive $0xFFFF  }
0x6f: {  	_ =	shalt  }

// kernel: kernel.26.cloned.1.call-start
scs
__scs_entry_jumppad:
0x0: {  	(pc) =	sbr.rel $0x88, $3  }
0x1: {  	(tag) =	ssettag $0x0;
	lr =	simm.s32 $0x1  }
0x2: {  	[smem:$0x3F8E] =	sst lr;
	_ =	strace $0xD0000000  }
0x3: {  	_ = 	snop  }
0x4: {  	_ = 	snop  }
0x5: {  	_ = 	snop  }
0x6: {  	_ = 	snop  }
0x7: {  	_ = 	snop  }
__scs_overlays_trampoline_lowered:
0x8: {  	[smem:$0x3F9D] =	sst s0  }
0x9: {  	[smem:$0x3F9E] =	sst s1  }
0xa: {  	[smem:$0x3F9F] =	sst s2  }
0xb: {  	[smem:$0x3FA0] =	sst s3  }
0xc: {  	[smem:$0x3FA1] =	sst s4  }
0xd: {  	[smem:$0x3FA2] =	sst s5  }
0xe: {  	[smem:$0x3FA3] =	sst s6  }
0xf: {  	[smem:$0x3FA4] =	sst s7  }
0x10: {  	[smem:$0x3FA5] =	sst s8  }
0x11: {  	[smem:$0x3FA6] =	sst s9;
	s0 =	simm.s32 @!p0 $0x0  }
0x12: {  	s1 =	sld [smem:$0x3F8C];
	s0 =	simm.s32 @p0 $0x1  }
0x13: {  	[smem:$0x3FA7] =	sst s0;
	s0 =	simm.s32 @!p1 $0x0  }
0x14: {  	s2 =	sld [smem:$0x3F8B];
	s0 =	simm.s32 @p1 $0x1  }
0x15: {  	[smem:$0x3FA8] =	sst s0;
	s0 =	simm.s32 @!p2 $0x0  }
0x16: {  	s3 =	sld [smem:$0x3FDB];
	s0 =	simm.s32 @p2 $0x1  }
0x17: {  	s4 =	simm.s32 $0x1BF5;
	[smem:$0x3FAA] =	sst s0  }
0x18: {  	s0 =	sld [smem:$0x3F8D];
	_ =	swait.ge [sflag:s4], $0x0  }
0x19: {  	s7 =	sld [smem:$0x3F8E]  }
0x1a: {  	s8 =	sadd.s32 $0xFFFFE003, lr  }
0x1b: {  	s9 =	sadd.s32 $0xFFFFFEF7, lr;
	s5 =	simm.s32 $0xFFFFFFFF;
	p2 =	slt.u32 s8, $0xFFFFF086  }
0x1c: {  	p1 =	slt.u32 s9, $0xF7A;
	s5 =	simm.s32 @!p2 $0x0  }
0x1d: {  	s5 =	simm.s32 @p1 $0x1;
	p0 =	seq.s32 s7, s2  }
0x1e: {  	s7 =	smul.u32 @!p0 $0xF7A, s2;
	p2 =	seq.s32 @!p0 s5, $0x0  }
0x1f: {  	s9 =	smul.u32 $0xF7A, s1;
	s8 =	simm.s32 @!p0 $0x1BF5;
	p2 =	por !p2, p0  }
0x20: {  	[sflag:s8] =	ssyncset.s32 @!p0 $0xFFFFF086;
	s6 =	sadd.s32 @!p0 s3, s7;
	s7 =	simm.s32 @!p0 $0x108  }
0x21: {  	s3 =	sadd.s32 s3, s9;
	s6 =	sadd.s32 @!p0 $0x88, s6;
	s7 =	simm.s32 @p2 $0x1082  }
0x22: {  	[simem:s7], [sflag:s8] =	dma.local @!p0 [hbm:s6], $0xF7A  }
0x23: {  	s9 =	sor.u32 $0xD0000000, s2;
	s6 =	simm.s32 $0x108;
	_ =	swait.ge @!p0 [sflag:s8], $0x0  }
0x24: {  	s3 =	sadd.s32 $0x88, s3;
	s6 =	simm.s32 @!p1 $0x1082;
	[sflag:s4] =	ssyncset.s32 $0xFFFFF086  }
0x25: {  	[simem:s6], [sflag:s4] =	dma.local [hbm:s3], $0xF7A  }
0x26: {  	[smem:$0x3F8E] =	sst s1;
	(tag) =	ssettag s2;
	_ =	strace s9  }
0x27: {  	s1 =	sld [smem:$0x3F9E]  }
0x28: {  	s2 =	sld [smem:$0x3F9F]  }
0x29: {  	s4 =	sld [smem:$0x3FA1]  }
0x2a: {  	p0 =	seq.s32 s5, $0x0;
	s5 =	sld [smem:$0x3FA2]  }
0x2b: {  	s6 =	sld [smem:$0x3FA3]  }
0x2c: {  	s7 =	sld [smem:$0x3FA4]  }
0x2d: {  	s3 =	simm.s32 $0x108;
	s8 =	sld [smem:$0x3FA5]  }
0x2e: {  	s3 =	simm.s32 @!p0 $0x1082;
	s9 =	sld [smem:$0x3FA6]  }
0x2f: {  	lr =	sadd.s32 s0, s3;
	s0 =	sld [smem:$0x3F9D]  }
0x30: {  	s3 =	sld [smem:$0x3FA0]  }
0x31: {  	[smem:$0x3FA9] =	sst s10  }
0x32: {  	s10 =	sld [smem:$0x3FA7];
	_ =	sdelay $0x3  }
0x33: {  	p0 =	seq.s32 s10, $0x1;
	s10 =	sld [smem:$0x3FA9];
	_ =	sdelay $0x3  }
0x34: {  	[smem:$0x3FA9] =	sst s10  }
0x35: {  	s10 =	sld [smem:$0x3FA8];
	_ =	sdelay $0x3  }
0x36: {  	p1 =	seq.s32 s10, $0x1;
	s10 =	sld [smem:$0x3FA9];
	_ =	sdelay $0x3  }
0x37: {  	[smem:$0x3FA9] =	sst s10  }
0x38: {  	s10 =	sld [smem:$0x3FAA]  }
0x39: {  	_ = 	snop;
	(pc) =	sbr.ind lr, $3  }
0x3a: {  	_ = 	snop  }
0x3b: {  	_ = 	snop  }
0x3c: {  	p2 =	seq.s32 s10, $0x1;
	s10 =	sld [smem:$0x3FA9]  }
0x3d: {  	_ =	shalt  }
0x3e: {  	_ =	shalt  }
0x3f: {  	_ =	shalt  }
0x40: {  	_ =	shalt  }
0x41: {  	_ =	shalt  }
0x42: {  	_ =	shalt  }
0x43: {  	_ =	shalt  }
0x44: {  	_ =	shalt  }
0x45: {  	_ =	shalt  }
0x46: {  	_ =	shalt  }
0x47: {  	_ =	shalt  }
0x48: {  	_ =	shalt  }
0x49: {  	_ =	shalt  }
0x4a: {  	_ =	shalt  }
0x4b: {  	_ =	shalt  }
0x4c: {  	_ =	shalt  }
0x4d: {  	_ =	shalt  }
0x4e: {  	_ =	shalt  }
0x4f: {  	_ =	shalt  }
0x50: {  	_ =	shalt  }
0x51: {  	_ =	shalt  }
0x52: {  	_ =	shalt  }
0x53: {  	_ =	shalt  }
0x54: {  	_ =	shalt  }
0x55: {  	_ =	shalt  }
0x56: {  	_ =	shalt  }
0x57: {  	_ =	shalt  }
0x58: {  	_ =	shalt  }
0x59: {  	_ =	shalt  }
0x5a: {  	_ =	shalt  }
0x5b: {  	_ =	shalt  }
0x5c: {  	_ =	shalt  }
0x5d: {  	_ =	shalt  }
0x5e: {  	_ =	shalt  }
0x5f: {  	_ =	shalt  }
0x60: {  	_ =	shalt  }
0x61: {  	_ =	shalt  }
0x62: {  	_ =	shalt  }
0x63: {  	_ =	shalt  }
0x64: {  	_ =	shalt  }
0x65: {  	_ =	shalt  }
0x66: {  	_ =	shalt  }
0x67: {  	_ =	shalt  }
0x68: {  	_ =	shalt  }
0x69: {  	_ =	shalt  }
0x6a: {  	_ =	shalt  }
0x6b: {  	_ =	shalt  }
0x6c: {  	_ =	shalt  }
0x6d: {  	_ =	shalt  }
0x6e: {  	_ =	shalt  }
0x6f: {  	_ =	shalt  }
0x70: {  	_ =	shalt  }
0x71: {  	_ =	shalt  }
0x72: {  	_ =	shalt  }
0x73: {  	_ =	shalt  }
0x74: {  	_ =	shalt  }
0x75: {  	_ =	shalt  }
0x76: {  	_ =	shalt  }
0x77: {  	_ =	shalt  }
0x78: {  	_ =	shalt  }
0x79: {  	_ =	shalt  }
0x7a: {  	_ =	shalt  }
0x7b: {  	_ =	shalt  }
0x7c: {  	_ =	shalt  }
0x7d: {  	_ =	shalt  }
0x7e: {  	_ =	shalt  }
0x7f: {  	_ =	shalt  }
0x80: {  	_ =	shalt  }
0x81: {  	_ =	shalt  }
0x82: {  	_ =	shalt  }
0x83: {  	_ =	shalt  }
0x84: {  	_ =	shalt  }
0x85: {  	_ =	shalt  }
0x86: {  	_ =	shalt  }
0x87: {  	_ =	shalt  }
.Lfunc_end0:
.L_simem_size_0:
called_computation.4_lowered:
.L_overlay_start_0:
0x88: {  	s2 =	sld [smem:$0x3FD9]  }
0x89: {  	s3 =	sld [smem:$0x3FFE];
	_ =	sdelay $0x1  }
0x8a: {  	s1 =	srdreg.scid  }
0x8b: {  	s0 =	sand.u32 $0x1, s1  }
0x8c: {  	s17 =	sshll.u32 s0, $0xA;
	s2 =	sadd.s32 s3, s2  }
0x8d: {  	s2 =	sadd.s32 s2, s17  }
0x8e: {  	[smem:$0x3FB5] =	sst s2  }
0x8f: {  	_ = 	snop  }
0x90: {  	(tm) =	ssettm $0x1  }
0x91: {  	s18 =	sld [smem:$0x3FFB];
	_ =	sdelay $0x3  }
0x92: {  	_ =	strace s18  }
0x93: {  	s2 =	sld [smem:$0x3FFC];
	_ =	sdelay $0x3  }
0x94: {  	_ =	strace s2  }
0x95: {  	s2 =	sld [smem:$0x3FFD];
	_ =	sdelay $0x3  }
0x96: {  	_ =	strace s2  }
0x97: {  	_ =	strace $0x8FFFFFFF  }
0x98: {  	s19 =	sld [smem:$0x3FDB];
	_ =	sdelay $0x1  }
0x99: {  	s20 =	simm.s32 $_scs_section_size  }
0x9a: {  	s4 =	simm.s32 $_size__tile_overlayer_lowered;
	s5 =	simm.s32 $_tile_overlayer_lowered  }
0x9b: {  	s6 =	simm.s32 $0x1BFF;
	s21 =	sshll.u32 s5, $0x1;
	s3 =	sadd.s32 s20, s19  }
0x9c: {  	s22 =	simm.s32 $0x0;
	s4 =	sshll.u32 s4, $0x1;
	s5 =	sadd.s32 s21, s3  }
0x9d: {  	[timem:s22], [sflag:s6] =	dma.local [hbm:s5], s4  }
0x9e: {  	_ =	swait.ge [sflag:s6], s4  }
0x9f: {  	s4 =	ssub.s32 $0x0, s4;
	[sflag:s6] =	ssyncset.done $0x0  }
0xa0: {  	[sflag:s6] =	ssyncadd.s32 s4;
	_ =	sdelay $0x1  }
0xa1: {  	s23 =	simm.s32 $0x1B8B  }
0xa2: {  	_ =	swait.ge [sflag:s23], $0x1  }
0xa3: {  	[sflag:s23] =	ssyncset.done $0x0  }
0xa4: {  	[sflag:s23] =	ssyncadd.s32 $0xFFFFFFFF  }
0xa5: {  	s4 =	sld [smem:$0x0]  }
0xa6: {  	s5 =	sand.u32 $0xFFFFFFFE, s1  }
0xa7: {  	p0 =	sne.s32 s1, s5  }
0xa8: {  	s5 =	sshll.u32 @p0 s5, $0xE  }
0xa9: {  	s5 =	sadd.s32 @p0 $0x11B8D, s5;
	s6 =	sshll.u32 @p0 s4, $0x11  }
0xaa: {  	s5 =	sor.u32 @p0 s6, s5  }
0xab: {  	[sflag:s5] =	ssyncadd.remote.s32 @p0 $0x1;
	_ =	sdelay $0x1  }
0xac: {  	s5 =	simm.s32 @p0 $0x1B8D  }
0xad: {  	_ =	swait.eq @p0 [sflag:s5], $0x1  }
0xae: {  	[sflag:s5] =	ssyncadd.s32 @p0 $0xFFFFFFFF  }
0xaf: {  	s6 =	sshll.u32 @!p0 s1, $0xE  }
0xb0: {  	s6 =	sor.u32 @!p0 $0x4000, s6;
	s5 =	simm.s32 @!p0 $0x1B8D  }
0xb1: {  	s4 =	sshll.u32 @!p0 s4, $0x11;
	s6 =	sadd.s32 @!p0 $0x11B8D, s6;
	_ =	swait.eq @!p0 [sflag:s5], $0x1  }
0xb2: {  	s4 =	sor.u32 @!p0 s4, s6;
	[sflag:s5] =	ssyncadd.s32 @!p0 $0xFFFFFFFF  }
0xb3: {  	s25 =	simm.s32 $0x1B8E;
	s24 =	sld [smem:$0x3FFE];
	[sflag:s4] =	ssyncadd.remote.s32 @!p0 $0x1  }
0xb4: {  	s26 =	simm.s32 $execute0_lowered;
	[smem:$0x3FD2] =	sst s25  }
0xb5: {  	s5 =	sshll.u32 s26, $0x1;
	_ =	strace $0x80000055;
	[dreg:$0x1] =	wrdreg $0xFFFFFFFF  }
0xb6: {  	s28 =	simm.s32 $_size_execute0_lowered;
	s3 =	sadd.s32 s3, s5;
	[dreg:$0x0] =	wrdreg $0x0  }
0xb7: {  	s5 =	sshll.u32 s28, $0x1;
	[dreg:$0x2] =	wrdreg s3  }
0xb8: {  	[dreg:$0x3] =	wrdreg s5  }
0xb9: {  	[dreg:$0x4] =	wrdreg $0xC0  }
0xba: {  	_ =	task [dreg:s22], $0x5FFFF  }
0xbb: {  	[dreg:$0x1] =	wrdreg $0xFFFFFFFF  }
0xbc: {  	[dreg:$0x0] =	wrdreg $0x60  }
0xbd: {  	[dreg:$0x2] =	wrdreg s24  }
0xbe: {  	[dreg:$0x3] =	wrdreg $0x50800  }
0xbf: {  	[dreg:$0x4] =	wrdreg $0x9  }
0xc0: {  	_ =	task.clear_ibuf [dreg:s22], $0x5FFFF;
	_ =	strace $0x90000055  }
0xc1: {  	s29 =	simm.s32 $0x9;
	_ =	strace $0x80000057  }
0xc2: {  	_ =	swait.ge [sflag:s29], $0x1  }
0xc3: {  	[sflag:s29] =	ssyncadd.s32 $0xFFFFFFFF  }
0xc4: {  	_ =	strace $0x90000057  }
0xc5: {  	_ =	sfence  }
0xc6: {  	s30 =	sld [smem:$0x0];
	_ =	sdelay $0x2  }
0xc7: {  	s31 =	sshll.u32 s1, $0xD;
	s1 =	sshrl.u32 s1, $0x2  }
0xc8: {  	s4 =	sand.u32 $0x4000, s31;
	s1 =	sadd.s32 s1, s30  }
0xc9: {  	s0 =	sor.u32 s4, s0;
	s1 =	sshll.u32 s1, $0x11  }
0xca: {  	s0 =	sor.u32 s1, s0  }
0xcb: {  	s0 =	sadd.s32 $0x8F2B, s0  }
0xcc: {  	[sflag:s0] =	ssyncadd.remote.s32 $0x1  }
0xcd: {  	_ =	sfence.sel $0xFFFF  }
0xce: {  	[dreg:$0x0] =	wrdreg $0xFFFFFFFF;
	(pc) =	sbr.abs _section_cstart, $3  }
0xcf: {  	[dreg:$0x1] =	wrdreg $0xFFFFFFFF  }
0xd0: {  	_ =	task.clear_ibuf [dreg:s22], $0x2FFFF;
	_ =	strace $0x9FFFFFFF  }
0xd1: {  	(tm) =	ssettm $0x7FFFFFFF  }
tec
execute0_lowered:
.L_overlay_start_1:
0x0: {  	(tag) =	ssettag $0x1  }
0x1: {  	s0 =	srdreg.scid  }
0x2: {  	s5 =	sand.u32 $0x1, s0  }
0x3: {  	s6 =	smul.u32 $0x271000, s5  }
0x4: {  	s0 =	stileid.u32;
	s7 =	smul.u32 $0x27100, s5  }
0x5: {  	s8 =	smul.u32 $0x2710, s0  }
0x6: {  	s29 =	smul.u32 $0xA000, s0  }
0x7: {  	s9 =	sor.u32 $0x10, s0;
	s25 =	smul.u32 $0x500, s0  }
0x8: {  	s11 =	sor.u32 $0x20, s0;
	s10 =	smul.u32 $0xA000, s9  }
0x9: {  	s13 =	sor.u32 $0x30, s0;
	s30 =	smul.u32 $0xA000, s11  }
0xa: {  	s16 =	sor.u32 $0x40, s0;
	s15 =	smul.u32 $0xA000, s13  }
0xb: {  	s4 =	rddreg [dreg:$0x0];
	s18 =	sor.u32 $0x50, s0;
	s17 =	smul.u32 $0xA000, s16  }
0xc: {  	s1 =	rddreg [dreg:$0x1];
	s20 =	sor.u32 $0x60, s0;
	s19 =	smul.u32 $0xA000, s18  }
0xd: {  	s3 =	simm.s32 $0x0;
	s22 =	sor.u32 $0x70, s0;
	s21 =	smul.u32 $0xA000, s20  }
0xe: {  	[smem:$0x7FF] =	sst s3;
	s5 =	ssub.s32 $0x2, s5;
	s23 =	smul.u32 $0xA000, s22  }
0xf: {  	_ =	strace $0x80000056;
	s31 =	sshrl.u32 s5, $0x1;
	s28 =	smul.u32 $0x500, s11  }
0x10: {  	p0 =	sgt.u32 s22, $0x7C;
	s12 =	sadd.s32 s6, s4;
	s26 =	sadd.s32 s8, s7  }
0x11: {  	s5 =	ssub.s32 s5, s31;
	s2 =	sshrl.u32 s29, $0x2;
	s29 =	smul.u32 $0x500, s13  }
0x12: {  	s31 =	smul.u32 $0x500, s18;
	s6 =	sshrl.u32 s26, $0x3;
	s8 =	sshrl.u32 s10, $0x2  }
0x13: {  	s10 =	sshrl.u32 s30, $0x2;
	s26 =	smul.u32 $0x500, s9;
	s11 =	sshrl.u32 s15, $0x2  }
0x14: {  	s15 =	sshrl.u32 s17, $0x2;
	s30 =	smul.u32 $0x500, s16;
	s17 =	sshrl.u32 s19, $0x2  }
0x15: {  	s19 =	sshrl.u32 s21, $0x2;
	s21 =	smul.u32 $0x27100, s0;
	s0 =	sshrl.u32 s23, $0x2  }
0x16: {  	s16 =	simm.s32 $0x1;
	s14 =	sadd.s32 s6, s4;
	s4 =	sadd.s32 s7, s4  }
0x17: {  	s6 =	sadd.s32 s8, s1;
	s7 =	sadd.s32 s10, s1;
	s8 =	sadd.s32 s11, s1  }
0x18: {  	s9 =	sadd.s32 s15, s1;
	s10 =	sadd.s32 s17, s1;
	s11 =	sadd.s32 s19, s1  }
0x19: {  	s15 =	simm.s32 $0x2880;
	s24 =	sadd.s32 $0x8E400, s4;
	s4 =	smax.u32 s5, $0x1  }
0x1a: {  	s5 =	sadd.s32 s2, s1;
	s2 =	smul.u32 $0x500, s20;
	s13 =	sadd.s32 s21, s12  }
0x1b: {  	s12 =	sadd.s32 s0, s1;
	s0 =	smul.u32 $0x500, s22;
	s14 =	sadd.s32 $0xF200, s14  }
0x1c: {  	s13 =	sadd.s32 $0x1464800, s13;
	s17 =	sadd.s32 s25, s24;
	s18 =	sadd.s32 s26, s24  }
0x1d: {  	s19 =	sadd.s32 s28, s24;
	s20 =	sadd.s32 s29, s24;
	s21 =	sadd.s32 s30, s24  }
0x1e: {  	s22 =	sadd.s32 s31, s24;
	s25 =	simm.s32 $0x80;
	s26 =	simm.s32 $0x50  }
0x1f: {  	v0 =	vimm.f32 $0.0e+00;
	s28 =	simm.s32 $0x0;
	s23 =	sadd.s32 s2, s24;
	s24 =	sadd.s32 @!p0 s0, s24  }
.LBB2_1:
0x20: {  	s29 =	simm.s32 $0x0;
	s30 =	simm.s32 $0x200  }
.LBB2_2:
0x21: {  	p1 =	sne.s32 s30, $0x9E00;
	[tilespmem:s29+$0x28F0] =	vst v0  }
0x22: {  	[tilespmem:s29+$0x2880] =	vst v0  }
0x23: {  	[tilespmem:s29+$0x2890] =	vst v0  }
.Ltmp0:
0x24: {  	[tilespmem:s29+$0x28A0] =	vst v0;
	(pc) =	sbr.rel @p1 .LBB2_2-.Ltmp0, $4  }
0x25: {  	[tilespmem:s29+$0x28B0] =	vst v0  }
0x26: {  	[tilespmem:s29+$0x28C0] =	vst v0  }
0x27: {  	[tilespmem:s29+$0x28D0] =	vst v0  }
0x28: {  	[tilespmem:s29+$0x28E0] =	vst v0;
	s29 =	sshra.s32 s30, $0x2;
	s30 =	sadd.s32 $0x200, s30  }
0x29: {  	[tilespmem:s29+$0x28F0] =	vst v0  }
0x2a: {  	[tilespmem:s29+$0x2880] =	vst v0  }
0x2b: {  	[tilespmem:s29+$0x2890] =	vst v0  }
0x2c: {  	[tilespmem:s29+$0x28A0] =	vst v0  }
0x2d: {  	[tilespmem:s29+$0x28B0] =	vst v0  }
0x2e: {  	[tilespmem:s29+$0x28C0] =	vst v0  }
0x2f: {  	[tilespmem:s29+$0x28D0] =	vst v0  }
0x30: {  	[tilespmem:s29+$0x28E0] =	vst v0  }
0x31: {  	[spmem:s5] =	stream.linear.scatter [tilespmem:s15], [sflag:$0x1], $0x2800, $0x38;
	[tilespmem:$0x18900] =	vst v63  }
0x32: {  	_ =	swait.ge [sflag:s16], $0x2800  }
0x33: {  	[sflag:s16] =	ssyncset.done $0x0  }
0x34: {  	[sflag:s16] =	ssyncadd.s32 $0xFFFFD800  }
0x35: {  	[spmem:s6] =	stream.linear.scatter [tilespmem:s15], [sflag:$0x1], $0x2800, $0x38;
	[tilespmem:$0x18900] =	vst v63  }
0x36: {  	_ =	swait.ge [sflag:s16], $0x2800  }
0x37: {  	[sflag:s16] =	ssyncset.done $0x0  }
0x38: {  	[sflag:s16] =	ssyncadd.s32 $0xFFFFD800  }
0x39: {  	[spmem:s7] =	stream.linear.scatter [tilespmem:s15], [sflag:$0x1], $0x2800, $0x38;
	[tilespmem:$0x18900] =	vst v63  }
0x3a: {  	_ =	swait.ge [sflag:s16], $0x2800  }
0x3b: {  	[sflag:s16] =	ssyncset.done $0x0  }
0x3c: {  	[sflag:s16] =	ssyncadd.s32 $0xFFFFD800  }
0x3d: {  	[spmem:s8] =	stream.linear.scatter [tilespmem:s15], [sflag:$0x1], $0x2800, $0x38;
	[tilespmem:$0x18900] =	vst v63  }
0x3e: {  	_ =	swait.ge [sflag:s16], $0x2800  }
0x3f: {  	[sflag:s16] =	ssyncset.done $0x0  }
0x40: {  	[sflag:s16] =	ssyncadd.s32 $0xFFFFD800  }
0x41: {  	[spmem:s9] =	stream.linear.scatter [tilespmem:s15], [sflag:$0x1], $0x2800, $0x38;
	[tilespmem:$0x18900] =	vst v63  }
0x42: {  	_ =	swait.ge [sflag:s16], $0x2800  }
0x43: {  	[sflag:s16] =	ssyncset.done $0x0  }
0x44: {  	[sflag:s16] =	ssyncadd.s32 $0xFFFFD800  }
0x45: {  	[spmem:s10] =	stream.linear.scatter [tilespmem:s15], [sflag:$0x1], $0x2800, $0x38;
	[tilespmem:$0x18900] =	vst v63  }
0x46: {  	_ =	swait.ge [sflag:s16], $0x2800  }
0x47: {  	[sflag:s16] =	ssyncset.done $0x0  }
0x48: {  	[sflag:s16] =	ssyncadd.s32 $0xFFFFD800  }
0x49: {  	[spmem:s11] =	stream.linear.scatter [tilespmem:s15], [sflag:$0x1], $0x2800, $0x38;
	[tilespmem:$0x18900] =	vst v63  }
0x4a: {  	_ =	swait.ge [sflag:s16], $0x2800  }
0x4b: {  	[sflag:s16] =	ssyncset.done $0x0  }
0x4c: {  	s0 =	simm.s32 @!p0 $0x2880;
	[sflag:s16] =	ssyncadd.s32 $0xFFFFD800  }
0x4d: {  	[spmem:s12] =	stream.linear.scatter @!p0 [tilespmem:s0], [sflag:$0x1], $0x2800, $0x38;
	[tilespmem:$0x18900] =	vst v63  }
0x4e: {  	s0 =	simm.s32 @!p0 $0x1  }
0x4f: {  	_ =	swait.ge @!p0 [sflag:s0], $0x2800  }
0x50: {  	[sflag:s0] =	ssyncset.done @!p0 $0x0  }
0x51: {  	[sflag:s0] =	ssyncadd.s32 @!p0 $0xFFFFD800  }
0x52: {  	s2 =	sadd.s32 $0x0, s14;
	[bflag:$0x0] =	sbarrier.arrive $0xFFFF  }
0x53: {  	[tilespmem:s3], [sflag:$0x1] =	stream.linear.gather [hbm4b:s2+s3], $0x50, $0x38;
	[tilespmem:$0x18900] =	vst v63  }
0x54: {  	_ =	swait.ge [sflag:s16], $0x50  }
0x55: {  	[sflag:s16] =	ssyncset.done $0x0  }
0x56: {  	[sflag:s16] =	ssyncadd.s32 $0xFFFFFFB0  }
0x57: {  	[tilespmem:s25], [sflag:$0x1] =	stream.linear.gather [hbm4b:s13+s3], $0x2800, $0x38;
	[tilespmem:$0x18900] =	vst v63  }
0x58: {  	_ =	swait.ge [sflag:s16], $0x2800  }
0x59: {  	[sflag:s16] =	ssyncset.done $0x0  }
0x5a: {  	[sflag:s16] =	ssyncadd.s32 $0xFFFFD800  }
0x5b: {  	[spmem:s1] =	stream.indirect.scatter.add.f32 [tilespmem:s25], [sflag:$0x1], $0x80, s3, s26, $0xb8;
	[tilespmem:$0x18900] =	vst v63  }
0x5c: {  	s30 =	simm.s32 $0xA;
	_ =	swait.ge [sflag:s16], $0x2800  }
0x5d: {  	s31 =	simm.s32 $0x14;
	s29 =	sadd.s32 $0x500, s13;
	[sflag:s16] =	ssyncset.done $0x0  }
.LBB2_4:
0x5e: {  	s0 =	sadd.s32 s30, s14  }
0x5f: {  	[sflag:s16] =	ssyncadd.s32 $0xFFFFD800;
	s30 =	smov.u32 s31;
	s2 =	sadd.s32 $0xA, s31  }
0x60: {  	[tilespmem:s3], [sflag:$0x1] =	stream.linear.gather [hbm4b:s0+s3], $0x50, $0x38;
	[tilespmem:$0x18900] =	vst v63  }
0x61: {  	p1 =	sne.s32 s31, $0x4D8;
	_ =	swait.ge [sflag:s16], $0x50  }
0x62: {  	[sflag:s16] =	ssyncset.done $0x0  }
0x63: {  	[sflag:s16] =	ssyncadd.s32 $0xFFFFFFB0  }
0x64: {  	[tilespmem:s25], [sflag:$0x1] =	stream.linear.gather [hbm4b:s29+s3], $0x2800, $0x38;
	[tilespmem:$0x18900] =	vst v63  }
0x65: {  	_ =	swait.ge [sflag:s16], $0x2800  }
.Ltmp1:
0x66: {  	[sflag:s16] =	ssyncset.done $0x0;
	(pc) =	sbr.rel @p1 .LBB2_4-.Ltmp1, $4  }
0x67: {  	[sflag:s16] =	ssyncadd.s32 $0xFFFFD800  }
0x68: {  	[spmem:s1] =	stream.indirect.scatter.add.f32 [tilespmem:s25], [sflag:$0x1], $0x80, s3, s26, $0xb8;
	[tilespmem:$0x18900] =	vst v63  }
0x69: {  	_ =	swait.ge [sflag:s16], $0x2800  }
0x6a: {  	s31 =	smov.u32 s2;
	s29 =	sadd.s32 $0x500, s29;
	[sflag:s16] =	ssyncset.done $0x0  }
0x6b: {  	s0 =	sadd.s32 s30, s14;
	[sflag:s16] =	ssyncadd.s32 $0xFFFFD800  }
0x6c: {  	[tilespmem:s3], [sflag:$0x1] =	stream.linear.gather [hbm4b:s0+s3], $0x50, $0x38;
	[tilespmem:$0x18900] =	vst v63  }
0x6d: {  	_ =	swait.ge [sflag:s16], $0x50  }
0x6e: {  	[sflag:s16] =	ssyncset.done $0x0  }
0x6f: {  	[sflag:s16] =	ssyncadd.s32 $0xFFFFFFB0  }
0x70: {  	[tilespmem:s25], [sflag:$0x1] =	stream.linear.gather [hbm4b:s29+s3], $0x2800, $0x38;
	[tilespmem:$0x18900] =	vst v63  }
0x71: {  	_ =	swait.ge [sflag:s16], $0x2800  }
0x72: {  	[sflag:s16] =	ssyncset.done $0x0  }
0x73: {  	[sflag:s16] =	ssyncadd.s32 $0xFFFFD800  }
0x74: {  	[spmem:s1] =	stream.indirect.scatter.add.f32 [tilespmem:s25], [sflag:$0x1], $0x80, s3, s26, $0xb8;
	[tilespmem:$0x18900] =	vst v63  }
0x75: {  	_ =	swait.ge [sflag:s16], $0x2800  }
0x76: {  	s2 =	stileid.u32;
	[sflag:s16] =	ssyncset.done $0x0  }
0x77: {  	s0 =	sshll.u32 s2, $0x6;
	[sflag:s16] =	ssyncadd.s32 $0xFFFFD800  }
0x78: {  	s2 =	sshrl.u32 s5, $0x3;
	s0 =	sor.u32 $0x1C01, s0;
	[bflag:$0x0] =	sbarrier.arrive $0xFFFF  }
0x79: {  	[hbm:s17], [sflag:s0] =	dma.local [spmem:s2], $0x500  }
0x7a: {  	_ =	swait.ge [sflag:s16], $0x500  }
0x7b: {  	[sflag:s16] =	ssyncset.done $0x0  }
0x7c: {  	s29 =	sshrl.u32 s6, $0x3;
	[sflag:s16] =	ssyncadd.s32 $0xFFFFFB00  }
0x7d: {  	[hbm:s18], [sflag:s0] =	dma.local [spmem:s29], $0x500  }
0x7e: {  	_ =	swait.ge [sflag:s16], $0x500  }
0x7f: {  	[sflag:s16] =	ssyncset.done $0x0  }
0x80: {  	s30 =	sshrl.u32 s7, $0x3;
	[sflag:s16] =	ssyncadd.s32 $0xFFFFFB00  }
0x81: {  	[hbm:s19], [sflag:s0] =	dma.local [spmem:s30], $0x500  }
0x82: {  	_ =	swait.ge [sflag:s16], $0x500  }
0x83: {  	[sflag:s16] =	ssyncset.done $0x0  }
0x84: {  	s31 =	sshrl.u32 s8, $0x3;
	[sflag:s16] =	ssyncadd.s32 $0xFFFFFB00  }
0x85: {  	[hbm:s20], [sflag:s0] =	dma.local [spmem:s31], $0x500  }
0x86: {  	_ =	swait.ge [sflag:s16], $0x500  }
0x87: {  	[sflag:s16] =	ssyncset.done $0x0  }
0x88: {  	s29 =	sshrl.u32 s9, $0x3;
	[sflag:s16] =	ssyncadd.s32 $0xFFFFFB00  }
0x89: {  	[hbm:s21], [sflag:s0] =	dma.local [spmem:s29], $0x500  }
0x8a: {  	_ =	swait.ge [sflag:s16], $0x500  }
0x8b: {  	[sflag:s16] =	ssyncset.done $0x0  }
0x8c: {  	s30 =	sshrl.u32 s10, $0x3;
	[sflag:s16] =	ssyncadd.s32 $0xFFFFFB00  }
0x8d: {  	[hbm:s22], [sflag:s0] =	dma.local [spmem:s30], $0x500  }
0x8e: {  	_ =	swait.ge [sflag:s16], $0x500  }
0x8f: {  	[sflag:s16] =	ssyncset.done $0x0  }
0x90: {  	s31 =	sshrl.u32 s11, $0x3;
	[sflag:s16] =	ssyncadd.s32 $0xFFFFFB00  }
0x91: {  	[hbm:s23], [sflag:s0] =	dma.local [spmem:s31], $0x500  }
0x92: {  	_ =	swait.ge [sflag:s16], $0x500  }
0x93: {  	s28 =	sadd.s32 $0x1, s28;
	[sflag:s16] =	ssyncset.done $0x0  }
0x94: {  	p1 =	sne.s32 s28, s4;
	s2 =	sshrl.u32 @!p0 s12, $0x3;
	[sflag:s16] =	ssyncadd.s32 $0xFFFFFB00  }
0x95: {  	[hbm:s24], [sflag:s0] =	dma.local @!p0 [spmem:s2], $0x500  }
.Ltmp2:
0x96: {  	_ = 	snop;
	(pc) =	sbr.rel @p1 .LBB2_1-.Ltmp2, $4  }
0x97: {  	s0 =	simm.s32 @!p0 $0x1  }
0x98: {  	_ =	swait.ge @!p0 [sflag:s0], $0x500  }
0x99: {  	[sflag:s0] =	ssyncset.done @!p0 $0x0  }
0x9a: {  	[sflag:s0] =	ssyncadd.s32 @!p0 $0xFFFFFB00  }
0x9b: {  	_ =	sfence.sel $0x180000  }
0x9c: {  	[bflag:$0x0] =	sbarrier.arrive $0xFFFF  }
0x9d: {  	_ =	strace $0x90000056  }
0x9e: {  	s0 =	stileid.u32;
	[bflag:$0x2] =	sbarrier.arrive $0xFFFF  }
0x9f: {  	p0 =	sne.s32 s0, $0x0;
	s0 =	rddreg [dreg:$0x2]  }
0xa0: {  	s0 =	sadd.s32 @!p0 $0x100000, s0  }
0xa1: {  	[sflag:s0] =	ssyncadd.tile.s32 @!p0 $0x1;
	_ =	shalt  }
.Lfunc_end2:
_tile_overlayer_lowered:
.L_overlay_start_2:
0xa2: {  	(tag) =	ssettag $0x2  }
0xa3: {  	s0 =	rddreg [dreg:$0x0];
	s2 =	stileid.u32  }
0xa4: {  	s1 =	rddreg [dreg:$0x1];
	p0 =	sne.s32 s2, $0x0  }
0xa5: {  	s3 =	rddreg [dreg:$0x2];
	[bflag:$0x3] =	sbarrier.arrive $0xFFFF;
	s2 =	simm.s32 @!p0 $0x1C01  }
0xa6: {  	[timem:s3], [sflag:s2] =	dma.local @!p0 [hbm:s0], s1  }
0xa7: {  	s0 =	simm.s32 @!p0 $0x1  }
0xa8: {  	_ =	swait.ge @!p0 [sflag:s0], s1  }
0xa9: {  	s1 =	ssub.s32 @!p0 $0x0, s1;
	[sflag:s0] =	ssyncset.done @!p0 $0x0  }
0xaa: {  	[sflag:s0] =	ssyncadd.s32 @!p0 s1  }
0xab: {  	[bflag:$0x3] =	sbarrier.arrive $0xFFFF  }
0xac: {  	_ =	shalt  }

// kernel: kernel.29.cloned.1.call-start
scs
__scs_entry_jumppad:
0x0: {  	(pc) =	sbr.rel $0x88, $3  }
0x1: {  	(tag) =	ssettag $0x0;
	lr =	simm.s32 $0x1  }
0x2: {  	[smem:$0x3F8E] =	sst lr;
	_ =	strace $0xD0000000  }
0x3: {  	_ = 	snop  }
0x4: {  	_ = 	snop  }
0x5: {  	_ = 	snop  }
0x6: {  	_ = 	snop  }
0x7: {  	_ = 	snop  }
__scs_overlays_trampoline_lowered:
0x8: {  	[smem:$0x3F9D] =	sst s0  }
0x9: {  	[smem:$0x3F9E] =	sst s1  }
0xa: {  	[smem:$0x3F9F] =	sst s2  }
0xb: {  	[smem:$0x3FA0] =	sst s3  }
0xc: {  	[smem:$0x3FA1] =	sst s4  }
0xd: {  	[smem:$0x3FA2] =	sst s5  }
0xe: {  	[smem:$0x3FA3] =	sst s6  }
0xf: {  	[smem:$0x3FA4] =	sst s7  }
0x10: {  	[smem:$0x3FA5] =	sst s8  }
0x11: {  	[smem:$0x3FA6] =	sst s9;
	s0 =	simm.s32 @!p0 $0x0  }
0x12: {  	s1 =	sld [smem:$0x3F8C];
	s0 =	simm.s32 @p0 $0x1  }
0x13: {  	[smem:$0x3FA7] =	sst s0;
	s0 =	simm.s32 @!p1 $0x0  }
0x14: {  	s2 =	sld [smem:$0x3F8B];
	s0 =	simm.s32 @p1 $0x1  }
0x15: {  	[smem:$0x3FA8] =	sst s0;
	s0 =	simm.s32 @!p2 $0x0  }
0x16: {  	s3 =	sld [smem:$0x3FDB];
	s0 =	simm.s32 @p2 $0x1  }
0x17: {  	s4 =	simm.s32 $0x1BF5;
	[smem:$0x3FAA] =	sst s0  }
0x18: {  	s0 =	sld [smem:$0x3F8D];
	_ =	swait.ge [sflag:s4], $0x0  }
0x19: {  	s7 =	sld [smem:$0x3F8E]  }
0x1a: {  	s8 =	sadd.s32 $0xFFFFE003, lr  }
0x1b: {  	s9 =	sadd.s32 $0xFFFFFEF7, lr;
	s5 =	simm.s32 $0xFFFFFFFF;
	p2 =	slt.u32 s8, $0xFFFFF086  }
0x1c: {  	p1 =	slt.u32 s9, $0xF7A;
	s5 =	simm.s32 @!p2 $0x0  }
0x1d: {  	s5 =	simm.s32 @p1 $0x1;
	p0 =	seq.s32 s7, s2  }
0x1e: {  	s7 =	smul.u32 @!p0 $0xF7A, s2;
	p2 =	seq.s32 @!p0 s5, $0x0  }
0x1f: {  	s9 =	smul.u32 $0xF7A, s1;
	s8 =	simm.s32 @!p0 $0x1BF5;
	p2 =	por !p2, p0  }
0x20: {  	[sflag:s8] =	ssyncset.s32 @!p0 $0xFFFFF086;
	s6 =	sadd.s32 @!p0 s3, s7;
	s7 =	simm.s32 @!p0 $0x108  }
0x21: {  	s3 =	sadd.s32 s3, s9;
	s6 =	sadd.s32 @!p0 $0x88, s6;
	s7 =	simm.s32 @p2 $0x1082  }
0x22: {  	[simem:s7], [sflag:s8] =	dma.local @!p0 [hbm:s6], $0xF7A  }
0x23: {  	s9 =	sor.u32 $0xD0000000, s2;
	s6 =	simm.s32 $0x108;
	_ =	swait.ge @!p0 [sflag:s8], $0x0  }
0x24: {  	s3 =	sadd.s32 $0x88, s3;
	s6 =	simm.s32 @!p1 $0x1082;
	[sflag:s4] =	ssyncset.s32 $0xFFFFF086  }
0x25: {  	[simem:s6], [sflag:s4] =	dma.local [hbm:s3], $0xF7A  }
0x26: {  	[smem:$0x3F8E] =	sst s1;
	(tag) =	ssettag s2;
	_ =	strace s9  }
0x27: {  	s1 =	sld [smem:$0x3F9E]  }
0x28: {  	s2 =	sld [smem:$0x3F9F]  }
0x29: {  	s4 =	sld [smem:$0x3FA1]  }
0x2a: {  	p0 =	seq.s32 s5, $0x0;
	s5 =	sld [smem:$0x3FA2]  }
0x2b: {  	s6 =	sld [smem:$0x3FA3]  }
0x2c: {  	s7 =	sld [smem:$0x3FA4]  }
0x2d: {  	s3 =	simm.s32 $0x108;
	s8 =	sld [smem:$0x3FA5]  }
0x2e: {  	s3 =	simm.s32 @!p0 $0x1082;
	s9 =	sld [smem:$0x3FA6]  }
0x2f: {  	lr =	sadd.s32 s0, s3;
	s0 =	sld [smem:$0x3F9D]  }
0x30: {  	s3 =	sld [smem:$0x3FA0]  }
0x31: {  	[smem:$0x3FA9] =	sst s10  }
0x32: {  	s10 =	sld [smem:$0x3FA7];
	_ =	sdelay $0x3  }
0x33: {  	p0 =	seq.s32 s10, $0x1;
	s10 =	sld [smem:$0x3FA9];
	_ =	sdelay $0x3  }
0x34: {  	[smem:$0x3FA9] =	sst s10  }
0x35: {  	s10 =	sld [smem:$0x3FA8];
	_ =	sdelay $0x3  }
0x36: {  	p1 =	seq.s32 s10, $0x1;
	s10 =	sld [smem:$0x3FA9];
	_ =	sdelay $0x3  }
0x37: {  	[smem:$0x3FA9] =	sst s10  }
0x38: {  	s10 =	sld [smem:$0x3FAA]  }
0x39: {  	_ = 	snop;
	(pc) =	sbr.ind lr, $3  }
0x3a: {  	_ = 	snop  }
0x3b: {  	_ = 	snop  }
0x3c: {  	p2 =	seq.s32 s10, $0x1;
	s10 =	sld [smem:$0x3FA9]  }
0x3d: {  	_ =	shalt  }
0x3e: {  	_ =	shalt  }
0x3f: {  	_ =	shalt  }
0x40: {  	_ =	shalt  }
0x41: {  	_ =	shalt  }
0x42: {  	_ =	shalt  }
0x43: {  	_ =	shalt  }
0x44: {  	_ =	shalt  }
0x45: {  	_ =	shalt  }
0x46: {  	_ =	shalt  }
0x47: {  	_ =	shalt  }
0x48: {  	_ =	shalt  }
0x49: {  	_ =	shalt  }
0x4a: {  	_ =	shalt  }
0x4b: {  	_ =	shalt  }
0x4c: {  	_ =	shalt  }
0x4d: {  	_ =	shalt  }
0x4e: {  	_ =	shalt  }
0x4f: {  	_ =	shalt  }
0x50: {  	_ =	shalt  }
0x51: {  	_ =	shalt  }
0x52: {  	_ =	shalt  }
0x53: {  	_ =	shalt  }
0x54: {  	_ =	shalt  }
0x55: {  	_ =	shalt  }
0x56: {  	_ =	shalt  }
0x57: {  	_ =	shalt  }
0x58: {  	_ =	shalt  }
0x59: {  	_ =	shalt  }
0x5a: {  	_ =	shalt  }
0x5b: {  	_ =	shalt  }
0x5c: {  	_ =	shalt  }
0x5d: {  	_ =	shalt  }
0x5e: {  	_ =	shalt  }
0x5f: {  	_ =	shalt  }
0x60: {  	_ =	shalt  }
0x61: {  	_ =	shalt  }
0x62: {  	_ =	shalt  }
0x63: {  	_ =	shalt  }
0x64: {  	_ =	shalt  }
0x65: {  	_ =	shalt  }
0x66: {  	_ =	shalt  }
0x67: {  	_ =	shalt  }
0x68: {  	_ =	shalt  }
0x69: {  	_ =	shalt  }
0x6a: {  	_ =	shalt  }
0x6b: {  	_ =	shalt  }
0x6c: {  	_ =	shalt  }
0x6d: {  	_ =	shalt  }
0x6e: {  	_ =	shalt  }
0x6f: {  	_ =	shalt  }
0x70: {  	_ =	shalt  }
0x71: {  	_ =	shalt  }
0x72: {  	_ =	shalt  }
0x73: {  	_ =	shalt  }
0x74: {  	_ =	shalt  }
0x75: {  	_ =	shalt  }
0x76: {  	_ =	shalt  }
0x77: {  	_ =	shalt  }
0x78: {  	_ =	shalt  }
0x79: {  	_ =	shalt  }
0x7a: {  	_ =	shalt  }
0x7b: {  	_ =	shalt  }
0x7c: {  	_ =	shalt  }
0x7d: {  	_ =	shalt  }
0x7e: {  	_ =	shalt  }
0x7f: {  	_ =	shalt  }
0x80: {  	_ =	shalt  }
0x81: {  	_ =	shalt  }
0x82: {  	_ =	shalt  }
0x83: {  	_ =	shalt  }
0x84: {  	_ =	shalt  }
0x85: {  	_ =	shalt  }
0x86: {  	_ =	shalt  }
0x87: {  	_ =	shalt  }
.Lfunc_end0:
.L_simem_size_0:
called_computation.5_lowered:
.L_overlay_start_0:
0x88: {  	s2 =	sld [smem:$0x3FD9]  }
0x89: {  	s3 =	sld [smem:$0x3FFE];
	_ =	sdelay $0x1  }
0x8a: {  	s1 =	srdreg.scid  }
0x8b: {  	s0 =	sand.u32 $0x1, s1  }
0x8c: {  	s16 =	sshll.u32 s0, $0xA;
	s2 =	sadd.s32 s3, s2  }
0x8d: {  	s2 =	sadd.s32 s2, s16  }
0x8e: {  	[smem:$0x3FB5] =	sst s2  }
0x8f: {  	_ = 	snop  }
0x90: {  	(tm) =	ssettm $0x1  }
0x91: {  	s17 =	sld [smem:$0x3FFB];
	_ =	sdelay $0x3  }
0x92: {  	_ =	strace s17  }
0x93: {  	s2 =	sld [smem:$0x3FFC];
	_ =	sdelay $0x3  }
0x94: {  	_ =	strace s2  }
0x95: {  	s2 =	sld [smem:$0x3FFD];
	_ =	sdelay $0x3  }
0x96: {  	_ =	strace s2  }
0x97: {  	_ =	strace $0x8FFFFFFF  }
0x98: {  	s18 =	sld [smem:$0x3FDB];
	_ =	sdelay $0x1  }
0x99: {  	s19 =	simm.s32 $_scs_section_size  }
0x9a: {  	s4 =	simm.s32 $_size__tile_overlayer_lowered;
	s5 =	simm.s32 $_tile_overlayer_lowered  }
0x9b: {  	s22 =	simm.s32 $0x1BFF;
	s21 =	sshll.u32 s5, $0x1;
	s2 =	sadd.s32 s19, s18  }
0x9c: {  	s6 =	simm.s32 $0x0;
	s20 =	sshll.u32 s4, $0x1;
	s4 =	sadd.s32 s21, s2  }
0x9d: {  	[timem:s6], [sflag:s22] =	dma.local [hbm:s4], s20  }
0x9e: {  	_ =	swait.ge [sflag:s22], s20  }
0x9f: {  	s3 =	ssub.s32 $0x0, s20;
	[sflag:s22] =	ssyncset.done $0x0  }
0xa0: {  	[sflag:s22] =	ssyncadd.s32 s3;
	_ =	sdelay $0x1  }
0xa1: {  	s23 =	simm.s32 $0x1B8B  }
0xa2: {  	_ =	swait.ge [sflag:s23], $0x1  }
0xa3: {  	[sflag:s23] =	ssyncset.done $0x0  }
0xa4: {  	s25 =	simm.s32 $0x1B8E;
	s24 =	sld [smem:$0x3FFE];
	[sflag:s23] =	ssyncadd.s32 $0xFFFFFFFF  }
0xa5: {  	s26 =	simm.s32 $execute0_lowered;
	[smem:$0x3FD2] =	sst s25  }
0xa6: {  	s4 =	sshll.u32 s26, $0x1;
	_ =	strace $0x80000052;
	[dreg:$0x1] =	wrdreg $0xFFFFFFFF  }
0xa7: {  	s28 =	simm.s32 $_size_execute0_lowered;
	s2 =	sadd.s32 s2, s4;
	[dreg:$0x0] =	wrdreg $0x0  }
0xa8: {  	s4 =	sshll.u32 s28, $0x1;
	[dreg:$0x2] =	wrdreg s2  }
0xa9: {  	[dreg:$0x3] =	wrdreg s4  }
0xaa: {  	[dreg:$0x4] =	wrdreg $0xC0  }
0xab: {  	_ =	task [dreg:s6], $0x5FFFF  }
0xac: {  	[dreg:$0x1] =	wrdreg $0xFFFFFFFF  }
0xad: {  	[dreg:$0x0] =	wrdreg $0x60  }
0xae: {  	[dreg:$0x2] =	wrdreg s24  }
0xaf: {  	[dreg:$0x3] =	wrdreg $0x50800  }
0xb0: {  	[dreg:$0x4] =	wrdreg $0xA  }
0xb1: {  	_ =	task.clear_ibuf [dreg:s6], $0x5FFFF;
	_ =	strace $0x90000052  }
0xb2: {  	s29 =	simm.s32 $0xA;
	_ =	strace $0x80000054  }
0xb3: {  	_ =	swait.ge [sflag:s29], $0x1  }
0xb4: {  	[sflag:s29] =	ssyncadd.s32 $0xFFFFFFFF  }
0xb5: {  	_ =	strace $0x90000054  }
0xb6: {  	_ =	sfence  }
0xb7: {  	s30 =	sld [smem:$0x0];
	_ =	sdelay $0x2  }
0xb8: {  	s31 =	sshll.u32 s1, $0xD;
	s1 =	sshrl.u32 s1, $0x2  }
0xb9: {  	s3 =	sand.u32 $0x4000, s31;
	s1 =	sadd.s32 s1, s30  }
0xba: {  	s0 =	sor.u32 s3, s0;
	s1 =	sshll.u32 s1, $0x11  }
0xbb: {  	s0 =	sor.u32 s1, s0  }
0xbc: {  	s0 =	sadd.s32 $0x8F2B, s0  }
0xbd: {  	[sflag:s0] =	ssyncadd.remote.s32 $0x1  }
0xbe: {  	_ =	sfence.sel $0xFFFF  }
0xbf: {  	[dreg:$0x0] =	wrdreg $0xFFFFFFFF;
	(pc) =	sbr.abs _section_cstart, $3  }
0xc0: {  	[dreg:$0x1] =	wrdreg $0xFFFFFFFF  }
0xc1: {  	_ =	task.clear_ibuf [dreg:s6], $0x2FFFF;
	_ =	strace $0x9FFFFFFF  }
0xc2: {  	(tm) =	ssettm $0x7FFFFFFF  }
0xc3: {  	_ =	shalt  }
tec
execute0_lowered:
.L_overlay_start_1:
0x0: {  	(tag) =	ssettag $0x1  }
0x1: {  	s0 =	srdreg.scid  }
0x2: {  	s5 =	sand.u32 $0x1, s0  }
0x3: {  	s6 =	smul.u32 $0x271000, s5  }
0x4: {  	s0 =	stileid.u32;
	s7 =	smul.u32 $0x27100, s5  }
0x5: {  	s8 =	smul.u32 $0x2710, s0  }
0x6: {  	s29 =	smul.u32 $0xA000, s0  }
0x7: {  	s9 =	sor.u32 $0x10, s0;
	s25 =	smul.u32 $0x500, s0  }
0x8: {  	s11 =	sor.u32 $0x20, s0;
	s10 =	smul.u32 $0xA000, s9  }
0x9: {  	s13 =	sor.u32 $0x30, s0;
	s30 =	smul.u32 $0xA000, s11  }
0xa: {  	s16 =	sor.u32 $0x40, s0;
	s15 =	smul.u32 $0xA000, s13  }
0xb: {  	s4 =	rddreg [dreg:$0x0];
	s18 =	sor.u32 $0x50, s0;
	s17 =	smul.u32 $0xA000, s16  }
0xc: {  	s1 =	rddreg [dreg:$0x1];
	s20 =	sor.u32 $0x60, s0;
	s19 =	smul.u32 $0xA000, s18  }
0xd: {  	s3 =	simm.s32 $0x0;
	s22 =	sor.u32 $0x70, s0;
	s21 =	smul.u32 $0xA000, s20  }
0xe: {  	[smem:$0x7FF] =	sst s3;
	s5 =	ssub.s32 $0x2, s5;
	s23 =	smul.u32 $0xA000, s22  }
0xf: {  	_ =	strace $0x80000053;
	s31 =	sshrl.u32 s5, $0x1;
	s28 =	smul.u32 $0x500, s11  }
0x10: {  	p0 =	sgt.u32 s22, $0x7C;
	s12 =	sadd.s32 s6, s4;
	s26 =	sadd.s32 s8, s7  }
0x11: {  	s5 =	ssub.s32 s5, s31;
	s2 =	sshrl.u32 s29, $0x2;
	s29 =	smul.u32 $0x500, s13  }
0x12: {  	s31 =	smul.u32 $0x500, s18;
	s6 =	sshrl.u32 s26, $0x3;
	s8 =	sshrl.u32 s10, $0x2  }
0x13: {  	s10 =	sshrl.u32 s30, $0x2;
	s26 =	smul.u32 $0x500, s9;
	s11 =	sshrl.u32 s15, $0x2  }
0x14: {  	s15 =	sshrl.u32 s17, $0x2;
	s30 =	smul.u32 $0x500, s16;
	s17 =	sshrl.u32 s19, $0x2  }
0x15: {  	s19 =	sshrl.u32 s21, $0x2;
	s21 =	smul.u32 $0x27100, s0;
	s0 =	sshrl.u32 s23, $0x2  }
0x16: {  	s16 =	simm.s32 $0x1;
	s14 =	sadd.s32 s6, s4;
	s4 =	sadd.s32 s7, s4  }
0x17: {  	s6 =	sadd.s32 s8, s1;
	s7 =	sadd.s32 s10, s1;
	s8 =	sadd.s32 s11, s1  }
0x18: {  	s9 =	sadd.s32 s15, s1;
	s10 =	sadd.s32 s17, s1;
	s11 =	sadd.s32 s19, s1  }
0x19: {  	s15 =	simm.s32 $0x2880;
	s24 =	sadd.s32 $0x19000, s4;
	s4 =	smax.u32 s5, $0x1  }
0x1a: {  	s5 =	sadd.s32 s2, s1;
	s2 =	smul.u32 $0x500, s20;
	s13 =	sadd.s32 s21, s12  }
0x1b: {  	s12 =	sadd.s32 s0, s1;
	s0 =	smul.u32 $0x500, s22;
	s14 =	sadd.s32 $0xF200, s14  }
0x1c: {  	s13 =	sadd.s32 $0xF82800, s13;
	s17 =	sadd.s32 s25, s24;
	s18 =	sadd.s32 s26, s24  }
0x1d: {  	s19 =	sadd.s32 s28, s24;
	s20 =	sadd.s32 s29, s24;
	s21 =	sadd.s32 s30, s24  }
0x1e: {  	s22 =	sadd.s32 s31, s24;
	s25 =	simm.s32 $0x80;
	s26 =	simm.s32 $0x50  }
0x1f: {  	v0 =	vimm.f32 $0.0e+00;
	s28 =	simm.s32 $0x0;
	s23 =	sadd.s32 s2, s24;
	s24 =	sadd.s32 @!p0 s0, s24  }
.LBB2_1:
0x20: {  	s29 =	simm.s32 $0x200;
	s30 =	simm.s32 $0x0  }
.LBB2_2:
0x21: {  	p1 =	sne.s32 s29, $0x9E00;
	[tilespmem:s30+$0x2880] =	vst v0;
	s0 =	smov.u32 s29;
	s29 =	sadd.s32 $0x200, s29  }
.Ltmp0:
0x22: {  	(pc) =	sbr.rel @p1 .LBB2_2-.Ltmp0, $2  }
0x23: {  	_ =	sdelay $0x2  }
0x24: {  	s30 =	sshra.s32 s0, $0x2  }
0x25: {  	[tilespmem:s30+$0x2880] =	vst v0  }
0x26: {  	[spmem:s5] =	stream.linear.scatter [tilespmem:s15], [sflag:$0x1], $0x2800, $0x38;
	[tilespmem:$0x7790] =	vst v63  }
0x27: {  	_ =	swait.ge [sflag:s16], $0x2800  }
0x28: {  	[sflag:s16] =	ssyncset.done $0x0  }
0x29: {  	[sflag:s16] =	ssyncadd.s32 $0xFFFFD800  }
0x2a: {  	[spmem:s6] =	stream.linear.scatter [tilespmem:s15], [sflag:$0x1], $0x2800, $0x38;
	[tilespmem:$0x7790] =	vst v63  }
0x2b: {  	_ =	swait.ge [sflag:s16], $0x2800  }
0x2c: {  	[sflag:s16] =	ssyncset.done $0x0  }
0x2d: {  	[sflag:s16] =	ssyncadd.s32 $0xFFFFD800  }
0x2e: {  	[spmem:s7] =	stream.linear.scatter [tilespmem:s15], [sflag:$0x1], $0x2800, $0x38;
	[tilespmem:$0x7790] =	vst v63  }
0x2f: {  	_ =	swait.ge [sflag:s16], $0x2800  }
0x30: {  	[sflag:s16] =	ssyncset.done $0x0  }
0x31: {  	[sflag:s16] =	ssyncadd.s32 $0xFFFFD800  }
0x32: {  	[spmem:s8] =	stream.linear.scatter [tilespmem:s15], [sflag:$0x1], $0x2800, $0x38;
	[tilespmem:$0x7790] =	vst v63  }
0x33: {  	_ =	swait.ge [sflag:s16], $0x2800  }
0x34: {  	[sflag:s16] =	ssyncset.done $0x0  }
0x35: {  	[sflag:s16] =	ssyncadd.s32 $0xFFFFD800  }
0x36: {  	[spmem:s9] =	stream.linear.scatter [tilespmem:s15], [sflag:$0x1], $0x2800, $0x38;
	[tilespmem:$0x7790] =	vst v63  }
0x37: {  	_ =	swait.ge [sflag:s16], $0x2800  }
0x38: {  	[sflag:s16] =	ssyncset.done $0x0  }
0x39: {  	[sflag:s16] =	ssyncadd.s32 $0xFFFFD800  }
0x3a: {  	[spmem:s10] =	stream.linear.scatter [tilespmem:s15], [sflag:$0x1], $0x2800, $0x38;
	[tilespmem:$0x7790] =	vst v63  }
0x3b: {  	_ =	swait.ge [sflag:s16], $0x2800  }
0x3c: {  	[sflag:s16] =	ssyncset.done $0x0  }
0x3d: {  	[sflag:s16] =	ssyncadd.s32 $0xFFFFD800  }
0x3e: {  	[spmem:s11] =	stream.linear.scatter [tilespmem:s15], [sflag:$0x1], $0x2800, $0x38;
	[tilespmem:$0x7790] =	vst v63  }
0x3f: {  	_ =	swait.ge [sflag:s16], $0x2800  }
0x40: {  	[sflag:s16] =	ssyncset.done $0x0  }
0x41: {  	s0 =	simm.s32 @!p0 $0x2880;
	[sflag:s16] =	ssyncadd.s32 $0xFFFFD800  }
0x42: {  	[spmem:s12] =	stream.linear.scatter @!p0 [tilespmem:s0], [sflag:$0x1], $0x2800, $0x38;
	[tilespmem:$0x7790] =	vst v63  }
0x43: {  	s0 =	simm.s32 @!p0 $0x1  }
0x44: {  	_ =	swait.ge @!p0 [sflag:s0], $0x2800  }
0x45: {  	[sflag:s0] =	ssyncset.done @!p0 $0x0  }
0x46: {  	[sflag:s0] =	ssyncadd.s32 @!p0 $0xFFFFD800  }
0x47: {  	s2 =	sadd.s32 $0x0, s14;
	[bflag:$0x0] =	sbarrier.arrive $0xFFFF  }
0x48: {  	[tilespmem:s3], [sflag:$0x1] =	stream.linear.gather [hbm4b:s2+s3], $0x50, $0x38;
	[tilespmem:$0x7790] =	vst v63  }
0x49: {  	_ =	swait.ge [sflag:s16], $0x50  }
0x4a: {  	[sflag:s16] =	ssyncset.done $0x0  }
0x4b: {  	[sflag:s16] =	ssyncadd.s32 $0xFFFFFFB0  }
0x4c: {  	[tilespmem:s25], [sflag:$0x1] =	stream.linear.gather [hbm4b:s13+s3], $0x2800, $0x38;
	[tilespmem:$0x7790] =	vst v63  }
0x4d: {  	_ =	swait.ge [sflag:s16], $0x2800  }
0x4e: {  	[sflag:s16] =	ssyncset.done $0x0  }
0x4f: {  	[sflag:s16] =	ssyncadd.s32 $0xFFFFD800  }
0x50: {  	[spmem:s1] =	stream.indirect.scatter.add.f32 [tilespmem:s25], [sflag:$0x1], $0x10, s3, s26, $0xb8;
	[tilespmem:$0x7790] =	vst v63  }
0x51: {  	s30 =	simm.s32 $0xA;
	_ =	swait.ge [sflag:s16], $0x500  }
0x52: {  	s31 =	simm.s32 $0x14;
	s29 =	sadd.s32 $0x500, s13;
	[sflag:s16] =	ssyncset.done $0x0  }
.LBB2_4:
0x53: {  	s0 =	sadd.s32 s30, s14  }
0x54: {  	[sflag:s16] =	ssyncadd.s32 $0xFFFFFB00;
	s30 =	smov.u32 s31;
	s2 =	sadd.s32 $0xA, s31  }
0x55: {  	[tilespmem:s3], [sflag:$0x1] =	stream.linear.gather [hbm4b:s0+s3], $0x50, $0x38;
	[tilespmem:$0x7790] =	vst v63  }
0x56: {  	p1 =	sne.s32 s31, $0x4D8;
	_ =	swait.ge [sflag:s16], $0x50  }
0x57: {  	[sflag:s16] =	ssyncset.done $0x0  }
0x58: {  	[sflag:s16] =	ssyncadd.s32 $0xFFFFFFB0  }
0x59: {  	[tilespmem:s25], [sflag:$0x1] =	stream.linear.gather [hbm4b:s29+s3], $0x2800, $0x38;
	[tilespmem:$0x7790] =	vst v63  }
0x5a: {  	_ =	swait.ge [sflag:s16], $0x2800  }
.Ltmp1:
0x5b: {  	[sflag:s16] =	ssyncset.done $0x0;
	(pc) =	sbr.rel @p1 .LBB2_4-.Ltmp1, $4  }
0x5c: {  	[sflag:s16] =	ssyncadd.s32 $0xFFFFD800  }
0x5d: {  	[spmem:s1] =	stream.indirect.scatter.add.f32 [tilespmem:s25], [sflag:$0x1], $0x10, s3, s26, $0xb8;
	[tilespmem:$0x7790] =	vst v63  }
0x5e: {  	_ =	swait.ge [sflag:s16], $0x500  }
0x5f: {  	s31 =	smov.u32 s2;
	s29 =	sadd.s32 $0x500, s29;
	[sflag:s16] =	ssyncset.done $0x0  }
0x60: {  	s0 =	sadd.s32 s30, s14;
	[sflag:s16] =	ssyncadd.s32 $0xFFFFFB00  }
0x61: {  	[tilespmem:s3], [sflag:$0x1] =	stream.linear.gather [hbm4b:s0+s3], $0x50, $0x38;
	[tilespmem:$0x7790] =	vst v63  }
0x62: {  	_ =	swait.ge [sflag:s16], $0x50  }
0x63: {  	[sflag:s16] =	ssyncset.done $0x0  }
0x64: {  	[sflag:s16] =	ssyncadd.s32 $0xFFFFFFB0  }
0x65: {  	[tilespmem:s25], [sflag:$0x1] =	stream.linear.gather [hbm4b:s29+s3], $0x2800, $0x38;
	[tilespmem:$0x7790] =	vst v63  }
0x66: {  	_ =	swait.ge [sflag:s16], $0x2800  }
0x67: {  	[sflag:s16] =	ssyncset.done $0x0  }
0x68: {  	[sflag:s16] =	ssyncadd.s32 $0xFFFFD800  }
0x69: {  	[spmem:s1] =	stream.indirect.scatter.add.f32 [tilespmem:s25], [sflag:$0x1], $0x10, s3, s26, $0xb8;
	[tilespmem:$0x7790] =	vst v63  }
0x6a: {  	_ =	swait.ge [sflag:s16], $0x500  }
0x6b: {  	s2 =	stileid.u32;
	[sflag:s16] =	ssyncset.done $0x0  }
0x6c: {  	s0 =	sshll.u32 s2, $0x6;
	[sflag:s16] =	ssyncadd.s32 $0xFFFFFB00  }
0x6d: {  	s2 =	sshrl.u32 s5, $0x3;
	s0 =	sor.u32 $0x1C01, s0;
	[bflag:$0x0] =	sbarrier.arrive $0xFFFF  }
0x6e: {  	[hbm:s17], [sflag:s0] =	dma.local [spmem:s2], $0x500  }
0x6f: {  	_ =	swait.ge [sflag:s16], $0x500  }
0x70: {  	[sflag:s16] =	ssyncset.done $0x0  }
0x71: {  	s29 =	sshrl.u32 s6, $0x3;
	[sflag:s16] =	ssyncadd.s32 $0xFFFFFB00  }
0x72: {  	[hbm:s18], [sflag:s0] =	dma.local [spmem:s29], $0x500  }
0x73: {  	_ =	swait.ge [sflag:s16], $0x500  }
0x74: {  	[sflag:s16] =	ssyncset.done $0x0  }
0x75: {  	s30 =	sshrl.u32 s7, $0x3;
	[sflag:s16] =	ssyncadd.s32 $0xFFFFFB00  }
0x76: {  	[hbm:s19], [sflag:s0] =	dma.local [spmem:s30], $0x500  }
0x77: {  	_ =	swait.ge [sflag:s16], $0x500  }
0x78: {  	[sflag:s16] =	ssyncset.done $0x0  }
0x79: {  	s31 =	sshrl.u32 s8, $0x3;
	[sflag:s16] =	ssyncadd.s32 $0xFFFFFB00  }
0x7a: {  	[hbm:s20], [sflag:s0] =	dma.local [spmem:s31], $0x500  }
0x7b: {  	_ =	swait.ge [sflag:s16], $0x500  }
0x7c: {  	[sflag:s16] =	ssyncset.done $0x0  }
0x7d: {  	s29 =	sshrl.u32 s9, $0x3;
	[sflag:s16] =	ssyncadd.s32 $0xFFFFFB00  }
0x7e: {  	[hbm:s21], [sflag:s0] =	dma.local [spmem:s29], $0x500  }
0x7f: {  	_ =	swait.ge [sflag:s16], $0x500  }
0x80: {  	[sflag:s16] =	ssyncset.done $0x0  }
0x81: {  	s30 =	sshrl.u32 s10, $0x3;
	[sflag:s16] =	ssyncadd.s32 $0xFFFFFB00  }
0x82: {  	[hbm:s22], [sflag:s0] =	dma.local [spmem:s30], $0x500  }
0x83: {  	_ =	swait.ge [sflag:s16], $0x500  }
0x84: {  	[sflag:s16] =	ssyncset.done $0x0  }
0x85: {  	s31 =	sshrl.u32 s11, $0x3;
	[sflag:s16] =	ssyncadd.s32 $0xFFFFFB00  }
0x86: {  	[hbm:s23], [sflag:s0] =	dma.local [spmem:s31], $0x500  }
0x87: {  	_ =	swait.ge [sflag:s16], $0x500  }
0x88: {  	s28 =	sadd.s32 $0x1, s28;
	[sflag:s16] =	ssyncset.done $0x0  }
0x89: {  	p1 =	sne.s32 s28, s4;
	s2 =	sshrl.u32 @!p0 s12, $0x3;
	[sflag:s16] =	ssyncadd.s32 $0xFFFFFB00  }
0x8a: {  	[hbm:s24], [sflag:s0] =	dma.local @!p0 [spmem:s2], $0x500  }
.Ltmp2:
0x8b: {  	_ = 	snop;
	(pc) =	sbr.rel @p1 .LBB2_1-.Ltmp2, $4  }
0x8c: {  	s0 =	simm.s32 @!p0 $0x1  }
0x8d: {  	_ =	swait.ge @!p0 [sflag:s0], $0x500  }
0x8e: {  	[sflag:s0] =	ssyncset.done @!p0 $0x0  }
0x8f: {  	[sflag:s0] =	ssyncadd.s32 @!p0 $0xFFFFFB00  }
0x90: {  	_ =	sfence.sel $0x180000  }
0x91: {  	[bflag:$0x0] =	sbarrier.arrive $0xFFFF  }
0x92: {  	_ =	strace $0x90000053  }
0x93: {  	s0 =	stileid.u32;
	[bflag:$0x2] =	sbarrier.arrive $0xFFFF  }
0x94: {  	p0 =	sne.s32 s0, $0x0;
	s0 =	rddreg [dreg:$0x2]  }
0x95: {  	s0 =	sadd.s32 @!p0 $0x100000, s0  }
0x96: {  	[sflag:s0] =	ssyncadd.tile.s32 @!p0 $0x1;
	_ =	shalt  }
.Lfunc_end2:
_tile_overlayer_lowered:
.L_overlay_start_2:
0x97: {  	(tag) =	ssettag $0x2  }
0x98: {  	s0 =	rddreg [dreg:$0x0];
	s2 =	stileid.u32  }
0x99: {  	s1 =	rddreg [dreg:$0x1];
	p0 =	sne.s32 s2, $0x0  }
0x9a: {  	s3 =	rddreg [dreg:$0x2];
	[bflag:$0x3] =	sbarrier.arrive $0xFFFF;
	s2 =	simm.s32 @!p0 $0x1C01  }
0x9b: {  	[timem:s3], [sflag:s2] =	dma.local @!p0 [hbm:s0], s1  }
0x9c: {  	s0 =	simm.s32 @!p0 $0x1  }
0x9d: {  	_ =	swait.ge @!p0 [sflag:s0], s1  }
0x9e: {  	s1 =	ssub.s32 @!p0 $0x0, s1;
	[sflag:s0] =	ssyncset.done @!p0 $0x0  }
0x9f: {  	[sflag:s0] =	ssyncadd.s32 @!p0 s1  }
0xa0: {  	[bflag:$0x3] =	sbarrier.arrive $0xFFFF  }
0xa1: {  	_ =	shalt  }

</sc_bundles>
